<compile_context>
chip_gen: v7x
topology: tpu7x:2x2x1
jax: 0.10.2.dev20260603
libtpu: 0.0.44.dev20260713+nightly
codegen_flags: <defaults>
</compile_context>

<pallas_src>
import jax
import jax.numpy as jnp
from jax import lax
from jax.experimental import pallas as pl
from jax.experimental.pallas import tpu as pltpu
from jax.experimental.pallas import tpu_sc as plsc

NC = 2
NS = 16
NL = 16
PAD = 32
CHUNK = 128
IDXG = 8
K = 4


def _dense_pre(x, W_l, b_l, W_r):
    n, d = x.shape
    d2 = d + PAD
    blk = 1000
    grid = n // blk

    def body(x_ref, wl_ref, wr_ref, b_ref, h2_ref, r_ref):
        xb = x_ref[...]
        dn = (((1,), (1,)), ((), ()))
        h = lax.dot_general(xb, wl_ref[...], dn)
        lane = lax.broadcasted_iota(jnp.int32, (blk, PAD), 1)
        tail = jnp.where(lane == 0, 1.0, 0.0).astype(jnp.float32)
        h2_ref[...] = jnp.concatenate([h, tail], axis=1).astype(jnp.bfloat16)
        r_ref[...] = lax.dot_general(xb, wr_ref[...], dn) + b_ref[...]

    h2, r = pl.pallas_call(
        body,
        grid=(grid,),
        in_specs=[
            pl.BlockSpec((blk, d), lambda i: (i, 0)),
            pl.BlockSpec((d, d), lambda i: (0, 0)),
            pl.BlockSpec((d, d), lambda i: (0, 0)),
            pl.BlockSpec((1, d), lambda i: (0, 0)),
        ],
        out_specs=[
            pl.BlockSpec((blk, d2), lambda i: (i, 0)),
            pl.BlockSpec((blk, d), lambda i: (i, 0)),
        ],
        out_shape=[
            jax.ShapeDtypeStruct((n, d2), jnp.bfloat16),
            jax.ShapeDtypeStruct((n, d), jnp.float32),
        ],
    )(x, W_l, W_r, b_l.reshape(1, d))
    return h2, r


def _sc_aggregate(h2, src2d, dst2d, npt, nr):
    d2 = h2.shape[1]
    nb = npt // IDXG
    assert nb >= 4 and nb % 2 == 0 and IDXG % K == 0

    def body(h2_hbm, src_hbm, dst_hbm, zagg_hbm, agg_out,
             srcb0, dstb0, srcb1, dstb1, rows0, rows1, rows2, rows3, agg_sh,
             gsem0, gsem1, gsem2, gsem3, ssem0, ssem1, ssem2, ssem3,
             isem0, isem1):
        cid = lax.axis_index("c")
        sid = lax.axis_index("s")
        wid = cid * NS + sid
        row0 = wid * npt

        rpt = nr // NS
        r0 = sid * rpt
        pltpu.sync_copy(zagg_hbm.at[pl.ds(r0, rpt)],
                        agg_sh.at[pl.ds(r0, rpt)])
        plsc.subcore_barrier()

        srcb = (srcb0, srcb1)
        dstb = (dstb0, dstb1)
        rows = (rows0, rows1, rows2, rows3)
        gsem = (gsem0, gsem1, gsem2, gsem3)
        ssem = (ssem0, ssem1, ssem2, ssem3)
        isem = (isem0, isem1)

        def idx_load(b, p, sync=False):
            if sync:
                pltpu.sync_copy(src_hbm.at[pl.ds(row0 + b * IDXG, IDXG)], srcb[p])
                pltpu.sync_copy(dst_hbm.at[pl.ds(row0 + b * IDXG, IDXG)], dstb[p])
            else:
                pltpu.async_copy(src_hbm.at[pl.ds(row0 + b * IDXG, IDXG)],
                                 srcb[p], isem[p])
                pltpu.async_copy(dst_hbm.at[pl.ds(row0 + b * IDXG, IDXG)],
                                 dstb[p], isem[p])

        def idx_wait(p):
            pltpu.make_async_copy(src_hbm.at[pl.ds(row0, IDXG)],
                                  srcb[p], isem[p]).wait()
            pltpu.make_async_copy(dst_hbm.at[pl.ds(row0, IDXG)],
                                  dstb[p], isem[p]).wait()

        def gather(k, p, g):
            pltpu.async_copy(h2_hbm.at[srcb[p].at[g]], rows[k], gsem[k])

        def gather_wait(k):
            pltpu.make_async_copy(h2_hbm.at[pl.ds(0, CHUNK)],
                                  rows[k], gsem[k]).wait()

        def scatter(k, p, g):
            pltpu.async_copy(rows[k], agg_sh.at[dstb[p].at[g]], ssem[k],
                             add=True)

        def scatter_wait(k):
            pltpu.make_async_copy(h2_hbm.at[pl.ds(0, CHUNK)],
                                  rows[k], ssem[k]).wait()

        def block_step(b, p, g, first_block):
            k = g % K
            kprev = (g - 1) % K
            if not (first_block and g == 0):
                scatter_wait(kprev)
            if g == 0:
                idx_load(b + 1, 1 - p)
            if g + K - 1 < IDXG:
                gather(kprev, p, g + K - 1)
            else:
                if g == IDXG - K + 1:
                    idx_wait(1 - p)
                gather(kprev, 1 - p, g + K - 1 - IDXG)
            gather_wait(k)
            scatter(k, p, g)

        idx_load(0, 0, sync=True)
        for k in range(K - 1):
            gather(k, 0, k)
        for g in range(IDXG):
            block_step(0, 0, g, True)
        for g in range(IDXG):
            block_step(1, 1, g, False)

        @pl.loop(0, (nb - 2) // 2)
        def _(b2):
            b = 2 + 2 * b2
            for g in range(IDXG):
                block_step(b, 0, g, False)
            for g in range(IDXG):
                block_step(b + 1, 1, g, False)

        for k in range(K - 1):
            gather_wait(k)
        scatter_wait(K - 1)
        plsc.subcore_barrier()
        pltpu.sync_copy(agg_sh.at[pl.ds(r0, rpt)],
                        agg_out.at[cid, pl.ds(r0, rpt)])

    mesh = plsc.VectorSubcoreMesh(core_axis_name="c", subcore_axis_name="s",
                                  num_cores=NC, num_subcores=NS)
    zagg = jnp.zeros((nr, d2), jnp.bfloat16)
    dma = pltpu.SemaphoreType.DMA
    return pl.kernel(
        body,
        out_type=jax.ShapeDtypeStruct((NC, nr, d2), jnp.bfloat16),
        mesh=mesh,
        compiler_params=pltpu.CompilerParams(use_tc_tiling_on_sc=False),
        scratch_types=[
            pltpu.VMEM((IDXG, CHUNK), jnp.int32),
            pltpu.VMEM((IDXG, CHUNK), jnp.int32),
            pltpu.VMEM((IDXG, CHUNK), jnp.int32),
            pltpu.VMEM((IDXG, CHUNK), jnp.int32),
            pltpu.VMEM((CHUNK, d2), jnp.bfloat16),
            pltpu.VMEM((CHUNK, d2), jnp.bfloat16),
            pltpu.VMEM((CHUNK, d2), jnp.bfloat16),
            pltpu.VMEM((CHUNK, d2), jnp.bfloat16),
            pltpu.VMEM_SHARED((nr, d2), jnp.bfloat16),
            dma, dma, dma, dma, dma, dma, dma, dma, dma, dma,
        ],
    )(h2, src2d, dst2d, zagg)


def _post(agg, r):
    n, d = r.shape
    blk = 1000
    grid = n // blk

    d2 = d + PAD

    def body(a0, a1, r_ref, o_ref):
        cnt = (a0[0, :, d:d + 1] + a1[0, :, d:d + 1]).astype(jnp.float32)
        denom = jnp.maximum(cnt, 1.0)
        s = a0[0, :, :d].astype(jnp.float32) + a1[0, :, :d].astype(jnp.float32)
        o_ref[...] = s / denom + r_ref[...]

    return pl.pallas_call(
        body,
        grid=(grid,),
        in_specs=[
            pl.BlockSpec((1, blk, d2), lambda i: (0, i, 0)),
            pl.BlockSpec((1, blk, d2), lambda i: (1, i, 0)),
            pl.BlockSpec((blk, d), lambda i: (i, 0)),
        ],
        out_specs=pl.BlockSpec((blk, d), lambda i: (i, 0)),
        out_shape=jax.ShapeDtypeStruct((n, d), jnp.float32),
    )(agg, agg, r)


def kernel(x, edge_index, W_l, b_l, W_r):
    n, d = x.shape
    e = edge_index.shape[1]
    src = edge_index[0].astype(jnp.int32)
    dst = edge_index[1].astype(jnp.int32)

    nw = NC * NS
    npt = -(-e // (nw * CHUNK * 2 * IDXG)) * 2 * IDXG
    ep = nw * npt * CHUNK
    nr = -(-(n + 1) // (NS * 8)) * NS * 8

    pad = ep + IDXG * CHUNK - e
    src_p = jnp.concatenate([src, jnp.zeros((pad,), jnp.int32)])
    dst_p = jnp.concatenate([dst, jnp.full((pad,), n, jnp.int32)])
    src2d = src_p.reshape(nw * npt + IDXG, CHUNK)
    dst2d = dst_p.reshape(nw * npt + IDXG, CHUNK)

    h2, r = _dense_pre(x, W_l, b_l, W_r)
    agg = _sc_aggregate(h2, src2d, dst2d, npt, nr)
    out = _post(agg, r)
    return out

# --- scband reference (transcript-rebuilt; emitter-appended) ---
"""Pipeline reference for scband-sagelayer-12635793785118 (READ-ONLY COPY).

The authoritative reference and input builder live on the scoring server;
editing this copy changes nothing except your own understanding.
"""

import jax, jax.numpy as jnp
import numpy as np

N_NODES = 10000
N_EDGES = 320000
D_IN = 128
D_OUT = 128

def setup_inputs(seed: int = 0) -> dict:
    key = jax.random.key(seed)
    k1, k2, k3, k4, k5 = jax.random.split(key, 5)
    x = jax.random.normal(k1, (N_NODES, D_IN), dtype=jnp.float32)
    edge_index = jax.random.randint(k2, (2, N_EDGES), 0, N_NODES, dtype=jnp.int64)
    # PyG SAGEConv params: lin_l (neighbor aggregation, with bias) and lin_r (root, no bias)
    bound_l = 1.0 / np.sqrt(D_IN)
    W_l = jax.random.uniform(k3, (D_OUT, D_IN), dtype=jnp.float32, minval=-bound_l, maxval=bound_l)
    b_l = jax.random.uniform(k4, (D_OUT,), dtype=jnp.float32, minval=-bound_l, maxval=bound_l)
    W_r = jax.random.uniform(k5, (D_OUT, D_IN), dtype=jnp.float32, minval=-bound_l, maxval=bound_l)
    return {"x": x, "edge_index": edge_index, "W_l": W_l, "b_l": b_l, "W_r": W_r}

def reference(x, edge_index, W_l, b_l, W_r):
    # SAGELayer with last=True: out = SAGEConv(x, edge_index) (no act/dropout on output)
    # PyG SAGEConv (aggr='mean'): out = lin_l(mean_{j in N(i)} x_j) + lin_r(x_i)
    src = edge_index[0]
    dst = edge_index[1]
    msg = jnp.take(x, src, axis=0)                      # gather x_j over edges
    agg = jax.ops.segment_sum(msg, dst, num_segments=N_NODES)   # scatter-add by dst
    cnt = jax.ops.segment_sum(jnp.ones((msg.shape[0],), dtype=x.dtype), dst, num_segments=N_NODES)
    mean = agg / jnp.clip(cnt, 1.0, None)[:, None]
    out = mean @ W_l.T + b_l + x @ W_r.T
    return out

if __name__ == "__main__":
    import jax
    _d = setup_inputs()
    print(jax.jit(kernel)(*tuple(_d.values())))

</pallas_src>

<mosaic_0001>
#map = affine_map<(d0, d1) -> (0, 0)>
#map1 = affine_map<(d0, d1) -> (0, 0, 0)>
module attributes {stable_mosaic.version = 14 : i64} {
  func.func @body(%arg0: i32, %arg1: i32, %arg2: memref<10000x160xbf16, #tpu.memory_space<hbm>>, %arg3: memref<2568x128xi32, #tpu.memory_space<hbm>>, %arg4: memref<2568x128xi32, #tpu.memory_space<hbm>>, %arg5: memref<10112x160xbf16, #tpu.memory_space<hbm>>, %arg6: memref<2x10112x160xbf16, #tpu.memory_space<hbm>>, %arg7: memref<8x128xi32, #tpu.memory_space<vmem>>, %arg8: memref<8x128xi32, #tpu.memory_space<vmem>>, %arg9: memref<8x128xi32, #tpu.memory_space<vmem>>, %arg10: memref<8x128xi32, #tpu.memory_space<vmem>>, %arg11: memref<128x160xbf16, #tpu.memory_space<vmem>>, %arg12: memref<128x160xbf16, #tpu.memory_space<vmem>>, %arg13: memref<128x160xbf16, #tpu.memory_space<vmem>>, %arg14: memref<128x160xbf16, #tpu.memory_space<vmem>>, %arg15: memref<10112x160xbf16, #tpu.memory_space<vmem_shared>>, %arg16: memref<!tpu.dma_semaphore, #tpu.memory_space<semaphore_mem>>, %arg17: memref<!tpu.dma_semaphore, #tpu.memory_space<semaphore_mem>>, %arg18: memref<!tpu.dma_semaphore, #tpu.memory_space<semaphore_mem>>, %arg19: memref<!tpu.dma_semaphore, #tpu.memory_space<semaphore_mem>>, %arg20: memref<!tpu.dma_semaphore, #tpu.memory_space<semaphore_mem>>, %arg21: memref<!tpu.dma_semaphore, #tpu.memory_space<semaphore_mem>>, %arg22: memref<!tpu.dma_semaphore, #tpu.memory_space<semaphore_mem>>, %arg23: memref<!tpu.dma_semaphore, #tpu.memory_space<semaphore_mem>>, %arg24: memref<!tpu.dma_semaphore, #tpu.memory_space<semaphore_mem>>, %arg25: memref<!tpu.dma_semaphore, #tpu.memory_space<semaphore_mem>>) attributes {dimension_semantics = [#tpu.dimension_semantics<core_parallel>, #tpu.dimension_semantics<subcore_parallel>], iteration_bounds = array<i64: 2, 16>, scalar_prefetch = 0 : i64, scratch_operands = 19 : i64, tpu.core_type = #tpu.core_type<sc_vector_subcore>, window_params = [{transform_indices = #map}, {transform_indices = #map}, {transform_indices = #map}, {transform_indices = #map}, {transform_indices = #map1}]} {
    %mul3A = arith.constant 16 : i32
    %mul3A_0 = arith.muli %arg0, %mul3A : i32
    %add3A = arith.addi %mul3A_0, %arg1 : i32
    %mul3A_1 = arith.constant 80 : i32
    %mul3A_2 = arith.muli %add3A, %mul3A_1 : i32
    %mul3A_3 = arith.constant 632 : i32
    %mul3A_4 = arith.muli %arg1, %mul3A_3 : i32
    "tpu.region"() ({
      %run_scoped3A = tpu.sem_alloc : memref<!tpu.dma_semaphore, #tpu.memory_space<semaphore_mem>>
      %dma_start3A_507 = arith.constant 0 : i32
      %dma_start3A_508 = tpu.memref_slice %arg15[%mul3A_4, %dma_start3A_507] : memref<10112x160xbf16, #tpu.memory_space<vmem_shared>> -> memref<632x160xbf16, #tpu.memory_space<vmem_shared>>
      %dma_start3A_509 = arith.constant 0 : i32
      %dma_start3A_510 = tpu.memref_slice %arg5[%mul3A_4, %dma_start3A_509] : memref<10112x160xbf16, #tpu.memory_space<hbm>> -> memref<632x160xbf16, #tpu.memory_space<hbm>>
      tpu.enqueue_dma source(%dma_start3A_510 : memref<632x160xbf16, #tpu.memory_space<hbm>>) target(%dma_start3A_508 : memref<632x160xbf16, #tpu.memory_space<vmem_shared>>) target_semaphore(%run_scoped3A : memref<!tpu.dma_semaphore, #tpu.memory_space<semaphore_mem>>)
      %dma_wait3A_511 = arith.constant 0 : i32
      %dma_wait3A_512 = tpu.memref_slice %arg15[%mul3A_4, %dma_wait3A_511] : memref<10112x160xbf16, #tpu.memory_space<vmem_shared>> -> memref<632x160xbf16, #tpu.memory_space<vmem_shared>>
      %dma_wait3A_513 = arith.constant 0 : i32
      %dma_wait3A_514 = tpu.memref_slice %arg5[%mul3A_4, %dma_wait3A_513] : memref<10112x160xbf16, #tpu.memory_space<hbm>> -> memref<632x160xbf16, #tpu.memory_space<hbm>>
      tpu.wait_dma2 semaphore(%run_scoped3A : memref<!tpu.dma_semaphore, #tpu.memory_space<semaphore_mem>>) src(%dma_wait3A_514 : memref<632x160xbf16, #tpu.memory_space<hbm>>) dst(%dma_wait3A_512 : memref<632x160xbf16, #tpu.memory_space<vmem_shared>>)
      tpu.yield
    }) : () -> ()
    %barrier3A = arith.constant 0 : index
    tpu.barrier barrier_id(%barrier3A)
    %add3A_5 = arith.constant 0 : i32
    %add3A_6 = arith.addi %mul3A_2, %add3A_5 : i32
    "tpu.region"() ({
      %run_scoped3A = tpu.sem_alloc : memref<!tpu.dma_semaphore, #tpu.memory_space<semaphore_mem>>
      %dma_start3A_507 = arith.constant 0 : i32
      %dma_start3A_508 = tpu.memref_slice %arg3[%add3A_6, %dma_start3A_507] : memref<2568x128xi32, #tpu.memory_space<hbm>> -> memref<8x128xi32, #tpu.memory_space<hbm>>
      %dma_start3A_509 = arith.constant 0 : i32
      %dma_start3A_510 = tpu.memref_slice %arg3[%add3A_6, %dma_start3A_509] : memref<2568x128xi32, #tpu.memory_space<hbm>> -> memref<8x128xi32, #tpu.memory_space<hbm>>
      tpu.enqueue_dma source(%dma_start3A_510 : memref<8x128xi32, #tpu.memory_space<hbm>>) target(%arg7 : memref<8x128xi32, #tpu.memory_space<vmem>>) target_semaphore(%run_scoped3A : memref<!tpu.dma_semaphore, #tpu.memory_space<semaphore_mem>>)
      %dma_wait3A_511 = arith.constant 0 : i32
      %dma_wait3A_512 = tpu.memref_slice %arg3[%add3A_6, %dma_wait3A_511] : memref<2568x128xi32, #tpu.memory_space<hbm>> -> memref<8x128xi32, #tpu.memory_space<hbm>>
      %dma_wait3A_513 = arith.constant 0 : i32
      %dma_wait3A_514 = tpu.memref_slice %arg3[%add3A_6, %dma_wait3A_513] : memref<2568x128xi32, #tpu.memory_space<hbm>> -> memref<8x128xi32, #tpu.memory_space<hbm>>
      tpu.wait_dma2 semaphore(%run_scoped3A : memref<!tpu.dma_semaphore, #tpu.memory_space<semaphore_mem>>) src(%dma_wait3A_514 : memref<8x128xi32, #tpu.memory_space<hbm>>) dst(%arg7 : memref<8x128xi32, #tpu.memory_space<vmem>>)
      tpu.yield
    }) : () -> ()
    %add3A_7 = arith.constant 0 : i32
    %add3A_8 = arith.addi %mul3A_2, %add3A_7 : i32
    "tpu.region"() ({
      %run_scoped3A = tpu.sem_alloc : memref<!tpu.dma_semaphore, #tpu.memory_space<semaphore_mem>>
      %dma_start3A_507 = arith.constant 0 : i32
      %dma_start3A_508 = tpu.memref_slice %arg4[%add3A_8, %dma_start3A_507] : memref<2568x128xi32, #tpu.memory_space<hbm>> -> memref<8x128xi32, #tpu.memory_space<hbm>>
      %dma_start3A_509 = arith.constant 0 : i32
      %dma_start3A_510 = tpu.memref_slice %arg4[%add3A_8, %dma_start3A_509] : memref<2568x128xi32, #tpu.memory_space<hbm>> -> memref<8x128xi32, #tpu.memory_space<hbm>>
      tpu.enqueue_dma source(%dma_start3A_510 : memref<8x128xi32, #tpu.memory_space<hbm>>) target(%arg8 : memref<8x128xi32, #tpu.memory_space<vmem>>) target_semaphore(%run_scoped3A : memref<!tpu.dma_semaphore, #tpu.memory_space<semaphore_mem>>)
      %dma_wait3A_511 = arith.constant 0 : i32
      %dma_wait3A_512 = tpu.memref_slice %arg4[%add3A_8, %dma_wait3A_511] : memref<2568x128xi32, #tpu.memory_space<hbm>> -> memref<8x128xi32, #tpu.memory_space<hbm>>
      %dma_wait3A_513 = arith.constant 0 : i32
      %dma_wait3A_514 = tpu.memref_slice %arg4[%add3A_8, %dma_wait3A_513] : memref<2568x128xi32, #tpu.memory_space<hbm>> -> memref<8x128xi32, #tpu.memory_space<hbm>>
      tpu.wait_dma2 semaphore(%run_scoped3A : memref<!tpu.dma_semaphore, #tpu.memory_space<semaphore_mem>>) src(%dma_wait3A_514 : memref<8x128xi32, #tpu.memory_space<hbm>>) dst(%arg8 : memref<8x128xi32, #tpu.memory_space<vmem>>)
      tpu.yield
    }) : () -> ()
    %dma_start3A = arith.constant 0 : i32
    %dma_start3A_9 = arith.constant 0 : i32
    %dma_start3A_10 = tpu.memref_slice %arg7[%dma_start3A, %dma_start3A_9] : memref<8x128xi32, #tpu.memory_space<vmem>> -> memref<1x128xi32, #tpu.memory_space<vmem>>
    %dma_start3A_11 = tpu.memref_squeeze %dma_start3A_10 : memref<1x128xi32, #tpu.memory_space<vmem>> -> memref<128xi32, #tpu.memory_space<vmem>>
    %dma_start3A_12 = arith.constant 0 : i32
    %dma_start3A_13 = arith.constant 0 : i32
    %dma_start3A_14 = tpu.memref_slice %arg2[%dma_start3A_12, %dma_start3A_13] : memref<10000x160xbf16, #tpu.memory_space<hbm>> -> memref<10000x160xbf16, #tpu.memory_space<hbm>>
    tpu.enqueue_indirect_dma source(%dma_start3A_14 : memref<10000x160xbf16, #tpu.memory_space<hbm>>) target(%arg11 : memref<128x160xbf16, #tpu.memory_space<vmem>>) offsets(%dma_start3A_11 : memref<128xi32, #tpu.memory_space<vmem>>) semaphore(%arg16 : memref<!tpu.dma_semaphore, #tpu.memory_space<semaphore_mem>>)
    %dma_start3A_15 = arith.constant 1 : i32
    %dma_start3A_16 = arith.constant 0 : i32
    %dma_start3A_17 = tpu.memref_slice %arg7[%dma_start3A_15, %dma_start3A_16] : memref<8x128xi32, #tpu.memory_space<vmem>> -> memref<1x128xi32, #tpu.memory_space<vmem>>
    %dma_start3A_18 = tpu.memref_squeeze %dma_start3A_17 : memref<1x128xi32, #tpu.memory_space<vmem>> -> memref<128xi32, #tpu.memory_space<vmem>>
    %dma_start3A_19 = arith.constant 0 : i32
    %dma_start3A_20 = arith.constant 0 : i32
    %dma_start3A_21 = tpu.memref_slice %arg2[%dma_start3A_19, %dma_start3A_20] : memref<10000x160xbf16, #tpu.memory_space<hbm>> -> memref<10000x160xbf16, #tpu.memory_space<hbm>>
    tpu.enqueue_indirect_dma source(%dma_start3A_21 : memref<10000x160xbf16, #tpu.memory_space<hbm>>) target(%arg12 : memref<128x160xbf16, #tpu.memory_space<vmem>>) offsets(%dma_start3A_18 : memref<128xi32, #tpu.memory_space<vmem>>) semaphore(%arg17 : memref<!tpu.dma_semaphore, #tpu.memory_space<semaphore_mem>>)
    %dma_start3A_22 = arith.constant 2 : i32
    %dma_start3A_23 = arith.constant 0 : i32
    %dma_start3A_24 = tpu.memref_slice %arg7[%dma_start3A_22, %dma_start3A_23] : memref<8x128xi32, #tpu.memory_space<vmem>> -> memref<1x128xi32, #tpu.memory_space<vmem>>
    %dma_start3A_25 = tpu.memref_squeeze %dma_start3A_24 : memref<1x128xi32, #tpu.memory_space<vmem>> -> memref<128xi32, #tpu.memory_space<vmem>>
    %dma_start3A_26 = arith.constant 0 : i32
    %dma_start3A_27 = arith.constant 0 : i32
    %dma_start3A_28 = tpu.memref_slice %arg2[%dma_start3A_26, %dma_start3A_27] : memref<10000x160xbf16, #tpu.memory_space<hbm>> -> memref<10000x160xbf16, #tpu.memory_space<hbm>>
    tpu.enqueue_indirect_dma source(%dma_start3A_28 : memref<10000x160xbf16, #tpu.memory_space<hbm>>) target(%arg13 : memref<128x160xbf16, #tpu.memory_space<vmem>>) offsets(%dma_start3A_25 : memref<128xi32, #tpu.memory_space<vmem>>) semaphore(%arg18 : memref<!tpu.dma_semaphore, #tpu.memory_space<semaphore_mem>>)
    %add3A_29 = arith.constant 8 : i32
    %add3A_30 = arith.addi %mul3A_2, %add3A_29 : i32
    %dma_start3A_31 = arith.constant 0 : i32
    %dma_start3A_32 = tpu.memref_slice %arg3[%add3A_30, %dma_start3A_31] : memref<2568x128xi32, #tpu.memory_space<hbm>> -> memref<8x128xi32, #tpu.memory_space<hbm>>
    %dma_start3A_33 = arith.constant 0 : i32
    %dma_start3A_34 = tpu.memref_slice %arg3[%add3A_30, %dma_start3A_33] : memref<2568x128xi32, #tpu.memory_space<hbm>> -> memref<8x128xi32, #tpu.memory_space<hbm>>
    tpu.enqueue_dma source(%dma_start3A_34 : memref<8x128xi32, #tpu.memory_space<hbm>>) target(%arg9 : memref<8x128xi32, #tpu.memory_space<vmem>>) target_semaphore(%arg25 : memref<!tpu.dma_semaphore, #tpu.memory_space<semaphore_mem>>)
    %add3A_35 = arith.constant 8 : i32
    %add3A_36 = arith.addi %mul3A_2, %add3A_35 : i32
    %dma_start3A_37 = arith.constant 0 : i32
    %dma_start3A_38 = tpu.memref_slice %arg4[%add3A_36, %dma_start3A_37] : memref<2568x128xi32, #tpu.memory_space<hbm>> -> memref<8x128xi32, #tpu.memory_space<hbm>>
    %dma_start3A_39 = arith.constant 0 : i32
    %dma_start3A_40 = tpu.memref_slice %arg4[%add3A_36, %dma_start3A_39] : memref<2568x128xi32, #tpu.memory_space<hbm>> -> memref<8x128xi32, #tpu.memory_space<hbm>>
    tpu.enqueue_dma source(%dma_start3A_40 : memref<8x128xi32, #tpu.memory_space<hbm>>) target(%arg10 : memref<8x128xi32, #tpu.memory_space<vmem>>) target_semaphore(%arg25 : memref<!tpu.dma_semaphore, #tpu.memory_space<semaphore_mem>>)
    %dma_start3A_41 = arith.constant 3 : i32
    %dma_start3A_42 = arith.constant 0 : i32
    %dma_start3A_43 = tpu.memref_slice %arg7[%dma_start3A_41, %dma_start3A_42] : memref<8x128xi32, #tpu.memory_space<vmem>> -> memref<1x128xi32, #tpu.memory_space<vmem>>
    %dma_start3A_44 = tpu.memref_squeeze %dma_start3A_43 : memref<1x128xi32, #tpu.memory_space<vmem>> -> memref<128xi32, #tpu.memory_space<vmem>>
    %dma_start3A_45 = arith.constant 0 : i32
    %dma_start3A_46 = arith.constant 0 : i32
    %dma_start3A_47 = tpu.memref_slice %arg2[%dma_start3A_45, %dma_start3A_46] : memref<10000x160xbf16, #tpu.memory_space<hbm>> -> memref<10000x160xbf16, #tpu.memory_space<hbm>>
    tpu.enqueue_indirect_dma source(%dma_start3A_47 : memref<10000x160xbf16, #tpu.memory_space<hbm>>) target(%arg14 : memref<128x160xbf16, #tpu.memory_space<vmem>>) offsets(%dma_start3A_44 : memref<128xi32, #tpu.memory_space<vmem>>) semaphore(%arg19 : memref<!tpu.dma_semaphore, #tpu.memory_space<semaphore_mem>>)
    %dma_wait3A = arith.constant 0 : i32
    %dma_wait3A_48 = arith.constant 0 : i32
    %dma_wait3A_49 = tpu.memref_slice %arg2[%dma_wait3A, %dma_wait3A_48] : memref<10000x160xbf16, #tpu.memory_space<hbm>> -> memref<128x160xbf16, #tpu.memory_space<hbm>>
    %dma_wait3A_50 = arith.constant 0 : i32
    %dma_wait3A_51 = arith.constant 0 : i32
    %dma_wait3A_52 = tpu.memref_slice %arg2[%dma_wait3A_50, %dma_wait3A_51] : memref<10000x160xbf16, #tpu.memory_space<hbm>> -> memref<128x160xbf16, #tpu.memory_space<hbm>>
    tpu.wait_dma2 semaphore(%arg16 : memref<!tpu.dma_semaphore, #tpu.memory_space<semaphore_mem>>) src(%dma_wait3A_52 : memref<128x160xbf16, #tpu.memory_space<hbm>>) dst(%arg11 : memref<128x160xbf16, #tpu.memory_space<vmem>>)
    %dma_start3A_53 = arith.constant 0 : i32
    %dma_start3A_54 = arith.constant 0 : i32
    %dma_start3A_55 = tpu.memref_slice %arg8[%dma_start3A_53, %dma_start3A_54] : memref<8x128xi32, #tpu.memory_space<vmem>> -> memref<1x128xi32, #tpu.memory_space<vmem>>
    %dma_start3A_56 = tpu.memref_squeeze %dma_start3A_55 : memref<1x128xi32, #tpu.memory_space<vmem>> -> memref<128xi32, #tpu.memory_space<vmem>>
    %dma_start3A_57 = arith.constant 0 : i32
    %dma_start3A_58 = arith.constant 0 : i32
    %dma_start3A_59 = tpu.memref_slice %arg15[%dma_start3A_57, %dma_start3A_58] : memref<10112x160xbf16, #tpu.memory_space<vmem_shared>> -> memref<10112x160xbf16, #tpu.memory_space<vmem_shared>>
    tpu.enqueue_indirect_dma source(%arg11 : memref<128x160xbf16, #tpu.memory_space<vmem>>) target(%dma_start3A_59 : memref<10112x160xbf16, #tpu.memory_space<vmem_shared>>) offsets(%dma_start3A_56 : memref<128xi32, #tpu.memory_space<vmem>>) semaphore(%arg20 : memref<!tpu.dma_semaphore, #tpu.memory_space<semaphore_mem>>) {add = true}
    %dma_wait3A_60 = arith.constant 0 : i32
    %dma_wait3A_61 = arith.constant 0 : i32
    %dma_wait3A_62 = tpu.memref_slice %arg2[%dma_wait3A_60, %dma_wait3A_61] : memref<10000x160xbf16, #tpu.memory_space<hbm>> -> memref<128x160xbf16, #tpu.memory_space<hbm>>
    %dma_wait3A_63 = arith.constant 0 : i32
    %dma_wait3A_64 = arith.constant 0 : i32
    %dma_wait3A_65 = tpu.memref_slice %arg2[%dma_wait3A_63, %dma_wait3A_64] : memref<10000x160xbf16, #tpu.memory_space<hbm>> -> memref<128x160xbf16, #tpu.memory_space<hbm>>
    tpu.wait_dma2 semaphore(%arg20 : memref<!tpu.dma_semaphore, #tpu.memory_space<semaphore_mem>>) src(%dma_wait3A_65 : memref<128x160xbf16, #tpu.memory_space<hbm>>) dst(%arg11 : memref<128x160xbf16, #tpu.memory_space<vmem>>)
    %dma_start3A_66 = arith.constant 4 : i32
    %dma_start3A_67 = arith.constant 0 : i32
    %dma_start3A_68 = tpu.memref_slice %arg7[%dma_start3A_66, %dma_start3A_67] : memref<8x128xi32, #tpu.memory_space<vmem>> -> memref<1x128xi32, #tpu.memory_space<vmem>>
    %dma_start3A_69 = tpu.memref_squeeze %dma_start3A_68 : memref<1x128xi32, #tpu.memory_space<vmem>> -> memref<128xi32, #tpu.memory_space<vmem>>
    %dma_start3A_70 = arith.constant 0 : i32
    %dma_start3A_71 = arith.constant 0 : i32
    %dma_start3A_72 = tpu.memref_slice %arg2[%dma_start3A_70, %dma_start3A_71] : memref<10000x160xbf16, #tpu.memory_space<hbm>> -> memref<10000x160xbf16, #tpu.memory_space<hbm>>
    tpu.enqueue_indirect_dma source(%dma_start3A_72 : memref<10000x160xbf16, #tpu.memory_space<hbm>>) target(%arg11 : memref<128x160xbf16, #tpu.memory_space<vmem>>) offsets(%dma_start3A_69 : memref<128xi32, #tpu.memory_space<vmem>>) semaphore(%arg16 : memref<!tpu.dma_semaphore, #tpu.memory_space<semaphore_mem>>)
    %dma_wait3A_73 = arith.constant 0 : i32
    %dma_wait3A_74 = arith.constant 0 : i32
    %dma_wait3A_75 = tpu.memref_slice %arg2[%dma_wait3A_73, %dma_wait3A_74] : memref<10000x160xbf16, #tpu.memory_space<hbm>> -> memref<128x160xbf16, #tpu.memory_space<hbm>>
    %dma_wait3A_76 = arith.constant 0 : i32
    %dma_wait3A_77 = arith.constant 0 : i32
    %dma_wait3A_78 = tpu.memref_slice %arg2[%dma_wait3A_76, %dma_wait3A_77] : memref<10000x160xbf16, #tpu.memory_space<hbm>> -> memref<128x160xbf16, #tpu.memory_space<hbm>>
    tpu.wait_dma2 semaphore(%arg17 : memref<!tpu.dma_semaphore, #tpu.memory_space<semaphore_mem>>) src(%dma_wait3A_78 : memref<128x160xbf16, #tpu.memory_space<hbm>>) dst(%arg12 : memref<128x160xbf16, #tpu.memory_space<vmem>>)
    %dma_start3A_79 = arith.constant 1 : i32
    %dma_start3A_80 = arith.constant 0 : i32
    %dma_start3A_81 = tpu.memref_slice %arg8[%dma_start3A_79, %dma_start3A_80] : memref<8x128xi32, #tpu.memory_space<vmem>> -> memref<1x128xi32, #tpu.memory_space<vmem>>
    %dma_start3A_82 = tpu.memref_squeeze %dma_start3A_81 : memref<1x128xi32, #tpu.memory_space<vmem>> -> memref<128xi32, #tpu.memory_space<vmem>>
    %dma_start3A_83 = arith.constant 0 : i32
    %dma_start3A_84 = arith.constant 0 : i32
    %dma_start3A_85 = tpu.memref_slice %arg15[%dma_start3A_83, %dma_start3A_84] : memref<10112x160xbf16, #tpu.memory_space<vmem_shared>> -> memref<10112x160xbf16, #tpu.memory_space<vmem_shared>>
    tpu.enqueue_indirect_dma source(%arg12 : memref<128x160xbf16, #tpu.memory_space<vmem>>) target(%dma_start3A_85 : memref<10112x160xbf16, #tpu.memory_space<vmem_shared>>) offsets(%dma_start3A_82 : memref<128xi32, #tpu.memory_space<vmem>>) semaphore(%arg21 : memref<!tpu.dma_semaphore, #tpu.memory_space<semaphore_mem>>) {add = true}
    %dma_wait3A_86 = arith.constant 0 : i32
    %dma_wait3A_87 = arith.constant 0 : i32
    %dma_wait3A_88 = tpu.memref_slice %arg2[%dma_wait3A_86, %dma_wait3A_87] : memref<10000x160xbf16, #tpu.memory_space<hbm>> -> memref<128x160xbf16, #tpu.memory_space<hbm>>
    %dma_wait3A_89 = arith.constant 0 : i32
    %dma_wait3A_90 = arith.constant 0 : i32
    %dma_wait3A_91 = tpu.memref_slice %arg2[%dma_wait3A_89, %dma_wait3A_90] : memref<10000x160xbf16, #tpu.memory_space<hbm>> -> memref<128x160xbf16, #tpu.memory_space<hbm>>
    tpu.wait_dma2 semaphore(%arg21 : memref<!tpu.dma_semaphore, #tpu.memory_space<semaphore_mem>>) src(%dma_wait3A_91 : memref<128x160xbf16, #tpu.memory_space<hbm>>) dst(%arg12 : memref<128x160xbf16, #tpu.memory_space<vmem>>)
    %dma_start3A_92 = arith.constant 5 : i32
    %dma_start3A_93 = arith.constant 0 : i32
    %dma_start3A_94 = tpu.memref_slice %arg7[%dma_start3A_92, %dma_start3A_93] : memref<8x128xi32, #tpu.memory_space<vmem>> -> memref<1x128xi32, #tpu.memory_space<vmem>>
    %dma_start3A_95 = tpu.memref_squeeze %dma_start3A_94 : memref<1x128xi32, #tpu.memory_space<vmem>> -> memref<128xi32, #tpu.memory_space<vmem>>
    %dma_start3A_96 = arith.constant 0 : i32
    %dma_start3A_97 = arith.constant 0 : i32
    %dma_start3A_98 = tpu.memref_slice %arg2[%dma_start3A_96, %dma_start3A_97] : memref<10000x160xbf16, #tpu.memory_space<hbm>> -> memref<10000x160xbf16, #tpu.memory_space<hbm>>
    tpu.enqueue_indirect_dma source(%dma_start3A_98 : memref<10000x160xbf16, #tpu.memory_space<hbm>>) target(%arg12 : memref<128x160xbf16, #tpu.memory_space<vmem>>) offsets(%dma_start3A_95 : memref<128xi32, #tpu.memory_space<vmem>>) semaphore(%arg17 : memref<!tpu.dma_semaphore, #tpu.memory_space<semaphore_mem>>)
    %dma_wait3A_99 = arith.constant 0 : i32
    %dma_wait3A_100 = arith.constant 0 : i32
    %dma_wait3A_101 = tpu.memref_slice %arg2[%dma_wait3A_99, %dma_wait3A_100] : memref<10000x160xbf16, #tpu.memory_space<hbm>> -> memref<128x160xbf16, #tpu.memory_space<hbm>>
    %dma_wait3A_102 = arith.constant 0 : i32
    %dma_wait3A_103 = arith.constant 0 : i32
    %dma_wait3A_104 = tpu.memref_slice %arg2[%dma_wait3A_102, %dma_wait3A_103] : memref<10000x160xbf16, #tpu.memory_space<hbm>> -> memref<128x160xbf16, #tpu.memory_space<hbm>>
    tpu.wait_dma2 semaphore(%arg18 : memref<!tpu.dma_semaphore, #tpu.memory_space<semaphore_mem>>) src(%dma_wait3A_104 : memref<128x160xbf16, #tpu.memory_space<hbm>>) dst(%arg13 : memref<128x160xbf16, #tpu.memory_space<vmem>>)
    %dma_start3A_105 = arith.constant 2 : i32
    %dma_start3A_106 = arith.constant 0 : i32
    %dma_start3A_107 = tpu.memref_slice %arg8[%dma_start3A_105, %dma_start3A_106] : memref<8x128xi32, #tpu.memory_space<vmem>> -> memref<1x128xi32, #tpu.memory_space<vmem>>
    %dma_start3A_108 = tpu.memref_squeeze %dma_start3A_107 : memref<1x128xi32, #tpu.memory_space<vmem>> -> memref<128xi32, #tpu.memory_space<vmem>>
    %dma_start3A_109 = arith.constant 0 : i32
    %dma_start3A_110 = arith.constant 0 : i32
    %dma_start3A_111 = tpu.memref_slice %arg15[%dma_start3A_109, %dma_start3A_110] : memref<10112x160xbf16, #tpu.memory_space<vmem_shared>> -> memref<10112x160xbf16, #tpu.memory_space<vmem_shared>>
    tpu.enqueue_indirect_dma source(%arg13 : memref<128x160xbf16, #tpu.memory_space<vmem>>) target(%dma_start3A_111 : memref<10112x160xbf16, #tpu.memory_space<vmem_shared>>) offsets(%dma_start3A_108 : memref<128xi32, #tpu.memory_space<vmem>>) semaphore(%arg22 : memref<!tpu.dma_semaphore, #tpu.memory_space<semaphore_mem>>) {add = true}
    %dma_wait3A_112 = arith.constant 0 : i32
    %dma_wait3A_113 = arith.constant 0 : i32
    %dma_wait3A_114 = tpu.memref_slice %arg2[%dma_wait3A_112, %dma_wait3A_113] : memref<10000x160xbf16, #tpu.memory_space<hbm>> -> memref<128x160xbf16, #tpu.memory_space<hbm>>
    %dma_wait3A_115 = arith.constant 0 : i32
    %dma_wait3A_116 = arith.constant 0 : i32
    %dma_wait3A_117 = tpu.memref_slice %arg2[%dma_wait3A_115, %dma_wait3A_116] : memref<10000x160xbf16, #tpu.memory_space<hbm>> -> memref<128x160xbf16, #tpu.memory_space<hbm>>
    tpu.wait_dma2 semaphore(%arg22 : memref<!tpu.dma_semaphore, #tpu.memory_space<semaphore_mem>>) src(%dma_wait3A_117 : memref<128x160xbf16, #tpu.memory_space<hbm>>) dst(%arg13 : memref<128x160xbf16, #tpu.memory_space<vmem>>)
    %dma_start3A_118 = arith.constant 6 : i32
    %dma_start3A_119 = arith.constant 0 : i32
    %dma_start3A_120 = tpu.memref_slice %arg7[%dma_start3A_118, %dma_start3A_119] : memref<8x128xi32, #tpu.memory_space<vmem>> -> memref<1x128xi32, #tpu.memory_space<vmem>>
    %dma_start3A_121 = tpu.memref_squeeze %dma_start3A_120 : memref<1x128xi32, #tpu.memory_space<vmem>> -> memref<128xi32, #tpu.memory_space<vmem>>
    %dma_start3A_122 = arith.constant 0 : i32
    %dma_start3A_123 = arith.constant 0 : i32
    %dma_start3A_124 = tpu.memref_slice %arg2[%dma_start3A_122, %dma_start3A_123] : memref<10000x160xbf16, #tpu.memory_space<hbm>> -> memref<10000x160xbf16, #tpu.memory_space<hbm>>
    tpu.enqueue_indirect_dma source(%dma_start3A_124 : memref<10000x160xbf16, #tpu.memory_space<hbm>>) target(%arg13 : memref<128x160xbf16, #tpu.memory_space<vmem>>) offsets(%dma_start3A_121 : memref<128xi32, #tpu.memory_space<vmem>>) semaphore(%arg18 : memref<!tpu.dma_semaphore, #tpu.memory_space<semaphore_mem>>)
    %dma_wait3A_125 = arith.constant 0 : i32
    %dma_wait3A_126 = arith.constant 0 : i32
    %dma_wait3A_127 = tpu.memref_slice %arg2[%dma_wait3A_125, %dma_wait3A_126] : memref<10000x160xbf16, #tpu.memory_space<hbm>> -> memref<128x160xbf16, #tpu.memory_space<hbm>>
    %dma_wait3A_128 = arith.constant 0 : i32
    %dma_wait3A_129 = arith.constant 0 : i32
    %dma_wait3A_130 = tpu.memref_slice %arg2[%dma_wait3A_128, %dma_wait3A_129] : memref<10000x160xbf16, #tpu.memory_space<hbm>> -> memref<128x160xbf16, #tpu.memory_space<hbm>>
    tpu.wait_dma2 semaphore(%arg19 : memref<!tpu.dma_semaphore, #tpu.memory_space<semaphore_mem>>) src(%dma_wait3A_130 : memref<128x160xbf16, #tpu.memory_space<hbm>>) dst(%arg14 : memref<128x160xbf16, #tpu.memory_space<vmem>>)
    %dma_start3A_131 = arith.constant 3 : i32
    %dma_start3A_132 = arith.constant 0 : i32
    %dma_start3A_133 = tpu.memref_slice %arg8[%dma_start3A_131, %dma_start3A_132] : memref<8x128xi32, #tpu.memory_space<vmem>> -> memref<1x128xi32, #tpu.memory_space<vmem>>
    %dma_start3A_134 = tpu.memref_squeeze %dma_start3A_133 : memref<1x128xi32, #tpu.memory_space<vmem>> -> memref<128xi32, #tpu.memory_space<vmem>>
    %dma_start3A_135 = arith.constant 0 : i32
    %dma_start3A_136 = arith.constant 0 : i32
    %dma_start3A_137 = tpu.memref_slice %arg15[%dma_start3A_135, %dma_start3A_136] : memref<10112x160xbf16, #tpu.memory_space<vmem_shared>> -> memref<10112x160xbf16, #tpu.memory_space<vmem_shared>>
    tpu.enqueue_indirect_dma source(%arg14 : memref<128x160xbf16, #tpu.memory_space<vmem>>) target(%dma_start3A_137 : memref<10112x160xbf16, #tpu.memory_space<vmem_shared>>) offsets(%dma_start3A_134 : memref<128xi32, #tpu.memory_space<vmem>>) semaphore(%arg23 : memref<!tpu.dma_semaphore, #tpu.memory_space<semaphore_mem>>) {add = true}
    %dma_wait3A_138 = arith.constant 0 : i32
    %dma_wait3A_139 = arith.constant 0 : i32
    %dma_wait3A_140 = tpu.memref_slice %arg2[%dma_wait3A_138, %dma_wait3A_139] : memref<10000x160xbf16, #tpu.memory_space<hbm>> -> memref<128x160xbf16, #tpu.memory_space<hbm>>
    %dma_wait3A_141 = arith.constant 0 : i32
    %dma_wait3A_142 = arith.constant 0 : i32
    %dma_wait3A_143 = tpu.memref_slice %arg2[%dma_wait3A_141, %dma_wait3A_142] : memref<10000x160xbf16, #tpu.memory_space<hbm>> -> memref<128x160xbf16, #tpu.memory_space<hbm>>
    tpu.wait_dma2 semaphore(%arg23 : memref<!tpu.dma_semaphore, #tpu.memory_space<semaphore_mem>>) src(%dma_wait3A_143 : memref<128x160xbf16, #tpu.memory_space<hbm>>) dst(%arg14 : memref<128x160xbf16, #tpu.memory_space<vmem>>)
    %dma_start3A_144 = arith.constant 7 : i32
    %dma_start3A_145 = arith.constant 0 : i32
    %dma_start3A_146 = tpu.memref_slice %arg7[%dma_start3A_144, %dma_start3A_145] : memref<8x128xi32, #tpu.memory_space<vmem>> -> memref<1x128xi32, #tpu.memory_space<vmem>>
    %dma_start3A_147 = tpu.memref_squeeze %dma_start3A_146 : memref<1x128xi32, #tpu.memory_space<vmem>> -> memref<128xi32, #tpu.memory_space<vmem>>
    %dma_start3A_148 = arith.constant 0 : i32
    %dma_start3A_149 = arith.constant 0 : i32
    %dma_start3A_150 = tpu.memref_slice %arg2[%dma_start3A_148, %dma_start3A_149] : memref<10000x160xbf16, #tpu.memory_space<hbm>> -> memref<10000x160xbf16, #tpu.memory_space<hbm>>
    tpu.enqueue_indirect_dma source(%dma_start3A_150 : memref<10000x160xbf16, #tpu.memory_space<hbm>>) target(%arg14 : memref<128x160xbf16, #tpu.memory_space<vmem>>) offsets(%dma_start3A_147 : memref<128xi32, #tpu.memory_space<vmem>>) semaphore(%arg19 : memref<!tpu.dma_semaphore, #tpu.memory_space<semaphore_mem>>)
    %dma_wait3A_151 = arith.constant 0 : i32
    %dma_wait3A_152 = arith.constant 0 : i32
    %dma_wait3A_153 = tpu.memref_slice %arg2[%dma_wait3A_151, %dma_wait3A_152] : memref<10000x160xbf16, #tpu.memory_space<hbm>> -> memref<128x160xbf16, #tpu.memory_space<hbm>>
    %dma_wait3A_154 = arith.constant 0 : i32
    %dma_wait3A_155 = arith.constant 0 : i32
    %dma_wait3A_156 = tpu.memref_slice %arg2[%dma_wait3A_154, %dma_wait3A_155] : memref<10000x160xbf16, #tpu.memory_space<hbm>> -> memref<128x160xbf16, #tpu.memory_space<hbm>>
    tpu.wait_dma2 semaphore(%arg16 : memref<!tpu.dma_semaphore, #tpu.memory_space<semaphore_mem>>) src(%dma_wait3A_156 : memref<128x160xbf16, #tpu.memory_space<hbm>>) dst(%arg11 : memref<128x160xbf16, #tpu.memory_space<vmem>>)
    %dma_start3A_157 = arith.constant 4 : i32
    %dma_start3A_158 = arith.constant 0 : i32
    %dma_start3A_159 = tpu.memref_slice %arg8[%dma_start3A_157, %dma_start3A_158] : memref<8x128xi32, #tpu.memory_space<vmem>> -> memref<1x128xi32, #tpu.memory_space<vmem>>
    %dma_start3A_160 = tpu.memref_squeeze %dma_start3A_159 : memref<1x128xi32, #tpu.memory_space<vmem>> -> memref<128xi32, #tpu.memory_space<vmem>>
    %dma_start3A_161 = arith.constant 0 : i32
    %dma_start3A_162 = arith.constant 0 : i32
    %dma_start3A_163 = tpu.memref_slice %arg15[%dma_start3A_161, %dma_start3A_162] : memref<10112x160xbf16, #tpu.memory_space<vmem_shared>> -> memref<10112x160xbf16, #tpu.memory_space<vmem_shared>>
    tpu.enqueue_indirect_dma source(%arg11 : memref<128x160xbf16, #tpu.memory_space<vmem>>) target(%dma_start3A_163 : memref<10112x160xbf16, #tpu.memory_space<vmem_shared>>) offsets(%dma_start3A_160 : memref<128xi32, #tpu.memory_space<vmem>>) semaphore(%arg20 : memref<!tpu.dma_semaphore, #tpu.memory_space<semaphore_mem>>) {add = true}
    %dma_wait3A_164 = arith.constant 0 : i32
    %dma_wait3A_165 = arith.constant 0 : i32
    %dma_wait3A_166 = tpu.memref_slice %arg2[%dma_wait3A_164, %dma_wait3A_165] : memref<10000x160xbf16, #tpu.memory_space<hbm>> -> memref<128x160xbf16, #tpu.memory_space<hbm>>
    %dma_wait3A_167 = arith.constant 0 : i32
    %dma_wait3A_168 = arith.constant 0 : i32
    %dma_wait3A_169 = tpu.memref_slice %arg2[%dma_wait3A_167, %dma_wait3A_168] : memref<10000x160xbf16, #tpu.memory_space<hbm>> -> memref<128x160xbf16, #tpu.memory_space<hbm>>
    tpu.wait_dma2 semaphore(%arg20 : memref<!tpu.dma_semaphore, #tpu.memory_space<semaphore_mem>>) src(%dma_wait3A_169 : memref<128x160xbf16, #tpu.memory_space<hbm>>) dst(%arg11 : memref<128x160xbf16, #tpu.memory_space<vmem>>)
    %dma_wait3A_170 = arith.constant 0 : i32
    %dma_wait3A_171 = tpu.memref_slice %arg3[%mul3A_2, %dma_wait3A_170] : memref<2568x128xi32, #tpu.memory_space<hbm>> -> memref<8x128xi32, #tpu.memory_space<hbm>>
    %dma_wait3A_172 = arith.constant 0 : i32
    %dma_wait3A_173 = tpu.memref_slice %arg3[%mul3A_2, %dma_wait3A_172] : memref<2568x128xi32, #tpu.memory_space<hbm>> -> memref<8x128xi32, #tpu.memory_space<hbm>>
    tpu.wait_dma2 semaphore(%arg25 : memref<!tpu.dma_semaphore, #tpu.memory_space<semaphore_mem>>) src(%dma_wait3A_173 : memref<8x128xi32, #tpu.memory_space<hbm>>) dst(%arg9 : memref<8x128xi32, #tpu.memory_space<vmem>>)
    %dma_wait3A_174 = arith.constant 0 : i32
    %dma_wait3A_175 = tpu.memref_slice %arg4[%mul3A_2, %dma_wait3A_174] : memref<2568x128xi32, #tpu.memory_space<hbm>> -> memref<8x128xi32, #tpu.memory_space<hbm>>
    %dma_wait3A_176 = arith.constant 0 : i32
    %dma_wait3A_177 = tpu.memref_slice %arg4[%mul3A_2, %dma_wait3A_176] : memref<2568x128xi32, #tpu.memory_space<hbm>> -> memref<8x128xi32, #tpu.memory_space<hbm>>
    tpu.wait_dma2 semaphore(%arg25 : memref<!tpu.dma_semaphore, #tpu.memory_space<semaphore_mem>>) src(%dma_wait3A_177 : memref<8x128xi32, #tpu.memory_space<hbm>>) dst(%arg10 : memref<8x128xi32, #tpu.memory_space<vmem>>)
    %dma_start3A_178 = arith.constant 0 : i32
    %dma_start3A_179 = arith.constant 0 : i32
    %dma_start3A_180 = tpu.memref_slice %arg9[%dma_start3A_178, %dma_start3A_179] : memref<8x128xi32, #tpu.memory_space<vmem>> -> memref<1x128xi32, #tpu.memory_space<vmem>>
    %dma_start3A_181 = tpu.memref_squeeze %dma_start3A_180 : memref<1x128xi32, #tpu.memory_space<vmem>> -> memref<128xi32, #tpu.memory_space<vmem>>
    %dma_start3A_182 = arith.constant 0 : i32
    %dma_start3A_183 = arith.constant 0 : i32
    %dma_start3A_184 = tpu.memref_slice %arg2[%dma_start3A_182, %dma_start3A_183] : memref<10000x160xbf16, #tpu.memory_space<hbm>> -> memref<10000x160xbf16, #tpu.memory_space<hbm>>
    tpu.enqueue_indirect_dma source(%dma_start3A_184 : memref<10000x160xbf16, #tpu.memory_space<hbm>>) target(%arg11 : memref<128x160xbf16, #tpu.memory_space<vmem>>) offsets(%dma_start3A_181 : memref<128xi32, #tpu.memory_space<vmem>>) semaphore(%arg16 : memref<!tpu.dma_semaphore, #tpu.memory_space<semaphore_mem>>)
    %dma_wait3A_185 = arith.constant 0 : i32
    %dma_wait3A_186 = arith.constant 0 : i32
    %dma_wait3A_187 = tpu.memref_slice %arg2[%dma_wait3A_185, %dma_wait3A_186] : memref<10000x160xbf16, #tpu.memory_space<hbm>> -> memref<128x160xbf16, #tpu.memory_space<hbm>>
    %dma_wait3A_188 = arith.constant 0 : i32
    %dma_wait3A_189 = arith.constant 0 : i32
    %dma_wait3A_190 = tpu.memref_slice %arg2[%dma_wait3A_188, %dma_wait3A_189] : memref<10000x160xbf16, #tpu.memory_space<hbm>> -> memref<128x160xbf16, #tpu.memory_space<hbm>>
    tpu.wait_dma2 semaphore(%arg17 : memref<!tpu.dma_semaphore, #tpu.memory_space<semaphore_mem>>) src(%dma_wait3A_190 : memref<128x160xbf16, #tpu.memory_space<hbm>>) dst(%arg12 : memref<128x160xbf16, #tpu.memory_space<vmem>>)
    %dma_start3A_191 = arith.constant 5 : i32
    %dma_start3A_192 = arith.constant 0 : i32
    %dma_start3A_193 = tpu.memref_slice %arg8[%dma_start3A_191, %dma_start3A_192] : memref<8x128xi32, #tpu.memory_space<vmem>> -> memref<1x128xi32, #tpu.memory_space<vmem>>
    %dma_start3A_194 = tpu.memref_squeeze %dma_start3A_193 : memref<1x128xi32, #tpu.memory_space<vmem>> -> memref<128xi32, #tpu.memory_space<vmem>>
    %dma_start3A_195 = arith.constant 0 : i32
    %dma_start3A_196 = arith.constant 0 : i32
    %dma_start3A_197 = tpu.memref_slice %arg15[%dma_start3A_195, %dma_start3A_196] : memref<10112x160xbf16, #tpu.memory_space<vmem_shared>> -> memref<10112x160xbf16, #tpu.memory_space<vmem_shared>>
    tpu.enqueue_indirect_dma source(%arg12 : memref<128x160xbf16, #tpu.memory_space<vmem>>) target(%dma_start3A_197 : memref<10112x160xbf16, #tpu.memory_space<vmem_shared>>) offsets(%dma_start3A_194 : memref<128xi32, #tpu.memory_space<vmem>>) semaphore(%arg21 : memref<!tpu.dma_semaphore, #tpu.memory_space<semaphore_mem>>) {add = true}
    %dma_wait3A_198 = arith.constant 0 : i32
    %dma_wait3A_199 = arith.constant 0 : i32
    %dma_wait3A_200 = tpu.memref_slice %arg2[%dma_wait3A_198, %dma_wait3A_199] : memref<10000x160xbf16, #tpu.memory_space<hbm>> -> memref<128x160xbf16, #tpu.memory_space<hbm>>
    %dma_wait3A_201 = arith.constant 0 : i32
    %dma_wait3A_202 = arith.constant 0 : i32
    %dma_wait3A_203 = tpu.memref_slice %arg2[%dma_wait3A_201, %dma_wait3A_202] : memref<10000x160xbf16, #tpu.memory_space<hbm>> -> memref<128x160xbf16, #tpu.memory_space<hbm>>
    tpu.wait_dma2 semaphore(%arg21 : memref<!tpu.dma_semaphore, #tpu.memory_space<semaphore_mem>>) src(%dma_wait3A_203 : memref<128x160xbf16, #tpu.memory_space<hbm>>) dst(%arg12 : memref<128x160xbf16, #tpu.memory_space<vmem>>)
    %dma_start3A_204 = arith.constant 1 : i32
    %dma_start3A_205 = arith.constant 0 : i32
    %dma_start3A_206 = tpu.memref_slice %arg9[%dma_start3A_204, %dma_start3A_205] : memref<8x128xi32, #tpu.memory_space<vmem>> -> memref<1x128xi32, #tpu.memory_space<vmem>>
    %dma_start3A_207 = tpu.memref_squeeze %dma_start3A_206 : memref<1x128xi32, #tpu.memory_space<vmem>> -> memref<128xi32, #tpu.memory_space<vmem>>
    %dma_start3A_208 = arith.constant 0 : i32
    %dma_start3A_209 = arith.constant 0 : i32
    %dma_start3A_210 = tpu.memref_slice %arg2[%dma_start3A_208, %dma_start3A_209] : memref<10000x160xbf16, #tpu.memory_space<hbm>> -> memref<10000x160xbf16, #tpu.memory_space<hbm>>
    tpu.enqueue_indirect_dma source(%dma_start3A_210 : memref<10000x160xbf16, #tpu.memory_space<hbm>>) target(%arg12 : memref<128x160xbf16, #tpu.memory_space<vmem>>) offsets(%dma_start3A_207 : memref<128xi32, #tpu.memory_space<vmem>>) semaphore(%arg17 : memref<!tpu.dma_semaphore, #tpu.memory_space<semaphore_mem>>)
    %dma_wait3A_211 = arith.constant 0 : i32
    %dma_wait3A_212 = arith.constant 0 : i32
    %dma_wait3A_213 = tpu.memref_slice %arg2[%dma_wait3A_211, %dma_wait3A_212] : memref<10000x160xbf16, #tpu.memory_space<hbm>> -> memref<128x160xbf16, #tpu.memory_space<hbm>>
    %dma_wait3A_214 = arith.constant 0 : i32
    %dma_wait3A_215 = arith.constant 0 : i32
    %dma_wait3A_216 = tpu.memref_slice %arg2[%dma_wait3A_214, %dma_wait3A_215] : memref<10000x160xbf16, #tpu.memory_space<hbm>> -> memref<128x160xbf16, #tpu.memory_space<hbm>>
    tpu.wait_dma2 semaphore(%arg18 : memref<!tpu.dma_semaphore, #tpu.memory_space<semaphore_mem>>) src(%dma_wait3A_216 : memref<128x160xbf16, #tpu.memory_space<hbm>>) dst(%arg13 : memref<128x160xbf16, #tpu.memory_space<vmem>>)
    %dma_start3A_217 = arith.constant 6 : i32
    %dma_start3A_218 = arith.constant 0 : i32
    %dma_start3A_219 = tpu.memref_slice %arg8[%dma_start3A_217, %dma_start3A_218] : memref<8x128xi32, #tpu.memory_space<vmem>> -> memref<1x128xi32, #tpu.memory_space<vmem>>
    %dma_start3A_220 = tpu.memref_squeeze %dma_start3A_219 : memref<1x128xi32, #tpu.memory_space<vmem>> -> memref<128xi32, #tpu.memory_space<vmem>>
    %dma_start3A_221 = arith.constant 0 : i32
    %dma_start3A_222 = arith.constant 0 : i32
    %dma_start3A_223 = tpu.memref_slice %arg15[%dma_start3A_221, %dma_start3A_222] : memref<10112x160xbf16, #tpu.memory_space<vmem_shared>> -> memref<10112x160xbf16, #tpu.memory_space<vmem_shared>>
    tpu.enqueue_indirect_dma source(%arg13 : memref<128x160xbf16, #tpu.memory_space<vmem>>) target(%dma_start3A_223 : memref<10112x160xbf16, #tpu.memory_space<vmem_shared>>) offsets(%dma_start3A_220 : memref<128xi32, #tpu.memory_space<vmem>>) semaphore(%arg22 : memref<!tpu.dma_semaphore, #tpu.memory_space<semaphore_mem>>) {add = true}
    %dma_wait3A_224 = arith.constant 0 : i32
    %dma_wait3A_225 = arith.constant 0 : i32
    %dma_wait3A_226 = tpu.memref_slice %arg2[%dma_wait3A_224, %dma_wait3A_225] : memref<10000x160xbf16, #tpu.memory_space<hbm>> -> memref<128x160xbf16, #tpu.memory_space<hbm>>
    %dma_wait3A_227 = arith.constant 0 : i32
    %dma_wait3A_228 = arith.constant 0 : i32
    %dma_wait3A_229 = tpu.memref_slice %arg2[%dma_wait3A_227, %dma_wait3A_228] : memref<10000x160xbf16, #tpu.memory_space<hbm>> -> memref<128x160xbf16, #tpu.memory_space<hbm>>
    tpu.wait_dma2 semaphore(%arg22 : memref<!tpu.dma_semaphore, #tpu.memory_space<semaphore_mem>>) src(%dma_wait3A_229 : memref<128x160xbf16, #tpu.memory_space<hbm>>) dst(%arg13 : memref<128x160xbf16, #tpu.memory_space<vmem>>)
    %dma_start3A_230 = arith.constant 2 : i32
    %dma_start3A_231 = arith.constant 0 : i32
    %dma_start3A_232 = tpu.memref_slice %arg9[%dma_start3A_230, %dma_start3A_231] : memref<8x128xi32, #tpu.memory_space<vmem>> -> memref<1x128xi32, #tpu.memory_space<vmem>>
    %dma_start3A_233 = tpu.memref_squeeze %dma_start3A_232 : memref<1x128xi32, #tpu.memory_space<vmem>> -> memref<128xi32, #tpu.memory_space<vmem>>
    %dma_start3A_234 = arith.constant 0 : i32
    %dma_start3A_235 = arith.constant 0 : i32
    %dma_start3A_236 = tpu.memref_slice %arg2[%dma_start3A_234, %dma_start3A_235] : memref<10000x160xbf16, #tpu.memory_space<hbm>> -> memref<10000x160xbf16, #tpu.memory_space<hbm>>
    tpu.enqueue_indirect_dma source(%dma_start3A_236 : memref<10000x160xbf16, #tpu.memory_space<hbm>>) target(%arg13 : memref<128x160xbf16, #tpu.memory_space<vmem>>) offsets(%dma_start3A_233 : memref<128xi32, #tpu.memory_space<vmem>>) semaphore(%arg18 : memref<!tpu.dma_semaphore, #tpu.memory_space<semaphore_mem>>)
    %dma_wait3A_237 = arith.constant 0 : i32
    %dma_wait3A_238 = arith.constant 0 : i32
    %dma_wait3A_239 = tpu.memref_slice %arg2[%dma_wait3A_237, %dma_wait3A_238] : memref<10000x160xbf16, #tpu.memory_space<hbm>> -> memref<128x160xbf16, #tpu.memory_space<hbm>>
    %dma_wait3A_240 = arith.constant 0 : i32
    %dma_wait3A_241 = arith.constant 0 : i32
    %dma_wait3A_242 = tpu.memref_slice %arg2[%dma_wait3A_240, %dma_wait3A_241] : memref<10000x160xbf16, #tpu.memory_space<hbm>> -> memref<128x160xbf16, #tpu.memory_space<hbm>>
    tpu.wait_dma2 semaphore(%arg19 : memref<!tpu.dma_semaphore, #tpu.memory_space<semaphore_mem>>) src(%dma_wait3A_242 : memref<128x160xbf16, #tpu.memory_space<hbm>>) dst(%arg14 : memref<128x160xbf16, #tpu.memory_space<vmem>>)
    %dma_start3A_243 = arith.constant 7 : i32
    %dma_start3A_244 = arith.constant 0 : i32
    %dma_start3A_245 = tpu.memref_slice %arg8[%dma_start3A_243, %dma_start3A_244] : memref<8x128xi32, #tpu.memory_space<vmem>> -> memref<1x128xi32, #tpu.memory_space<vmem>>
    %dma_start3A_246 = tpu.memref_squeeze %dma_start3A_245 : memref<1x128xi32, #tpu.memory_space<vmem>> -> memref<128xi32, #tpu.memory_space<vmem>>
    %dma_start3A_247 = arith.constant 0 : i32
    %dma_start3A_248 = arith.constant 0 : i32
    %dma_start3A_249 = tpu.memref_slice %arg15[%dma_start3A_247, %dma_start3A_248] : memref<10112x160xbf16, #tpu.memory_space<vmem_shared>> -> memref<10112x160xbf16, #tpu.memory_space<vmem_shared>>
    tpu.enqueue_indirect_dma source(%arg14 : memref<128x160xbf16, #tpu.memory_space<vmem>>) target(%dma_start3A_249 : memref<10112x160xbf16, #tpu.memory_space<vmem_shared>>) offsets(%dma_start3A_246 : memref<128xi32, #tpu.memory_space<vmem>>) semaphore(%arg23 : memref<!tpu.dma_semaphore, #tpu.memory_space<semaphore_mem>>) {add = true}
    %dma_wait3A_250 = arith.constant 0 : i32
    %dma_wait3A_251 = arith.constant 0 : i32
    %dma_wait3A_252 = tpu.memref_slice %arg2[%dma_wait3A_250, %dma_wait3A_251] : memref<10000x160xbf16, #tpu.memory_space<hbm>> -> memref<128x160xbf16, #tpu.memory_space<hbm>>
    %dma_wait3A_253 = arith.constant 0 : i32
    %dma_wait3A_254 = arith.constant 0 : i32
    %dma_wait3A_255 = tpu.memref_slice %arg2[%dma_wait3A_253, %dma_wait3A_254] : memref<10000x160xbf16, #tpu.memory_space<hbm>> -> memref<128x160xbf16, #tpu.memory_space<hbm>>
    tpu.wait_dma2 semaphore(%arg23 : memref<!tpu.dma_semaphore, #tpu.memory_space<semaphore_mem>>) src(%dma_wait3A_255 : memref<128x160xbf16, #tpu.memory_space<hbm>>) dst(%arg14 : memref<128x160xbf16, #tpu.memory_space<vmem>>)
    %add3A_256 = arith.constant 16 : i32
    %add3A_257 = arith.addi %mul3A_2, %add3A_256 : i32
    %dma_start3A_258 = arith.constant 0 : i32
    %dma_start3A_259 = tpu.memref_slice %arg3[%add3A_257, %dma_start3A_258] : memref<2568x128xi32, #tpu.memory_space<hbm>> -> memref<8x128xi32, #tpu.memory_space<hbm>>
    %dma_start3A_260 = arith.constant 0 : i32
    %dma_start3A_261 = tpu.memref_slice %arg3[%add3A_257, %dma_start3A_260] : memref<2568x128xi32, #tpu.memory_space<hbm>> -> memref<8x128xi32, #tpu.memory_space<hbm>>
    tpu.enqueue_dma source(%dma_start3A_261 : memref<8x128xi32, #tpu.memory_space<hbm>>) target(%arg7 : memref<8x128xi32, #tpu.memory_space<vmem>>) target_semaphore(%arg24 : memref<!tpu.dma_semaphore, #tpu.memory_space<semaphore_mem>>)
    %add3A_262 = arith.constant 16 : i32
    %add3A_263 = arith.addi %mul3A_2, %add3A_262 : i32
    %dma_start3A_264 = arith.constant 0 : i32
    %dma_start3A_265 = tpu.memref_slice %arg4[%add3A_263, %dma_start3A_264] : memref<2568x128xi32, #tpu.memory_space<hbm>> -> memref<8x128xi32, #tpu.memory_space<hbm>>
    %dma_start3A_266 = arith.constant 0 : i32
    %dma_start3A_267 = tpu.memref_slice %arg4[%add3A_263, %dma_start3A_266] : memref<2568x128xi32, #tpu.memory_space<hbm>> -> memref<8x128xi32, #tpu.memory_space<hbm>>
    tpu.enqueue_dma source(%dma_start3A_267 : memref<8x128xi32, #tpu.memory_space<hbm>>) target(%arg8 : memref<8x128xi32, #tpu.memory_space<vmem>>) target_semaphore(%arg24 : memref<!tpu.dma_semaphore, #tpu.memory_space<semaphore_mem>>)
    %dma_start3A_268 = arith.constant 3 : i32
    %dma_start3A_269 = arith.constant 0 : i32
    %dma_start3A_270 = tpu.memref_slice %arg9[%dma_start3A_268, %dma_start3A_269] : memref<8x128xi32, #tpu.memory_space<vmem>> -> memref<1x128xi32, #tpu.memory_space<vmem>>
    %dma_start3A_271 = tpu.memref_squeeze %dma_start3A_270 : memref<1x128xi32, #tpu.memory_space<vmem>> -> memref<128xi32, #tpu.memory_space<vmem>>
    %dma_start3A_272 = arith.constant 0 : i32
    %dma_start3A_273 = arith.constant 0 : i32
    %dma_start3A_274 = tpu.memref_slice %arg2[%dma_start3A_272, %dma_start3A_273] : memref<10000x160xbf16, #tpu.memory_space<hbm>> -> memref<10000x160xbf16, #tpu.memory_space<hbm>>
    tpu.enqueue_indirect_dma source(%dma_start3A_274 : memref<10000x160xbf16, #tpu.memory_space<hbm>>) target(%arg14 : memref<128x160xbf16, #tpu.memory_space<vmem>>) offsets(%dma_start3A_271 : memref<128xi32, #tpu.memory_space<vmem>>) semaphore(%arg19 : memref<!tpu.dma_semaphore, #tpu.memory_space<semaphore_mem>>)
    %dma_wait3A_275 = arith.constant 0 : i32
    %dma_wait3A_276 = arith.constant 0 : i32
    %dma_wait3A_277 = tpu.memref_slice %arg2[%dma_wait3A_275, %dma_wait3A_276] : memref<10000x160xbf16, #tpu.memory_space<hbm>> -> memref<128x160xbf16, #tpu.memory_space<hbm>>
    %dma_wait3A_278 = arith.constant 0 : i32
    %dma_wait3A_279 = arith.constant 0 : i32
    %dma_wait3A_280 = tpu.memref_slice %arg2[%dma_wait3A_278, %dma_wait3A_279] : memref<10000x160xbf16, #tpu.memory_space<hbm>> -> memref<128x160xbf16, #tpu.memory_space<hbm>>
    tpu.wait_dma2 semaphore(%arg16 : memref<!tpu.dma_semaphore, #tpu.memory_space<semaphore_mem>>) src(%dma_wait3A_280 : memref<128x160xbf16, #tpu.memory_space<hbm>>) dst(%arg11 : memref<128x160xbf16, #tpu.memory_space<vmem>>)
    %dma_start3A_281 = arith.constant 0 : i32
    %dma_start3A_282 = arith.constant 0 : i32
    %dma_start3A_283 = tpu.memref_slice %arg10[%dma_start3A_281, %dma_start3A_282] : memref<8x128xi32, #tpu.memory_space<vmem>> -> memref<1x128xi32, #tpu.memory_space<vmem>>
    %dma_start3A_284 = tpu.memref_squeeze %dma_start3A_283 : memref<1x128xi32, #tpu.memory_space<vmem>> -> memref<128xi32, #tpu.memory_space<vmem>>
    %dma_start3A_285 = arith.constant 0 : i32
    %dma_start3A_286 = arith.constant 0 : i32
    %dma_start3A_287 = tpu.memref_slice %arg15[%dma_start3A_285, %dma_start3A_286] : memref<10112x160xbf16, #tpu.memory_space<vmem_shared>> -> memref<10112x160xbf16, #tpu.memory_space<vmem_shared>>
    tpu.enqueue_indirect_dma source(%arg11 : memref<128x160xbf16, #tpu.memory_space<vmem>>) target(%dma_start3A_287 : memref<10112x160xbf16, #tpu.memory_space<vmem_shared>>) offsets(%dma_start3A_284 : memref<128xi32, #tpu.memory_space<vmem>>) semaphore(%arg20 : memref<!tpu.dma_semaphore, #tpu.memory_space<semaphore_mem>>) {add = true}
    %dma_wait3A_288 = arith.constant 0 : i32
    %dma_wait3A_289 = arith.constant 0 : i32
    %dma_wait3A_290 = tpu.memref_slice %arg2[%dma_wait3A_288, %dma_wait3A_289] : memref<10000x160xbf16, #tpu.memory_space<hbm>> -> memref<128x160xbf16, #tpu.memory_space<hbm>>
    %dma_wait3A_291 = arith.constant 0 : i32
    %dma_wait3A_292 = arith.constant 0 : i32
    %dma_wait3A_293 = tpu.memref_slice %arg2[%dma_wait3A_291, %dma_wait3A_292] : memref<10000x160xbf16, #tpu.memory_space<hbm>> -> memref<128x160xbf16, #tpu.memory_space<hbm>>
    tpu.wait_dma2 semaphore(%arg20 : memref<!tpu.dma_semaphore, #tpu.memory_space<semaphore_mem>>) src(%dma_wait3A_293 : memref<128x160xbf16, #tpu.memory_space<hbm>>) dst(%arg11 : memref<128x160xbf16, #tpu.memory_space<vmem>>)
    %dma_start3A_294 = arith.constant 4 : i32
    %dma_start3A_295 = arith.constant 0 : i32
    %dma_start3A_296 = tpu.memref_slice %arg9[%dma_start3A_294, %dma_start3A_295] : memref<8x128xi32, #tpu.memory_space<vmem>> -> memref<1x128xi32, #tpu.memory_space<vmem>>
    %dma_start3A_297 = tpu.memref_squeeze %dma_start3A_296 : memref<1x128xi32, #tpu.memory_space<vmem>> -> memref<128xi32, #tpu.memory_space<vmem>>
    %dma_start3A_298 = arith.constant 0 : i32
    %dma_start3A_299 = arith.constant 0 : i32
    %dma_start3A_300 = tpu.memref_slice %arg2[%dma_start3A_298, %dma_start3A_299] : memref<10000x160xbf16, #tpu.memory_space<hbm>> -> memref<10000x160xbf16, #tpu.memory_space<hbm>>
    tpu.enqueue_indirect_dma source(%dma_start3A_300 : memref<10000x160xbf16, #tpu.memory_space<hbm>>) target(%arg11 : memref<128x160xbf16, #tpu.memory_space<vmem>>) offsets(%dma_start3A_297 : memref<128xi32, #tpu.memory_space<vmem>>) semaphore(%arg16 : memref<!tpu.dma_semaphore, #tpu.memory_space<semaphore_mem>>)
    %dma_wait3A_301 = arith.constant 0 : i32
    %dma_wait3A_302 = arith.constant 0 : i32
    %dma_wait3A_303 = tpu.memref_slice %arg2[%dma_wait3A_301, %dma_wait3A_302] : memref<10000x160xbf16, #tpu.memory_space<hbm>> -> memref<128x160xbf16, #tpu.memory_space<hbm>>
    %dma_wait3A_304 = arith.constant 0 : i32
    %dma_wait3A_305 = arith.constant 0 : i32
    %dma_wait3A_306 = tpu.memref_slice %arg2[%dma_wait3A_304, %dma_wait3A_305] : memref<10000x160xbf16, #tpu.memory_space<hbm>> -> memref<128x160xbf16, #tpu.memory_space<hbm>>
    tpu.wait_dma2 semaphore(%arg17 : memref<!tpu.dma_semaphore, #tpu.memory_space<semaphore_mem>>) src(%dma_wait3A_306 : memref<128x160xbf16, #tpu.memory_space<hbm>>) dst(%arg12 : memref<128x160xbf16, #tpu.memory_space<vmem>>)
    %dma_start3A_307 = arith.constant 1 : i32
    %dma_start3A_308 = arith.constant 0 : i32
    %dma_start3A_309 = tpu.memref_slice %arg10[%dma_start3A_307, %dma_start3A_308] : memref<8x128xi32, #tpu.memory_space<vmem>> -> memref<1x128xi32, #tpu.memory_space<vmem>>
    %dma_start3A_310 = tpu.memref_squeeze %dma_start3A_309 : memref<1x128xi32, #tpu.memory_space<vmem>> -> memref<128xi32, #tpu.memory_space<vmem>>
    %dma_start3A_311 = arith.constant 0 : i32
    %dma_start3A_312 = arith.constant 0 : i32
    %dma_start3A_313 = tpu.memref_slice %arg15[%dma_start3A_311, %dma_start3A_312] : memref<10112x160xbf16, #tpu.memory_space<vmem_shared>> -> memref<10112x160xbf16, #tpu.memory_space<vmem_shared>>
    tpu.enqueue_indirect_dma source(%arg12 : memref<128x160xbf16, #tpu.memory_space<vmem>>) target(%dma_start3A_313 : memref<10112x160xbf16, #tpu.memory_space<vmem_shared>>) offsets(%dma_start3A_310 : memref<128xi32, #tpu.memory_space<vmem>>) semaphore(%arg21 : memref<!tpu.dma_semaphore, #tpu.memory_space<semaphore_mem>>) {add = true}
    %dma_wait3A_314 = arith.constant 0 : i32
    %dma_wait3A_315 = arith.constant 0 : i32
    %dma_wait3A_316 = tpu.memref_slice %arg2[%dma_wait3A_314, %dma_wait3A_315] : memref<10000x160xbf16, #tpu.memory_space<hbm>> -> memref<128x160xbf16, #tpu.memory_space<hbm>>
    %dma_wait3A_317 = arith.constant 0 : i32
    %dma_wait3A_318 = arith.constant 0 : i32
    %dma_wait3A_319 = tpu.memref_slice %arg2[%dma_wait3A_317, %dma_wait3A_318] : memref<10000x160xbf16, #tpu.memory_space<hbm>> -> memref<128x160xbf16, #tpu.memory_space<hbm>>
    tpu.wait_dma2 semaphore(%arg21 : memref<!tpu.dma_semaphore, #tpu.memory_space<semaphore_mem>>) src(%dma_wait3A_319 : memref<128x160xbf16, #tpu.memory_space<hbm>>) dst(%arg12 : memref<128x160xbf16, #tpu.memory_space<vmem>>)
    %dma_start3A_320 = arith.constant 5 : i32
    %dma_start3A_321 = arith.constant 0 : i32
    %dma_start3A_322 = tpu.memref_slice %arg9[%dma_start3A_320, %dma_start3A_321] : memref<8x128xi32, #tpu.memory_space<vmem>> -> memref<1x128xi32, #tpu.memory_space<vmem>>
    %dma_start3A_323 = tpu.memref_squeeze %dma_start3A_322 : memref<1x128xi32, #tpu.memory_space<vmem>> -> memref<128xi32, #tpu.memory_space<vmem>>
    %dma_start3A_324 = arith.constant 0 : i32
    %dma_start3A_325 = arith.constant 0 : i32
    %dma_start3A_326 = tpu.memref_slice %arg2[%dma_start3A_324, %dma_start3A_325] : memref<10000x160xbf16, #tpu.memory_space<hbm>> -> memref<10000x160xbf16, #tpu.memory_space<hbm>>
    tpu.enqueue_indirect_dma source(%dma_start3A_326 : memref<10000x160xbf16, #tpu.memory_space<hbm>>) target(%arg12 : memref<128x160xbf16, #tpu.memory_space<vmem>>) offsets(%dma_start3A_323 : memref<128xi32, #tpu.memory_space<vmem>>) semaphore(%arg17 : memref<!tpu.dma_semaphore, #tpu.memory_space<semaphore_mem>>)
    %dma_wait3A_327 = arith.constant 0 : i32
    %dma_wait3A_328 = arith.constant 0 : i32
    %dma_wait3A_329 = tpu.memref_slice %arg2[%dma_wait3A_327, %dma_wait3A_328] : memref<10000x160xbf16, #tpu.memory_space<hbm>> -> memref<128x160xbf16, #tpu.memory_space<hbm>>
    %dma_wait3A_330 = arith.constant 0 : i32
    %dma_wait3A_331 = arith.constant 0 : i32
    %dma_wait3A_332 = tpu.memref_slice %arg2[%dma_wait3A_330, %dma_wait3A_331] : memref<10000x160xbf16, #tpu.memory_space<hbm>> -> memref<128x160xbf16, #tpu.memory_space<hbm>>
    tpu.wait_dma2 semaphore(%arg18 : memref<!tpu.dma_semaphore, #tpu.memory_space<semaphore_mem>>) src(%dma_wait3A_332 : memref<128x160xbf16, #tpu.memory_space<hbm>>) dst(%arg13 : memref<128x160xbf16, #tpu.memory_space<vmem>>)
    %dma_start3A_333 = arith.constant 2 : i32
    %dma_start3A_334 = arith.constant 0 : i32
    %dma_start3A_335 = tpu.memref_slice %arg10[%dma_start3A_333, %dma_start3A_334] : memref<8x128xi32, #tpu.memory_space<vmem>> -> memref<1x128xi32, #tpu.memory_space<vmem>>
    %dma_start3A_336 = tpu.memref_squeeze %dma_start3A_335 : memref<1x128xi32, #tpu.memory_space<vmem>> -> memref<128xi32, #tpu.memory_space<vmem>>
    %dma_start3A_337 = arith.constant 0 : i32
    %dma_start3A_338 = arith.constant 0 : i32
    %dma_start3A_339 = tpu.memref_slice %arg15[%dma_start3A_337, %dma_start3A_338] : memref<10112x160xbf16, #tpu.memory_space<vmem_shared>> -> memref<10112x160xbf16, #tpu.memory_space<vmem_shared>>
    tpu.enqueue_indirect_dma source(%arg13 : memref<128x160xbf16, #tpu.memory_space<vmem>>) target(%dma_start3A_339 : memref<10112x160xbf16, #tpu.memory_space<vmem_shared>>) offsets(%dma_start3A_336 : memref<128xi32, #tpu.memory_space<vmem>>) semaphore(%arg22 : memref<!tpu.dma_semaphore, #tpu.memory_space<semaphore_mem>>) {add = true}
    %dma_wait3A_340 = arith.constant 0 : i32
    %dma_wait3A_341 = arith.constant 0 : i32
    %dma_wait3A_342 = tpu.memref_slice %arg2[%dma_wait3A_340, %dma_wait3A_341] : memref<10000x160xbf16, #tpu.memory_space<hbm>> -> memref<128x160xbf16, #tpu.memory_space<hbm>>
    %dma_wait3A_343 = arith.constant 0 : i32
    %dma_wait3A_344 = arith.constant 0 : i32
    %dma_wait3A_345 = tpu.memref_slice %arg2[%dma_wait3A_343, %dma_wait3A_344] : memref<10000x160xbf16, #tpu.memory_space<hbm>> -> memref<128x160xbf16, #tpu.memory_space<hbm>>
    tpu.wait_dma2 semaphore(%arg22 : memref<!tpu.dma_semaphore, #tpu.memory_space<semaphore_mem>>) src(%dma_wait3A_345 : memref<128x160xbf16, #tpu.memory_space<hbm>>) dst(%arg13 : memref<128x160xbf16, #tpu.memory_space<vmem>>)
    %dma_start3A_346 = arith.constant 6 : i32
    %dma_start3A_347 = arith.constant 0 : i32
    %dma_start3A_348 = tpu.memref_slice %arg9[%dma_start3A_346, %dma_start3A_347] : memref<8x128xi32, #tpu.memory_space<vmem>> -> memref<1x128xi32, #tpu.memory_space<vmem>>
    %dma_start3A_349 = tpu.memref_squeeze %dma_start3A_348 : memref<1x128xi32, #tpu.memory_space<vmem>> -> memref<128xi32, #tpu.memory_space<vmem>>
    %dma_start3A_350 = arith.constant 0 : i32
    %dma_start3A_351 = arith.constant 0 : i32
    %dma_start3A_352 = tpu.memref_slice %arg2[%dma_start3A_350, %dma_start3A_351] : memref<10000x160xbf16, #tpu.memory_space<hbm>> -> memref<10000x160xbf16, #tpu.memory_space<hbm>>
    tpu.enqueue_indirect_dma source(%dma_start3A_352 : memref<10000x160xbf16, #tpu.memory_space<hbm>>) target(%arg13 : memref<128x160xbf16, #tpu.memory_space<vmem>>) offsets(%dma_start3A_349 : memref<128xi32, #tpu.memory_space<vmem>>) semaphore(%arg18 : memref<!tpu.dma_semaphore, #tpu.memory_space<semaphore_mem>>)
    %dma_wait3A_353 = arith.constant 0 : i32
    %dma_wait3A_354 = arith.constant 0 : i32
    %dma_wait3A_355 = tpu.memref_slice %arg2[%dma_wait3A_353, %dma_wait3A_354] : memref<10000x160xbf16, #tpu.memory_space<hbm>> -> memref<128x160xbf16, #tpu.memory_space<hbm>>
    %dma_wait3A_356 = arith.constant 0 : i32
    %dma_wait3A_357 = arith.constant 0 : i32
    %dma_wait3A_358 = tpu.memref_slice %arg2[%dma_wait3A_356, %dma_wait3A_357] : memref<10000x160xbf16, #tpu.memory_space<hbm>> -> memref<128x160xbf16, #tpu.memory_space<hbm>>
    tpu.wait_dma2 semaphore(%arg19 : memref<!tpu.dma_semaphore, #tpu.memory_space<semaphore_mem>>) src(%dma_wait3A_358 : memref<128x160xbf16, #tpu.memory_space<hbm>>) dst(%arg14 : memref<128x160xbf16, #tpu.memory_space<vmem>>)
    %dma_start3A_359 = arith.constant 3 : i32
    %dma_start3A_360 = arith.constant 0 : i32
    %dma_start3A_361 = tpu.memref_slice %arg10[%dma_start3A_359, %dma_start3A_360] : memref<8x128xi32, #tpu.memory_space<vmem>> -> memref<1x128xi32, #tpu.memory_space<vmem>>
    %dma_start3A_362 = tpu.memref_squeeze %dma_start3A_361 : memref<1x128xi32, #tpu.memory_space<vmem>> -> memref<128xi32, #tpu.memory_space<vmem>>
    %dma_start3A_363 = arith.constant 0 : i32
    %dma_start3A_364 = arith.constant 0 : i32
    %dma_start3A_365 = tpu.memref_slice %arg15[%dma_start3A_363, %dma_start3A_364] : memref<10112x160xbf16, #tpu.memory_space<vmem_shared>> -> memref<10112x160xbf16, #tpu.memory_space<vmem_shared>>
    tpu.enqueue_indirect_dma source(%arg14 : memref<128x160xbf16, #tpu.memory_space<vmem>>) target(%dma_start3A_365 : memref<10112x160xbf16, #tpu.memory_space<vmem_shared>>) offsets(%dma_start3A_362 : memref<128xi32, #tpu.memory_space<vmem>>) semaphore(%arg23 : memref<!tpu.dma_semaphore, #tpu.memory_space<semaphore_mem>>) {add = true}
    %dma_wait3A_366 = arith.constant 0 : i32
    %dma_wait3A_367 = arith.constant 0 : i32
    %dma_wait3A_368 = tpu.memref_slice %arg2[%dma_wait3A_366, %dma_wait3A_367] : memref<10000x160xbf16, #tpu.memory_space<hbm>> -> memref<128x160xbf16, #tpu.memory_space<hbm>>
    %dma_wait3A_369 = arith.constant 0 : i32
    %dma_wait3A_370 = arith.constant 0 : i32
    %dma_wait3A_371 = tpu.memref_slice %arg2[%dma_wait3A_369, %dma_wait3A_370] : memref<10000x160xbf16, #tpu.memory_space<hbm>> -> memref<128x160xbf16, #tpu.memory_space<hbm>>
    tpu.wait_dma2 semaphore(%arg23 : memref<!tpu.dma_semaphore, #tpu.memory_space<semaphore_mem>>) src(%dma_wait3A_371 : memref<128x160xbf16, #tpu.memory_space<hbm>>) dst(%arg14 : memref<128x160xbf16, #tpu.memory_space<vmem>>)
    %dma_start3A_372 = arith.constant 7 : i32
    %dma_start3A_373 = arith.constant 0 : i32
    %dma_start3A_374 = tpu.memref_slice %arg9[%dma_start3A_372, %dma_start3A_373] : memref<8x128xi32, #tpu.memory_space<vmem>> -> memref<1x128xi32, #tpu.memory_space<vmem>>
    %dma_start3A_375 = tpu.memref_squeeze %dma_start3A_374 : memref<1x128xi32, #tpu.memory_space<vmem>> -> memref<128xi32, #tpu.memory_space<vmem>>
    %dma_start3A_376 = arith.constant 0 : i32
    %dma_start3A_377 = arith.constant 0 : i32
    %dma_start3A_378 = tpu.memref_slice %arg2[%dma_start3A_376, %dma_start3A_377] : memref<10000x160xbf16, #tpu.memory_space<hbm>> -> memref<10000x160xbf16, #tpu.memory_space<hbm>>
    tpu.enqueue_indirect_dma source(%dma_start3A_378 : memref<10000x160xbf16, #tpu.memory_space<hbm>>) target(%arg14 : memref<128x160xbf16, #tpu.memory_space<vmem>>) offsets(%dma_start3A_375 : memref<128xi32, #tpu.memory_space<vmem>>) semaphore(%arg19 : memref<!tpu.dma_semaphore, #tpu.memory_space<semaphore_mem>>)
    %dma_wait3A_379 = arith.constant 0 : i32
    %dma_wait3A_380 = arith.constant 0 : i32
    %dma_wait3A_381 = tpu.memref_slice %arg2[%dma_wait3A_379, %dma_wait3A_380] : memref<10000x160xbf16, #tpu.memory_space<hbm>> -> memref<128x160xbf16, #tpu.memory_space<hbm>>
    %dma_wait3A_382 = arith.constant 0 : i32
    %dma_wait3A_383 = arith.constant 0 : i32
    %dma_wait3A_384 = tpu.memref_slice %arg2[%dma_wait3A_382, %dma_wait3A_383] : memref<10000x160xbf16, #tpu.memory_space<hbm>> -> memref<128x160xbf16, #tpu.memory_space<hbm>>
    tpu.wait_dma2 semaphore(%arg16 : memref<!tpu.dma_semaphore, #tpu.memory_space<semaphore_mem>>) src(%dma_wait3A_384 : memref<128x160xbf16, #tpu.memory_space<hbm>>) dst(%arg11 : memref<128x160xbf16, #tpu.memory_space<vmem>>)
    %dma_start3A_385 = arith.constant 4 : i32
    %dma_start3A_386 = arith.constant 0 : i32
    %dma_start3A_387 = tpu.memref_slice %arg10[%dma_start3A_385, %dma_start3A_386] : memref<8x128xi32, #tpu.memory_space<vmem>> -> memref<1x128xi32, #tpu.memory_space<vmem>>
    %dma_start3A_388 = tpu.memref_squeeze %dma_start3A_387 : memref<1x128xi32, #tpu.memory_space<vmem>> -> memref<128xi32, #tpu.memory_space<vmem>>
    %dma_start3A_389 = arith.constant 0 : i32
    %dma_start3A_390 = arith.constant 0 : i32
    %dma_start3A_391 = tpu.memref_slice %arg15[%dma_start3A_389, %dma_start3A_390] : memref<10112x160xbf16, #tpu.memory_space<vmem_shared>> -> memref<10112x160xbf16, #tpu.memory_space<vmem_shared>>
    tpu.enqueue_indirect_dma source(%arg11 : memref<128x160xbf16, #tpu.memory_space<vmem>>) target(%dma_start3A_391 : memref<10112x160xbf16, #tpu.memory_space<vmem_shared>>) offsets(%dma_start3A_388 : memref<128xi32, #tpu.memory_space<vmem>>) semaphore(%arg20 : memref<!tpu.dma_semaphore, #tpu.memory_space<semaphore_mem>>) {add = true}
    %dma_wait3A_392 = arith.constant 0 : i32
    %dma_wait3A_393 = arith.constant 0 : i32
    %dma_wait3A_394 = tpu.memref_slice %arg2[%dma_wait3A_392, %dma_wait3A_393] : memref<10000x160xbf16, #tpu.memory_space<hbm>> -> memref<128x160xbf16, #tpu.memory_space<hbm>>
    %dma_wait3A_395 = arith.constant 0 : i32
    %dma_wait3A_396 = arith.constant 0 : i32
    %dma_wait3A_397 = tpu.memref_slice %arg2[%dma_wait3A_395, %dma_wait3A_396] : memref<10000x160xbf16, #tpu.memory_space<hbm>> -> memref<128x160xbf16, #tpu.memory_space<hbm>>
    tpu.wait_dma2 semaphore(%arg20 : memref<!tpu.dma_semaphore, #tpu.memory_space<semaphore_mem>>) src(%dma_wait3A_397 : memref<128x160xbf16, #tpu.memory_space<hbm>>) dst(%arg11 : memref<128x160xbf16, #tpu.memory_space<vmem>>)
    %dma_wait3A_398 = arith.constant 0 : i32
    %dma_wait3A_399 = tpu.memref_slice %arg3[%mul3A_2, %dma_wait3A_398] : memref<2568x128xi32, #tpu.memory_space<hbm>> -> memref<8x128xi32, #tpu.memory_space<hbm>>
    %dma_wait3A_400 = arith.constant 0 : i32
    %dma_wait3A_401 = tpu.memref_slice %arg3[%mul3A_2, %dma_wait3A_400] : memref<2568x128xi32, #tpu.memory_space<hbm>> -> memref<8x128xi32, #tpu.memory_space<hbm>>
    tpu.wait_dma2 semaphore(%arg24 : memref<!tpu.dma_semaphore, #tpu.memory_space<semaphore_mem>>) src(%dma_wait3A_401 : memref<8x128xi32, #tpu.memory_space<hbm>>) dst(%arg7 : memref<8x128xi32, #tpu.memory_space<vmem>>)
    %dma_wait3A_402 = arith.constant 0 : i32
    %dma_wait3A_403 = tpu.memref_slice %arg4[%mul3A_2, %dma_wait3A_402] : memref<2568x128xi32, #tpu.memory_space<hbm>> -> memref<8x128xi32, #tpu.memory_space<hbm>>
    %dma_wait3A_404 = arith.constant 0 : i32
    %dma_wait3A_405 = tpu.memref_slice %arg4[%mul3A_2, %dma_wait3A_404] : memref<2568x128xi32, #tpu.memory_space<hbm>> -> memref<8x128xi32, #tpu.memory_space<hbm>>
    tpu.wait_dma2 semaphore(%arg24 : memref<!tpu.dma_semaphore, #tpu.memory_space<semaphore_mem>>) src(%dma_wait3A_405 : memref<8x128xi32, #tpu.memory_space<hbm>>) dst(%arg8 : memref<8x128xi32, #tpu.memory_space<vmem>>)
    %dma_start3A_406 = arith.constant 0 : i32
    %dma_start3A_407 = arith.constant 0 : i32
    %dma_start3A_408 = tpu.memref_slice %arg7[%dma_start3A_406, %dma_start3A_407] : memref<8x128xi32, #tpu.memory_space<vmem>> -> memref<1x128xi32, #tpu.memory_space<vmem>>
    %dma_start3A_409 = tpu.memref_squeeze %dma_start3A_408 : memref<1x128xi32, #tpu.memory_space<vmem>> -> memref<128xi32, #tpu.memory_space<vmem>>
    %dma_start3A_410 = arith.constant 0 : i32
    %dma_start3A_411 = arith.constant 0 : i32
    %dma_start3A_412 = tpu.memref_slice %arg2[%dma_start3A_410, %dma_start3A_411] : memref<10000x160xbf16, #tpu.memory_space<hbm>> -> memref<10000x160xbf16, #tpu.memory_space<hbm>>
    tpu.enqueue_indirect_dma source(%dma_start3A_412 : memref<10000x160xbf16, #tpu.memory_space<hbm>>) target(%arg11 : memref<128x160xbf16, #tpu.memory_space<vmem>>) offsets(%dma_start3A_409 : memref<128xi32, #tpu.memory_space<vmem>>) semaphore(%arg16 : memref<!tpu.dma_semaphore, #tpu.memory_space<semaphore_mem>>)
    %dma_wait3A_413 = arith.constant 0 : i32
    %dma_wait3A_414 = arith.constant 0 : i32
    %dma_wait3A_415 = tpu.memref_slice %arg2[%dma_wait3A_413, %dma_wait3A_414] : memref<10000x160xbf16, #tpu.memory_space<hbm>> -> memref<128x160xbf16, #tpu.memory_space<hbm>>
    %dma_wait3A_416 = arith.constant 0 : i32
    %dma_wait3A_417 = arith.constant 0 : i32
    %dma_wait3A_418 = tpu.memref_slice %arg2[%dma_wait3A_416, %dma_wait3A_417] : memref<10000x160xbf16, #tpu.memory_space<hbm>> -> memref<128x160xbf16, #tpu.memory_space<hbm>>
    tpu.wait_dma2 semaphore(%arg17 : memref<!tpu.dma_semaphore, #tpu.memory_space<semaphore_mem>>) src(%dma_wait3A_418 : memref<128x160xbf16, #tpu.memory_space<hbm>>) dst(%arg12 : memref<128x160xbf16, #tpu.memory_space<vmem>>)
    %dma_start3A_419 = arith.constant 5 : i32
    %dma_start3A_420 = arith.constant 0 : i32
    %dma_start3A_421 = tpu.memref_slice %arg10[%dma_start3A_419, %dma_start3A_420] : memref<8x128xi32, #tpu.memory_space<vmem>> -> memref<1x128xi32, #tpu.memory_space<vmem>>
    %dma_start3A_422 = tpu.memref_squeeze %dma_start3A_421 : memref<1x128xi32, #tpu.memory_space<vmem>> -> memref<128xi32, #tpu.memory_space<vmem>>
    %dma_start3A_423 = arith.constant 0 : i32
    %dma_start3A_424 = arith.constant 0 : i32
    %dma_start3A_425 = tpu.memref_slice %arg15[%dma_start3A_423, %dma_start3A_424] : memref<10112x160xbf16, #tpu.memory_space<vmem_shared>> -> memref<10112x160xbf16, #tpu.memory_space<vmem_shared>>
    tpu.enqueue_indirect_dma source(%arg12 : memref<128x160xbf16, #tpu.memory_space<vmem>>) target(%dma_start3A_425 : memref<10112x160xbf16, #tpu.memory_space<vmem_shared>>) offsets(%dma_start3A_422 : memref<128xi32, #tpu.memory_space<vmem>>) semaphore(%arg21 : memref<!tpu.dma_semaphore, #tpu.memory_space<semaphore_mem>>) {add = true}
    %dma_wait3A_426 = arith.constant 0 : i32
    %dma_wait3A_427 = arith.constant 0 : i32
    %dma_wait3A_428 = tpu.memref_slice %arg2[%dma_wait3A_426, %dma_wait3A_427] : memref<10000x160xbf16, #tpu.memory_space<hbm>> -> memref<128x160xbf16, #tpu.memory_space<hbm>>
    %dma_wait3A_429 = arith.constant 0 : i32
    %dma_wait3A_430 = arith.constant 0 : i32
    %dma_wait3A_431 = tpu.memref_slice %arg2[%dma_wait3A_429, %dma_wait3A_430] : memref<10000x160xbf16, #tpu.memory_space<hbm>> -> memref<128x160xbf16, #tpu.memory_space<hbm>>
    tpu.wait_dma2 semaphore(%arg21 : memref<!tpu.dma_semaphore, #tpu.memory_space<semaphore_mem>>) src(%dma_wait3A_431 : memref<128x160xbf16, #tpu.memory_space<hbm>>) dst(%arg12 : memref<128x160xbf16, #tpu.memory_space<vmem>>)
    %dma_start3A_432 = arith.constant 1 : i32
    %dma_start3A_433 = arith.constant 0 : i32
    %dma_start3A_434 = tpu.memref_slice %arg7[%dma_start3A_432, %dma_start3A_433] : memref<8x128xi32, #tpu.memory_space<vmem>> -> memref<1x128xi32, #tpu.memory_space<vmem>>
    %dma_start3A_435 = tpu.memref_squeeze %dma_start3A_434 : memref<1x128xi32, #tpu.memory_space<vmem>> -> memref<128xi32, #tpu.memory_space<vmem>>
    %dma_start3A_436 = arith.constant 0 : i32
    %dma_start3A_437 = arith.constant 0 : i32
    %dma_start3A_438 = tpu.memref_slice %arg2[%dma_start3A_436, %dma_start3A_437] : memref<10000x160xbf16, #tpu.memory_space<hbm>> -> memref<10000x160xbf16, #tpu.memory_space<hbm>>
    tpu.enqueue_indirect_dma source(%dma_start3A_438 : memref<10000x160xbf16, #tpu.memory_space<hbm>>) target(%arg12 : memref<128x160xbf16, #tpu.memory_space<vmem>>) offsets(%dma_start3A_435 : memref<128xi32, #tpu.memory_space<vmem>>) semaphore(%arg17 : memref<!tpu.dma_semaphore, #tpu.memory_space<semaphore_mem>>)
    %dma_wait3A_439 = arith.constant 0 : i32
    %dma_wait3A_440 = arith.constant 0 : i32
    %dma_wait3A_441 = tpu.memref_slice %arg2[%dma_wait3A_439, %dma_wait3A_440] : memref<10000x160xbf16, #tpu.memory_space<hbm>> -> memref<128x160xbf16, #tpu.memory_space<hbm>>
    %dma_wait3A_442 = arith.constant 0 : i32
    %dma_wait3A_443 = arith.constant 0 : i32
    %dma_wait3A_444 = tpu.memref_slice %arg2[%dma_wait3A_442, %dma_wait3A_443] : memref<10000x160xbf16, #tpu.memory_space<hbm>> -> memref<128x160xbf16, #tpu.memory_space<hbm>>
    tpu.wait_dma2 semaphore(%arg18 : memref<!tpu.dma_semaphore, #tpu.memory_space<semaphore_mem>>) src(%dma_wait3A_444 : memref<128x160xbf16, #tpu.memory_space<hbm>>) dst(%arg13 : memref<128x160xbf16, #tpu.memory_space<vmem>>)
    %dma_start3A_445 = arith.constant 6 : i32
    %dma_start3A_446 = arith.constant 0 : i32
    %dma_start3A_447 = tpu.memref_slice %arg10[%dma_start3A_445, %dma_start3A_446] : memref<8x128xi32, #tpu.memory_space<vmem>> -> memref<1x128xi32, #tpu.memory_space<vmem>>
    %dma_start3A_448 = tpu.memref_squeeze %dma_start3A_447 : memref<1x128xi32, #tpu.memory_space<vmem>> -> memref<128xi32, #tpu.memory_space<vmem>>
    %dma_start3A_449 = arith.constant 0 : i32
    %dma_start3A_450 = arith.constant 0 : i32
    %dma_start3A_451 = tpu.memref_slice %arg15[%dma_start3A_449, %dma_start3A_450] : memref<10112x160xbf16, #tpu.memory_space<vmem_shared>> -> memref<10112x160xbf16, #tpu.memory_space<vmem_shared>>
    tpu.enqueue_indirect_dma source(%arg13 : memref<128x160xbf16, #tpu.memory_space<vmem>>) target(%dma_start3A_451 : memref<10112x160xbf16, #tpu.memory_space<vmem_shared>>) offsets(%dma_start3A_448 : memref<128xi32, #tpu.memory_space<vmem>>) semaphore(%arg22 : memref<!tpu.dma_semaphore, #tpu.memory_space<semaphore_mem>>) {add = true}
    %dma_wait3A_452 = arith.constant 0 : i32
    %dma_wait3A_453 = arith.constant 0 : i32
    %dma_wait3A_454 = tpu.memref_slice %arg2[%dma_wait3A_452, %dma_wait3A_453] : memref<10000x160xbf16, #tpu.memory_space<hbm>> -> memref<128x160xbf16, #tpu.memory_space<hbm>>
    %dma_wait3A_455 = arith.constant 0 : i32
    %dma_wait3A_456 = arith.constant 0 : i32
    %dma_wait3A_457 = tpu.memref_slice %arg2[%dma_wait3A_455, %dma_wait3A_456] : memref<10000x160xbf16, #tpu.memory_space<hbm>> -> memref<128x160xbf16, #tpu.memory_space<hbm>>
    tpu.wait_dma2 semaphore(%arg22 : memref<!tpu.dma_semaphore, #tpu.memory_space<semaphore_mem>>) src(%dma_wait3A_457 : memref<128x160xbf16, #tpu.memory_space<hbm>>) dst(%arg13 : memref<128x160xbf16, #tpu.memory_space<vmem>>)
    %dma_start3A_458 = arith.constant 2 : i32
    %dma_start3A_459 = arith.constant 0 : i32
    %dma_start3A_460 = tpu.memref_slice %arg7[%dma_start3A_458, %dma_start3A_459] : memref<8x128xi32, #tpu.memory_space<vmem>> -> memref<1x128xi32, #tpu.memory_space<vmem>>
    %dma_start3A_461 = tpu.memref_squeeze %dma_start3A_460 : memref<1x128xi32, #tpu.memory_space<vmem>> -> memref<128xi32, #tpu.memory_space<vmem>>
    %dma_start3A_462 = arith.constant 0 : i32
    %dma_start3A_463 = arith.constant 0 : i32
    %dma_start3A_464 = tpu.memref_slice %arg2[%dma_start3A_462, %dma_start3A_463] : memref<10000x160xbf16, #tpu.memory_space<hbm>> -> memref<10000x160xbf16, #tpu.memory_space<hbm>>
    tpu.enqueue_indirect_dma source(%dma_start3A_464 : memref<10000x160xbf16, #tpu.memory_space<hbm>>) target(%arg13 : memref<128x160xbf16, #tpu.memory_space<vmem>>) offsets(%dma_start3A_461 : memref<128xi32, #tpu.memory_space<vmem>>) semaphore(%arg18 : memref<!tpu.dma_semaphore, #tpu.memory_space<semaphore_mem>>)
    %dma_wait3A_465 = arith.constant 0 : i32
    %dma_wait3A_466 = arith.constant 0 : i32
    %dma_wait3A_467 = tpu.memref_slice %arg2[%dma_wait3A_465, %dma_wait3A_466] : memref<10000x160xbf16, #tpu.memory_space<hbm>> -> memref<128x160xbf16, #tpu.memory_space<hbm>>
    %dma_wait3A_468 = arith.constant 0 : i32
    %dma_wait3A_469 = arith.constant 0 : i32
    %dma_wait3A_470 = tpu.memref_slice %arg2[%dma_wait3A_468, %dma_wait3A_469] : memref<10000x160xbf16, #tpu.memory_space<hbm>> -> memref<128x160xbf16, #tpu.memory_space<hbm>>
    tpu.wait_dma2 semaphore(%arg19 : memref<!tpu.dma_semaphore, #tpu.memory_space<semaphore_mem>>) src(%dma_wait3A_470 : memref<128x160xbf16, #tpu.memory_space<hbm>>) dst(%arg14 : memref<128x160xbf16, #tpu.memory_space<vmem>>)
    %dma_start3A_471 = arith.constant 7 : i32
    %dma_start3A_472 = arith.constant 0 : i32
    %dma_start3A_473 = tpu.memref_slice %arg10[%dma_start3A_471, %dma_start3A_472] : memref<8x128xi32, #tpu.memory_space<vmem>> -> memref<1x128xi32, #tpu.memory_space<vmem>>
    %dma_start3A_474 = tpu.memref_squeeze %dma_start3A_473 : memref<1x128xi32, #tpu.memory_space<vmem>> -> memref<128xi32, #tpu.memory_space<vmem>>
    %dma_start3A_475 = arith.constant 0 : i32
    %dma_start3A_476 = arith.constant 0 : i32
    %dma_start3A_477 = tpu.memref_slice %arg15[%dma_start3A_475, %dma_start3A_476] : memref<10112x160xbf16, #tpu.memory_space<vmem_shared>> -> memref<10112x160xbf16, #tpu.memory_space<vmem_shared>>
    tpu.enqueue_indirect_dma source(%arg14 : memref<128x160xbf16, #tpu.memory_space<vmem>>) target(%dma_start3A_477 : memref<10112x160xbf16, #tpu.memory_space<vmem_shared>>) offsets(%dma_start3A_474 : memref<128xi32, #tpu.memory_space<vmem>>) semaphore(%arg23 : memref<!tpu.dma_semaphore, #tpu.memory_space<semaphore_mem>>) {add = true}
    %scan3A = arith.constant 0 : i32
    %scan3A_478 = arith.constant 4 : i32
    %scan3A_479 = arith.addi %scan3A, %scan3A_478 : i32
    %scan3A_480 = arith.constant 1 : i32
    scf.for %scan3A_507 = %scan3A to %scan3A_479 step %scan3A_480  : i32 {
      %mul3A_508 = arith.constant 1 : i32
      %mul3A_509 = arith.muli %scan3A_507, %mul3A_508 : i32
      %add3A_510 = arith.constant 0 : i32
      %add3A_511 = arith.addi %add3A_510, %mul3A_509 : i32
      %mul3A_512 = arith.constant 2 : i32
      %mul3A_513 = arith.muli %mul3A_512, %add3A_511 : i32
      %add3A_514 = arith.constant 2 : i32
      %add3A_515 = arith.addi %add3A_514, %mul3A_513 : i32
      %dma_wait3A_516 = arith.constant 0 : i32
      %dma_wait3A_517 = arith.constant 0 : i32
      %dma_wait3A_518 = tpu.memref_slice %arg2[%dma_wait3A_516, %dma_wait3A_517] : memref<10000x160xbf16, #tpu.memory_space<hbm>> -> memref<128x160xbf16, #tpu.memory_space<hbm>>
      %dma_wait3A_519 = arith.constant 0 : i32
      %dma_wait3A_520 = arith.constant 0 : i32
      %dma_wait3A_521 = tpu.memref_slice %arg2[%dma_wait3A_519, %dma_wait3A_520] : memref<10000x160xbf16, #tpu.memory_space<hbm>> -> memref<128x160xbf16, #tpu.memory_space<hbm>>
      tpu.wait_dma2 semaphore(%arg23 : memref<!tpu.dma_semaphore, #tpu.memory_space<semaphore_mem>>) src(%dma_wait3A_521 : memref<128x160xbf16, #tpu.memory_space<hbm>>) dst(%arg14 : memref<128x160xbf16, #tpu.memory_space<vmem>>)
      %add3A_522 = arith.constant 1 : i32
      %add3A_523 = arith.addi %add3A_515, %add3A_522 : i32
      %mul3A_524 = arith.constant 8 : i32
      %mul3A_525 = arith.muli %add3A_523, %mul3A_524 : i32
      %add3A_526 = arith.addi %mul3A_2, %mul3A_525 : i32
      %dma_start3A_527 = arith.constant 0 : i32
      %dma_start3A_528 = tpu.memref_slice %arg3[%add3A_526, %dma_start3A_527] : memref<2568x128xi32, #tpu.memory_space<hbm>> -> memref<8x128xi32, #tpu.memory_space<hbm>>
      %dma_start3A_529 = arith.constant 0 : i32
      %dma_start3A_530 = tpu.memref_slice %arg3[%add3A_526, %dma_start3A_529] : memref<2568x128xi32, #tpu.memory_space<hbm>> -> memref<8x128xi32, #tpu.memory_space<hbm>>
      tpu.enqueue_dma source(%dma_start3A_530 : memref<8x128xi32, #tpu.memory_space<hbm>>) target(%arg9 : memref<8x128xi32, #tpu.memory_space<vmem>>) target_semaphore(%arg25 : memref<!tpu.dma_semaphore, #tpu.memory_space<semaphore_mem>>)
      %mul3A_531 = arith.constant 8 : i32
      %mul3A_532 = arith.muli %add3A_523, %mul3A_531 : i32
      %add3A_533 = arith.addi %mul3A_2, %mul3A_532 : i32
      %dma_start3A_534 = arith.constant 0 : i32
      %dma_start3A_535 = tpu.memref_slice %arg4[%add3A_533, %dma_start3A_534] : memref<2568x128xi32, #tpu.memory_space<hbm>> -> memref<8x128xi32, #tpu.memory_space<hbm>>
      %dma_start3A_536 = arith.constant 0 : i32
      %dma_start3A_537 = tpu.memref_slice %arg4[%add3A_533, %dma_start3A_536] : memref<2568x128xi32, #tpu.memory_space<hbm>> -> memref<8x128xi32, #tpu.memory_space<hbm>>
      tpu.enqueue_dma source(%dma_start3A_537 : memref<8x128xi32, #tpu.memory_space<hbm>>) target(%arg10 : memref<8x128xi32, #tpu.memory_space<vmem>>) target_semaphore(%arg25 : memref<!tpu.dma_semaphore, #tpu.memory_space<semaphore_mem>>)
      %dma_start3A_538 = arith.constant 3 : i32
      %dma_start3A_539 = arith.constant 0 : i32
      %dma_start3A_540 = tpu.memref_slice %arg7[%dma_start3A_538, %dma_start3A_539] : memref<8x128xi32, #tpu.memory_space<vmem>> -> memref<1x128xi32, #tpu.memory_space<vmem>>
      %dma_start3A_541 = tpu.memref_squeeze %dma_start3A_540 : memref<1x128xi32, #tpu.memory_space<vmem>> -> memref<128xi32, #tpu.memory_space<vmem>>
      %dma_start3A_542 = arith.constant 0 : i32
      %dma_start3A_543 = arith.constant 0 : i32
      %dma_start3A_544 = tpu.memref_slice %arg2[%dma_start3A_542, %dma_start3A_543] : memref<10000x160xbf16, #tpu.memory_space<hbm>> -> memref<10000x160xbf16, #tpu.memory_space<hbm>>
      tpu.enqueue_indirect_dma source(%dma_start3A_544 : memref<10000x160xbf16, #tpu.memory_space<hbm>>) target(%arg14 : memref<128x160xbf16, #tpu.memory_space<vmem>>) offsets(%dma_start3A_541 : memref<128xi32, #tpu.memory_space<vmem>>) semaphore(%arg19 : memref<!tpu.dma_semaphore, #tpu.memory_space<semaphore_mem>>)
      %dma_wait3A_545 = arith.constant 0 : i32
      %dma_wait3A_546 = arith.constant 0 : i32
      %dma_wait3A_547 = tpu.memref_slice %arg2[%dma_wait3A_545, %dma_wait3A_546] : memref<10000x160xbf16, #tpu.memory_space<hbm>> -> memref<128x160xbf16, #tpu.memory_space<hbm>>
      %dma_wait3A_548 = arith.constant 0 : i32
      %dma_wait3A_549 = arith.constant 0 : i32
      %dma_wait3A_550 = tpu.memref_slice %arg2[%dma_wait3A_548, %dma_wait3A_549] : memref<10000x160xbf16, #tpu.memory_space<hbm>> -> memref<128x160xbf16, #tpu.memory_space<hbm>>
      tpu.wait_dma2 semaphore(%arg16 : memref<!tpu.dma_semaphore, #tpu.memory_space<semaphore_mem>>) src(%dma_wait3A_550 : memref<128x160xbf16, #tpu.memory_space<hbm>>) dst(%arg11 : memref<128x160xbf16, #tpu.memory_space<vmem>>)
      %dma_start3A_551 = arith.constant 0 : i32
      %dma_start3A_552 = arith.constant 0 : i32
      %dma_start3A_553 = tpu.memref_slice %arg8[%dma_start3A_551, %dma_start3A_552] : memref<8x128xi32, #tpu.memory_space<vmem>> -> memref<1x128xi32, #tpu.memory_space<vmem>>
      %dma_start3A_554 = tpu.memref_squeeze %dma_start3A_553 : memref<1x128xi32, #tpu.memory_space<vmem>> -> memref<128xi32, #tpu.memory_space<vmem>>
      %dma_start3A_555 = arith.constant 0 : i32
      %dma_start3A_556 = arith.constant 0 : i32
      %dma_start3A_557 = tpu.memref_slice %arg15[%dma_start3A_555, %dma_start3A_556] : memref<10112x160xbf16, #tpu.memory_space<vmem_shared>> -> memref<10112x160xbf16, #tpu.memory_space<vmem_shared>>
      tpu.enqueue_indirect_dma source(%arg11 : memref<128x160xbf16, #tpu.memory_space<vmem>>) target(%dma_start3A_557 : memref<10112x160xbf16, #tpu.memory_space<vmem_shared>>) offsets(%dma_start3A_554 : memref<128xi32, #tpu.memory_space<vmem>>) semaphore(%arg20 : memref<!tpu.dma_semaphore, #tpu.memory_space<semaphore_mem>>) {add = true}
      %dma_wait3A_558 = arith.constant 0 : i32
      %dma_wait3A_559 = arith.constant 0 : i32
      %dma_wait3A_560 = tpu.memref_slice %arg2[%dma_wait3A_558, %dma_wait3A_559] : memref<10000x160xbf16, #tpu.memory_space<hbm>> -> memref<128x160xbf16, #tpu.memory_space<hbm>>
      %dma_wait3A_561 = arith.constant 0 : i32
      %dma_wait3A_562 = arith.constant 0 : i32
      %dma_wait3A_563 = tpu.memref_slice %arg2[%dma_wait3A_561, %dma_wait3A_562] : memref<10000x160xbf16, #tpu.memory_space<hbm>> -> memref<128x160xbf16, #tpu.memory_space<hbm>>
      tpu.wait_dma2 semaphore(%arg20 : memref<!tpu.dma_semaphore, #tpu.memory_space<semaphore_mem>>) src(%dma_wait3A_563 : memref<128x160xbf16, #tpu.memory_space<hbm>>) dst(%arg11 : memref<128x160xbf16, #tpu.memory_space<vmem>>)
      %dma_start3A_564 = arith.constant 4 : i32
      %dma_start3A_565 = arith.constant 0 : i32
      %dma_start3A_566 = tpu.memref_slice %arg7[%dma_start3A_564, %dma_start3A_565] : memref<8x128xi32, #tpu.memory_space<vmem>> -> memref<1x128xi32, #tpu.memory_space<vmem>>
      %dma_start3A_567 = tpu.memref_squeeze %dma_start3A_566 : memref<1x128xi32, #tpu.memory_space<vmem>> -> memref<128xi32, #tpu.memory_space<vmem>>
      %dma_start3A_568 = arith.constant 0 : i32
      %dma_start3A_569 = arith.constant 0 : i32
      %dma_start3A_570 = tpu.memref_slice %arg2[%dma_start3A_568, %dma_start3A_569] : memref<10000x160xbf16, #tpu.memory_space<hbm>> -> memref<10000x160xbf16, #tpu.memory_space<hbm>>
      tpu.enqueue_indirect_dma source(%dma_start3A_570 : memref<10000x160xbf16, #tpu.memory_space<hbm>>) target(%arg11 : memref<128x160xbf16, #tpu.memory_space<vmem>>) offsets(%dma_start3A_567 : memref<128xi32, #tpu.memory_space<vmem>>) semaphore(%arg16 : memref<!tpu.dma_semaphore, #tpu.memory_space<semaphore_mem>>)
      %dma_wait3A_571 = arith.constant 0 : i32
      %dma_wait3A_572 = arith.constant 0 : i32
      %dma_wait3A_573 = tpu.memref_slice %arg2[%dma_wait3A_571, %dma_wait3A_572] : memref<10000x160xbf16, #tpu.memory_space<hbm>> -> memref<128x160xbf16, #tpu.memory_space<hbm>>
      %dma_wait3A_574 = arith.constant 0 : i32
      %dma_wait3A_575 = arith.constant 0 : i32
      %dma_wait3A_576 = tpu.memref_slice %arg2[%dma_wait3A_574, %dma_wait3A_575] : memref<10000x160xbf16, #tpu.memory_space<hbm>> -> memref<128x160xbf16, #tpu.memory_space<hbm>>
      tpu.wait_dma2 semaphore(%arg17 : memref<!tpu.dma_semaphore, #tpu.memory_space<semaphore_mem>>) src(%dma_wait3A_576 : memref<128x160xbf16, #tpu.memory_space<hbm>>) dst(%arg12 : memref<128x160xbf16, #tpu.memory_space<vmem>>)
      %dma_start3A_577 = arith.constant 1 : i32
      %dma_start3A_578 = arith.constant 0 : i32
      %dma_start3A_579 = tpu.memref_slice %arg8[%dma_start3A_577, %dma_start3A_578] : memref<8x128xi32, #tpu.memory_space<vmem>> -> memref<1x128xi32, #tpu.memory_space<vmem>>
      %dma_start3A_580 = tpu.memref_squeeze %dma_start3A_579 : memref<1x128xi32, #tpu.memory_space<vmem>> -> memref<128xi32, #tpu.memory_space<vmem>>
      %dma_start3A_581 = arith.constant 0 : i32
      %dma_start3A_582 = arith.constant 0 : i32
      %dma_start3A_583 = tpu.memref_slice %arg15[%dma_start3A_581, %dma_start3A_582] : memref<10112x160xbf16, #tpu.memory_space<vmem_shared>> -> memref<10112x160xbf16, #tpu.memory_space<vmem_shared>>
      tpu.enqueue_indirect_dma source(%arg12 : memref<128x160xbf16, #tpu.memory_space<vmem>>) target(%dma_start3A_583 : memref<10112x160xbf16, #tpu.memory_space<vmem_shared>>) offsets(%dma_start3A_580 : memref<128xi32, #tpu.memory_space<vmem>>) semaphore(%arg21 : memref<!tpu.dma_semaphore, #tpu.memory_space<semaphore_mem>>) {add = true}
      %dma_wait3A_584 = arith.constant 0 : i32
      %dma_wait3A_585 = arith.constant 0 : i32
      %dma_wait3A_586 = tpu.memref_slice %arg2[%dma_wait3A_584, %dma_wait3A_585] : memref<10000x160xbf16, #tpu.memory_space<hbm>> -> memref<128x160xbf16, #tpu.memory_space<hbm>>
      %dma_wait3A_587 = arith.constant 0 : i32
      %dma_wait3A_588 = arith.constant 0 : i32
      %dma_wait3A_589 = tpu.memref_slice %arg2[%dma_wait3A_587, %dma_wait3A_588] : memref<10000x160xbf16, #tpu.memory_space<hbm>> -> memref<128x160xbf16, #tpu.memory_space<hbm>>
      tpu.wait_dma2 semaphore(%arg21 : memref<!tpu.dma_semaphore, #tpu.memory_space<semaphore_mem>>) src(%dma_wait3A_589 : memref<128x160xbf16, #tpu.memory_space<hbm>>) dst(%arg12 : memref<128x160xbf16, #tpu.memory_space<vmem>>)
      %dma_start3A_590 = arith.constant 5 : i32
      %dma_start3A_591 = arith.constant 0 : i32
      %dma_start3A_592 = tpu.memref_slice %arg7[%dma_start3A_590, %dma_start3A_591] : memref<8x128xi32, #tpu.memory_space<vmem>> -> memref<1x128xi32, #tpu.memory_space<vmem>>
      %dma_start3A_593 = tpu.memref_squeeze %dma_start3A_592 : memref<1x128xi32, #tpu.memory_space<vmem>> -> memref<128xi32, #tpu.memory_space<vmem>>
      %dma_start3A_594 = arith.constant 0 : i32
      %dma_start3A_595 = arith.constant 0 : i32
      %dma_start3A_596 = tpu.memref_slice %arg2[%dma_start3A_594, %dma_start3A_595] : memref<10000x160xbf16, #tpu.memory_space<hbm>> -> memref<10000x160xbf16, #tpu.memory_space<hbm>>
      tpu.enqueue_indirect_dma source(%dma_start3A_596 : memref<10000x160xbf16, #tpu.memory_space<hbm>>) target(%arg12 : memref<128x160xbf16, #tpu.memory_space<vmem>>) offsets(%dma_start3A_593 : memref<128xi32, #tpu.memory_space<vmem>>) semaphore(%arg17 : memref<!tpu.dma_semaphore, #tpu.memory_space<semaphore_mem>>)
      %dma_wait3A_597 = arith.constant 0 : i32
      %dma_wait3A_598 = arith.constant 0 : i32
      %dma_wait3A_599 = tpu.memref_slice %arg2[%dma_wait3A_597, %dma_wait3A_598] : memref<10000x160xbf16, #tpu.memory_space<hbm>> -> memref<128x160xbf16, #tpu.memory_space<hbm>>
      %dma_wait3A_600 = arith.constant 0 : i32
      %dma_wait3A_601 = arith.constant 0 : i32
      %dma_wait3A_602 = tpu.memref_slice %arg2[%dma_wait3A_600, %dma_wait3A_601] : memref<10000x160xbf16, #tpu.memory_space<hbm>> -> memref<128x160xbf16, #tpu.memory_space<hbm>>
      tpu.wait_dma2 semaphore(%arg18 : memref<!tpu.dma_semaphore, #tpu.memory_space<semaphore_mem>>) src(%dma_wait3A_602 : memref<128x160xbf16, #tpu.memory_space<hbm>>) dst(%arg13 : memref<128x160xbf16, #tpu.memory_space<vmem>>)
      %dma_start3A_603 = arith.constant 2 : i32
      %dma_start3A_604 = arith.constant 0 : i32
      %dma_start3A_605 = tpu.memref_slice %arg8[%dma_start3A_603, %dma_start3A_604] : memref<8x128xi32, #tpu.memory_space<vmem>> -> memref<1x128xi32, #tpu.memory_space<vmem>>
      %dma_start3A_606 = tpu.memref_squeeze %dma_start3A_605 : memref<1x128xi32, #tpu.memory_space<vmem>> -> memref<128xi32, #tpu.memory_space<vmem>>
      %dma_start3A_607 = arith.constant 0 : i32
      %dma_start3A_608 = arith.constant 0 : i32
      %dma_start3A_609 = tpu.memref_slice %arg15[%dma_start3A_607, %dma_start3A_608] : memref<10112x160xbf16, #tpu.memory_space<vmem_shared>> -> memref<10112x160xbf16, #tpu.memory_space<vmem_shared>>
      tpu.enqueue_indirect_dma source(%arg13 : memref<128x160xbf16, #tpu.memory_space<vmem>>) target(%dma_start3A_609 : memref<10112x160xbf16, #tpu.memory_space<vmem_shared>>) offsets(%dma_start3A_606 : memref<128xi32, #tpu.memory_space<vmem>>) semaphore(%arg22 : memref<!tpu.dma_semaphore, #tpu.memory_space<semaphore_mem>>) {add = true}
      %dma_wait3A_610 = arith.constant 0 : i32
      %dma_wait3A_611 = arith.constant 0 : i32
      %dma_wait3A_612 = tpu.memref_slice %arg2[%dma_wait3A_610, %dma_wait3A_611] : memref<10000x160xbf16, #tpu.memory_space<hbm>> -> memref<128x160xbf16, #tpu.memory_space<hbm>>
      %dma_wait3A_613 = arith.constant 0 : i32
      %dma_wait3A_614 = arith.constant 0 : i32
      %dma_wait3A_615 = tpu.memref_slice %arg2[%dma_wait3A_613, %dma_wait3A_614] : memref<10000x160xbf16, #tpu.memory_space<hbm>> -> memref<128x160xbf16, #tpu.memory_space<hbm>>
      tpu.wait_dma2 semaphore(%arg22 : memref<!tpu.dma_semaphore, #tpu.memory_space<semaphore_mem>>) src(%dma_wait3A_615 : memref<128x160xbf16, #tpu.memory_space<hbm>>) dst(%arg13 : memref<128x160xbf16, #tpu.memory_space<vmem>>)
      %dma_start3A_616 = arith.constant 6 : i32
      %dma_start3A_617 = arith.constant 0 : i32
      %dma_start3A_618 = tpu.memref_slice %arg7[%dma_start3A_616, %dma_start3A_617] : memref<8x128xi32, #tpu.memory_space<vmem>> -> memref<1x128xi32, #tpu.memory_space<vmem>>
      %dma_start3A_619 = tpu.memref_squeeze %dma_start3A_618 : memref<1x128xi32, #tpu.memory_space<vmem>> -> memref<128xi32, #tpu.memory_space<vmem>>
      %dma_start3A_620 = arith.constant 0 : i32
      %dma_start3A_621 = arith.constant 0 : i32
      %dma_start3A_622 = tpu.memref_slice %arg2[%dma_start3A_620, %dma_start3A_621] : memref<10000x160xbf16, #tpu.memory_space<hbm>> -> memref<10000x160xbf16, #tpu.memory_space<hbm>>
      tpu.enqueue_indirect_dma source(%dma_start3A_622 : memref<10000x160xbf16, #tpu.memory_space<hbm>>) target(%arg13 : memref<128x160xbf16, #tpu.memory_space<vmem>>) offsets(%dma_start3A_619 : memref<128xi32, #tpu.memory_space<vmem>>) semaphore(%arg18 : memref<!tpu.dma_semaphore, #tpu.memory_space<semaphore_mem>>)
      %dma_wait3A_623 = arith.constant 0 : i32
      %dma_wait3A_624 = arith.constant 0 : i32
      %dma_wait3A_625 = tpu.memref_slice %arg2[%dma_wait3A_623, %dma_wait3A_624] : memref<10000x160xbf16, #tpu.memory_space<hbm>> -> memref<128x160xbf16, #tpu.memory_space<hbm>>
      %dma_wait3A_626 = arith.constant 0 : i32
      %dma_wait3A_627 = arith.constant 0 : i32
      %dma_wait3A_628 = tpu.memref_slice %arg2[%dma_wait3A_626, %dma_wait3A_627] : memref<10000x160xbf16, #tpu.memory_space<hbm>> -> memref<128x160xbf16, #tpu.memory_space<hbm>>
      tpu.wait_dma2 semaphore(%arg19 : memref<!tpu.dma_semaphore, #tpu.memory_space<semaphore_mem>>) src(%dma_wait3A_628 : memref<128x160xbf16, #tpu.memory_space<hbm>>) dst(%arg14 : memref<128x160xbf16, #tpu.memory_space<vmem>>)
      %dma_start3A_629 = arith.constant 3 : i32
      %dma_start3A_630 = arith.constant 0 : i32
      %dma_start3A_631 = tpu.memref_slice %arg8[%dma_start3A_629, %dma_start3A_630] : memref<8x128xi32, #tpu.memory_space<vmem>> -> memref<1x128xi32, #tpu.memory_space<vmem>>
      %dma_start3A_632 = tpu.memref_squeeze %dma_start3A_631 : memref<1x128xi32, #tpu.memory_space<vmem>> -> memref<128xi32, #tpu.memory_space<vmem>>
      %dma_start3A_633 = arith.constant 0 : i32
      %dma_start3A_634 = arith.constant 0 : i32
      %dma_start3A_635 = tpu.memref_slice %arg15[%dma_start3A_633, %dma_start3A_634] : memref<10112x160xbf16, #tpu.memory_space<vmem_shared>> -> memref<10112x160xbf16, #tpu.memory_space<vmem_shared>>
      tpu.enqueue_indirect_dma source(%arg14 : memref<128x160xbf16, #tpu.memory_space<vmem>>) target(%dma_start3A_635 : memref<10112x160xbf16, #tpu.memory_space<vmem_shared>>) offsets(%dma_start3A_632 : memref<128xi32, #tpu.memory_space<vmem>>) semaphore(%arg23 : memref<!tpu.dma_semaphore, #tpu.memory_space<semaphore_mem>>) {add = true}
      %dma_wait3A_636 = arith.constant 0 : i32
      %dma_wait3A_637 = arith.constant 0 : i32
      %dma_wait3A_638 = tpu.memref_slice %arg2[%dma_wait3A_636, %dma_wait3A_637] : memref<10000x160xbf16, #tpu.memory_space<hbm>> -> memref<128x160xbf16, #tpu.memory_space<hbm>>
      %dma_wait3A_639 = arith.constant 0 : i32
      %dma_wait3A_640 = arith.constant 0 : i32
      %dma_wait3A_641 = tpu.memref_slice %arg2[%dma_wait3A_639, %dma_wait3A_640] : memref<10000x160xbf16, #tpu.memory_space<hbm>> -> memref<128x160xbf16, #tpu.memory_space<hbm>>
      tpu.wait_dma2 semaphore(%arg23 : memref<!tpu.dma_semaphore, #tpu.memory_space<semaphore_mem>>) src(%dma_wait3A_641 : memref<128x160xbf16, #tpu.memory_space<hbm>>) dst(%arg14 : memref<128x160xbf16, #tpu.memory_space<vmem>>)
      %dma_start3A_642 = arith.constant 7 : i32
      %dma_start3A_643 = arith.constant 0 : i32
      %dma_start3A_644 = tpu.memref_slice %arg7[%dma_start3A_642, %dma_start3A_643] : memref<8x128xi32, #tpu.memory_space<vmem>> -> memref<1x128xi32, #tpu.memory_space<vmem>>
      %dma_start3A_645 = tpu.memref_squeeze %dma_start3A_644 : memref<1x128xi32, #tpu.memory_space<vmem>> -> memref<128xi32, #tpu.memory_space<vmem>>
      %dma_start3A_646 = arith.constant 0 : i32
      %dma_start3A_647 = arith.constant 0 : i32
      %dma_start3A_648 = tpu.memref_slice %arg2[%dma_start3A_646, %dma_start3A_647] : memref<10000x160xbf16, #tpu.memory_space<hbm>> -> memref<10000x160xbf16, #tpu.memory_space<hbm>>
      tpu.enqueue_indirect_dma source(%dma_start3A_648 : memref<10000x160xbf16, #tpu.memory_space<hbm>>) target(%arg14 : memref<128x160xbf16, #tpu.memory_space<vmem>>) offsets(%dma_start3A_645 : memref<128xi32, #tpu.memory_space<vmem>>) semaphore(%arg19 : memref<!tpu.dma_semaphore, #tpu.memory_space<semaphore_mem>>)
      %dma_wait3A_649 = arith.constant 0 : i32
      %dma_wait3A_650 = arith.constant 0 : i32
      %dma_wait3A_651 = tpu.memref_slice %arg2[%dma_wait3A_649, %dma_wait3A_650] : memref<10000x160xbf16, #tpu.memory_space<hbm>> -> memref<128x160xbf16, #tpu.memory_space<hbm>>
      %dma_wait3A_652 = arith.constant 0 : i32
      %dma_wait3A_653 = arith.constant 0 : i32
      %dma_wait3A_654 = tpu.memref_slice %arg2[%dma_wait3A_652, %dma_wait3A_653] : memref<10000x160xbf16, #tpu.memory_space<hbm>> -> memref<128x160xbf16, #tpu.memory_space<hbm>>
      tpu.wait_dma2 semaphore(%arg16 : memref<!tpu.dma_semaphore, #tpu.memory_space<semaphore_mem>>) src(%dma_wait3A_654 : memref<128x160xbf16, #tpu.memory_space<hbm>>) dst(%arg11 : memref<128x160xbf16, #tpu.memory_space<vmem>>)
      %dma_start3A_655 = arith.constant 4 : i32
      %dma_start3A_656 = arith.constant 0 : i32
      %dma_start3A_657 = tpu.memref_slice %arg8[%dma_start3A_655, %dma_start3A_656] : memref<8x128xi32, #tpu.memory_space<vmem>> -> memref<1x128xi32, #tpu.memory_space<vmem>>
      %dma_start3A_658 = tpu.memref_squeeze %dma_start3A_657 : memref<1x128xi32, #tpu.memory_space<vmem>> -> memref<128xi32, #tpu.memory_space<vmem>>
      %dma_start3A_659 = arith.constant 0 : i32
      %dma_start3A_660 = arith.constant 0 : i32
      %dma_start3A_661 = tpu.memref_slice %arg15[%dma_start3A_659, %dma_start3A_660] : memref<10112x160xbf16, #tpu.memory_space<vmem_shared>> -> memref<10112x160xbf16, #tpu.memory_space<vmem_shared>>
      tpu.enqueue_indirect_dma source(%arg11 : memref<128x160xbf16, #tpu.memory_space<vmem>>) target(%dma_start3A_661 : memref<10112x160xbf16, #tpu.memory_space<vmem_shared>>) offsets(%dma_start3A_658 : memref<128xi32, #tpu.memory_space<vmem>>) semaphore(%arg20 : memref<!tpu.dma_semaphore, #tpu.memory_space<semaphore_mem>>) {add = true}
      %dma_wait3A_662 = arith.constant 0 : i32
      %dma_wait3A_663 = arith.constant 0 : i32
      %dma_wait3A_664 = tpu.memref_slice %arg2[%dma_wait3A_662, %dma_wait3A_663] : memref<10000x160xbf16, #tpu.memory_space<hbm>> -> memref<128x160xbf16, #tpu.memory_space<hbm>>
      %dma_wait3A_665 = arith.constant 0 : i32
      %dma_wait3A_666 = arith.constant 0 : i32
      %dma_wait3A_667 = tpu.memref_slice %arg2[%dma_wait3A_665, %dma_wait3A_666] : memref<10000x160xbf16, #tpu.memory_space<hbm>> -> memref<128x160xbf16, #tpu.memory_space<hbm>>
      tpu.wait_dma2 semaphore(%arg20 : memref<!tpu.dma_semaphore, #tpu.memory_space<semaphore_mem>>) src(%dma_wait3A_667 : memref<128x160xbf16, #tpu.memory_space<hbm>>) dst(%arg11 : memref<128x160xbf16, #tpu.memory_space<vmem>>)
      %dma_wait3A_668 = arith.constant 0 : i32
      %dma_wait3A_669 = tpu.memref_slice %arg3[%mul3A_2, %dma_wait3A_668] : memref<2568x128xi32, #tpu.memory_space<hbm>> -> memref<8x128xi32, #tpu.memory_space<hbm>>
      %dma_wait3A_670 = arith.constant 0 : i32
      %dma_wait3A_671 = tpu.memref_slice %arg3[%mul3A_2, %dma_wait3A_670] : memref<2568x128xi32, #tpu.memory_space<hbm>> -> memref<8x128xi32, #tpu.memory_space<hbm>>
      tpu.wait_dma2 semaphore(%arg25 : memref<!tpu.dma_semaphore, #tpu.memory_space<semaphore_mem>>) src(%dma_wait3A_671 : memref<8x128xi32, #tpu.memory_space<hbm>>) dst(%arg9 : memref<8x128xi32, #tpu.memory_space<vmem>>)
      %dma_wait3A_672 = arith.constant 0 : i32
      %dma_wait3A_673 = tpu.memref_slice %arg4[%mul3A_2, %dma_wait3A_672] : memref<2568x128xi32, #tpu.memory_space<hbm>> -> memref<8x128xi32, #tpu.memory_space<hbm>>
      %dma_wait3A_674 = arith.constant 0 : i32
      %dma_wait3A_675 = tpu.memref_slice %arg4[%mul3A_2, %dma_wait3A_674] : memref<2568x128xi32, #tpu.memory_space<hbm>> -> memref<8x128xi32, #tpu.memory_space<hbm>>
      tpu.wait_dma2 semaphore(%arg25 : memref<!tpu.dma_semaphore, #tpu.memory_space<semaphore_mem>>) src(%dma_wait3A_675 : memref<8x128xi32, #tpu.memory_space<hbm>>) dst(%arg10 : memref<8x128xi32, #tpu.memory_space<vmem>>)
      %dma_start3A_676 = arith.constant 0 : i32
      %dma_start3A_677 = arith.constant 0 : i32
      %dma_start3A_678 = tpu.memref_slice %arg9[%dma_start3A_676, %dma_start3A_677] : memref<8x128xi32, #tpu.memory_space<vmem>> -> memref<1x128xi32, #tpu.memory_space<vmem>>
      %dma_start3A_679 = tpu.memref_squeeze %dma_start3A_678 : memref<1x128xi32, #tpu.memory_space<vmem>> -> memref<128xi32, #tpu.memory_space<vmem>>
      %dma_start3A_680 = arith.constant 0 : i32
      %dma_start3A_681 = arith.constant 0 : i32
      %dma_start3A_682 = tpu.memref_slice %arg2[%dma_start3A_680, %dma_start3A_681] : memref<10000x160xbf16, #tpu.memory_space<hbm>> -> memref<10000x160xbf16, #tpu.memory_space<hbm>>
      tpu.enqueue_indirect_dma source(%dma_start3A_682 : memref<10000x160xbf16, #tpu.memory_space<hbm>>) target(%arg11 : memref<128x160xbf16, #tpu.memory_space<vmem>>) offsets(%dma_start3A_679 : memref<128xi32, #tpu.memory_space<vmem>>) semaphore(%arg16 : memref<!tpu.dma_semaphore, #tpu.memory_space<semaphore_mem>>)
      %dma_wait3A_683 = arith.constant 0 : i32
      %dma_wait3A_684 = arith.constant 0 : i32
      %dma_wait3A_685 = tpu.memref_slice %arg2[%dma_wait3A_683, %dma_wait3A_684] : memref<10000x160xbf16, #tpu.memory_space<hbm>> -> memref<128x160xbf16, #tpu.memory_space<hbm>>
      %dma_wait3A_686 = arith.constant 0 : i32
      %dma_wait3A_687 = arith.constant 0 : i32
      %dma_wait3A_688 = tpu.memref_slice %arg2[%dma_wait3A_686, %dma_wait3A_687] : memref<10000x160xbf16, #tpu.memory_space<hbm>> -> memref<128x160xbf16, #tpu.memory_space<hbm>>
      tpu.wait_dma2 semaphore(%arg17 : memref<!tpu.dma_semaphore, #tpu.memory_space<semaphore_mem>>) src(%dma_wait3A_688 : memref<128x160xbf16, #tpu.memory_space<hbm>>) dst(%arg12 : memref<128x160xbf16, #tpu.memory_space<vmem>>)
      %dma_start3A_689 = arith.constant 5 : i32
      %dma_start3A_690 = arith.constant 0 : i32
      %dma_start3A_691 = tpu.memref_slice %arg8[%dma_start3A_689, %dma_start3A_690] : memref<8x128xi32, #tpu.memory_space<vmem>> -> memref<1x128xi32, #tpu.memory_space<vmem>>
      %dma_start3A_692 = tpu.memref_squeeze %dma_start3A_691 : memref<1x128xi32, #tpu.memory_space<vmem>> -> memref<128xi32, #tpu.memory_space<vmem>>
      %dma_start3A_693 = arith.constant 0 : i32
      %dma_start3A_694 = arith.constant 0 : i32
      %dma_start3A_695 = tpu.memref_slice %arg15[%dma_start3A_693, %dma_start3A_694] : memref<10112x160xbf16, #tpu.memory_space<vmem_shared>> -> memref<10112x160xbf16, #tpu.memory_space<vmem_shared>>
      tpu.enqueue_indirect_dma source(%arg12 : memref<128x160xbf16, #tpu.memory_space<vmem>>) target(%dma_start3A_695 : memref<10112x160xbf16, #tpu.memory_space<vmem_shared>>) offsets(%dma_start3A_692 : memref<128xi32, #tpu.memory_space<vmem>>) semaphore(%arg21 : memref<!tpu.dma_semaphore, #tpu.memory_space<semaphore_mem>>) {add = true}
      %dma_wait3A_696 = arith.constant 0 : i32
      %dma_wait3A_697 = arith.constant 0 : i32
      %dma_wait3A_698 = tpu.memref_slice %arg2[%dma_wait3A_696, %dma_wait3A_697] : memref<10000x160xbf16, #tpu.memory_space<hbm>> -> memref<128x160xbf16, #tpu.memory_space<hbm>>
      %dma_wait3A_699 = arith.constant 0 : i32
      %dma_wait3A_700 = arith.constant 0 : i32
      %dma_wait3A_701 = tpu.memref_slice %arg2[%dma_wait3A_699, %dma_wait3A_700] : memref<10000x160xbf16, #tpu.memory_space<hbm>> -> memref<128x160xbf16, #tpu.memory_space<hbm>>
      tpu.wait_dma2 semaphore(%arg21 : memref<!tpu.dma_semaphore, #tpu.memory_space<semaphore_mem>>) src(%dma_wait3A_701 : memref<128x160xbf16, #tpu.memory_space<hbm>>) dst(%arg12 : memref<128x160xbf16, #tpu.memory_space<vmem>>)
      %dma_start3A_702 = arith.constant 1 : i32
      %dma_start3A_703 = arith.constant 0 : i32
      %dma_start3A_704 = tpu.memref_slice %arg9[%dma_start3A_702, %dma_start3A_703] : memref<8x128xi32, #tpu.memory_space<vmem>> -> memref<1x128xi32, #tpu.memory_space<vmem>>
      %dma_start3A_705 = tpu.memref_squeeze %dma_start3A_704 : memref<1x128xi32, #tpu.memory_space<vmem>> -> memref<128xi32, #tpu.memory_space<vmem>>
      %dma_start3A_706 = arith.constant 0 : i32
      %dma_start3A_707 = arith.constant 0 : i32
      %dma_start3A_708 = tpu.memref_slice %arg2[%dma_start3A_706, %dma_start3A_707] : memref<10000x160xbf16, #tpu.memory_space<hbm>> -> memref<10000x160xbf16, #tpu.memory_space<hbm>>
      tpu.enqueue_indirect_dma source(%dma_start3A_708 : memref<10000x160xbf16, #tpu.memory_space<hbm>>) target(%arg12 : memref<128x160xbf16, #tpu.memory_space<vmem>>) offsets(%dma_start3A_705 : memref<128xi32, #tpu.memory_space<vmem>>) semaphore(%arg17 : memref<!tpu.dma_semaphore, #tpu.memory_space<semaphore_mem>>)
      %dma_wait3A_709 = arith.constant 0 : i32
      %dma_wait3A_710 = arith.constant 0 : i32
      %dma_wait3A_711 = tpu.memref_slice %arg2[%dma_wait3A_709, %dma_wait3A_710] : memref<10000x160xbf16, #tpu.memory_space<hbm>> -> memref<128x160xbf16, #tpu.memory_space<hbm>>
      %dma_wait3A_712 = arith.constant 0 : i32
      %dma_wait3A_713 = arith.constant 0 : i32
      %dma_wait3A_714 = tpu.memref_slice %arg2[%dma_wait3A_712, %dma_wait3A_713] : memref<10000x160xbf16, #tpu.memory_space<hbm>> -> memref<128x160xbf16, #tpu.memory_space<hbm>>
      tpu.wait_dma2 semaphore(%arg18 : memref<!tpu.dma_semaphore, #tpu.memory_space<semaphore_mem>>) src(%dma_wait3A_714 : memref<128x160xbf16, #tpu.memory_space<hbm>>) dst(%arg13 : memref<128x160xbf16, #tpu.memory_space<vmem>>)
      %dma_start3A_715 = arith.constant 6 : i32
      %dma_start3A_716 = arith.constant 0 : i32
      %dma_start3A_717 = tpu.memref_slice %arg8[%dma_start3A_715, %dma_start3A_716] : memref<8x128xi32, #tpu.memory_space<vmem>> -> memref<1x128xi32, #tpu.memory_space<vmem>>
      %dma_start3A_718 = tpu.memref_squeeze %dma_start3A_717 : memref<1x128xi32, #tpu.memory_space<vmem>> -> memref<128xi32, #tpu.memory_space<vmem>>
      %dma_start3A_719 = arith.constant 0 : i32
      %dma_start3A_720 = arith.constant 0 : i32
      %dma_start3A_721 = tpu.memref_slice %arg15[%dma_start3A_719, %dma_start3A_720] : memref<10112x160xbf16, #tpu.memory_space<vmem_shared>> -> memref<10112x160xbf16, #tpu.memory_space<vmem_shared>>
      tpu.enqueue_indirect_dma source(%arg13 : memref<128x160xbf16, #tpu.memory_space<vmem>>) target(%dma_start3A_721 : memref<10112x160xbf16, #tpu.memory_space<vmem_shared>>) offsets(%dma_start3A_718 : memref<128xi32, #tpu.memory_space<vmem>>) semaphore(%arg22 : memref<!tpu.dma_semaphore, #tpu.memory_space<semaphore_mem>>) {add = true}
      %dma_wait3A_722 = arith.constant 0 : i32
      %dma_wait3A_723 = arith.constant 0 : i32
      %dma_wait3A_724 = tpu.memref_slice %arg2[%dma_wait3A_722, %dma_wait3A_723] : memref<10000x160xbf16, #tpu.memory_space<hbm>> -> memref<128x160xbf16, #tpu.memory_space<hbm>>
      %dma_wait3A_725 = arith.constant 0 : i32
      %dma_wait3A_726 = arith.constant 0 : i32
      %dma_wait3A_727 = tpu.memref_slice %arg2[%dma_wait3A_725, %dma_wait3A_726] : memref<10000x160xbf16, #tpu.memory_space<hbm>> -> memref<128x160xbf16, #tpu.memory_space<hbm>>
      tpu.wait_dma2 semaphore(%arg22 : memref<!tpu.dma_semaphore, #tpu.memory_space<semaphore_mem>>) src(%dma_wait3A_727 : memref<128x160xbf16, #tpu.memory_space<hbm>>) dst(%arg13 : memref<128x160xbf16, #tpu.memory_space<vmem>>)
      %dma_start3A_728 = arith.constant 2 : i32
      %dma_start3A_729 = arith.constant 0 : i32
      %dma_start3A_730 = tpu.memref_slice %arg9[%dma_start3A_728, %dma_start3A_729] : memref<8x128xi32, #tpu.memory_space<vmem>> -> memref<1x128xi32, #tpu.memory_space<vmem>>
      %dma_start3A_731 = tpu.memref_squeeze %dma_start3A_730 : memref<1x128xi32, #tpu.memory_space<vmem>> -> memref<128xi32, #tpu.memory_space<vmem>>
      %dma_start3A_732 = arith.constant 0 : i32
      %dma_start3A_733 = arith.constant 0 : i32
      %dma_start3A_734 = tpu.memref_slice %arg2[%dma_start3A_732, %dma_start3A_733] : memref<10000x160xbf16, #tpu.memory_space<hbm>> -> memref<10000x160xbf16, #tpu.memory_space<hbm>>
      tpu.enqueue_indirect_dma source(%dma_start3A_734 : memref<10000x160xbf16, #tpu.memory_space<hbm>>) target(%arg13 : memref<128x160xbf16, #tpu.memory_space<vmem>>) offsets(%dma_start3A_731 : memref<128xi32, #tpu.memory_space<vmem>>) semaphore(%arg18 : memref<!tpu.dma_semaphore, #tpu.memory_space<semaphore_mem>>)
      %dma_wait3A_735 = arith.constant 0 : i32
      %dma_wait3A_736 = arith.constant 0 : i32
      %dma_wait3A_737 = tpu.memref_slice %arg2[%dma_wait3A_735, %dma_wait3A_736] : memref<10000x160xbf16, #tpu.memory_space<hbm>> -> memref<128x160xbf16, #tpu.memory_space<hbm>>
      %dma_wait3A_738 = arith.constant 0 : i32
      %dma_wait3A_739 = arith.constant 0 : i32
      %dma_wait3A_740 = tpu.memref_slice %arg2[%dma_wait3A_738, %dma_wait3A_739] : memref<10000x160xbf16, #tpu.memory_space<hbm>> -> memref<128x160xbf16, #tpu.memory_space<hbm>>
      tpu.wait_dma2 semaphore(%arg19 : memref<!tpu.dma_semaphore, #tpu.memory_space<semaphore_mem>>) src(%dma_wait3A_740 : memref<128x160xbf16, #tpu.memory_space<hbm>>) dst(%arg14 : memref<128x160xbf16, #tpu.memory_space<vmem>>)
      %dma_start3A_741 = arith.constant 7 : i32
      %dma_start3A_742 = arith.constant 0 : i32
      %dma_start3A_743 = tpu.memref_slice %arg8[%dma_start3A_741, %dma_start3A_742] : memref<8x128xi32, #tpu.memory_space<vmem>> -> memref<1x128xi32, #tpu.memory_space<vmem>>
      %dma_start3A_744 = tpu.memref_squeeze %dma_start3A_743 : memref<1x128xi32, #tpu.memory_space<vmem>> -> memref<128xi32, #tpu.memory_space<vmem>>
      %dma_start3A_745 = arith.constant 0 : i32
      %dma_start3A_746 = arith.constant 0 : i32
      %dma_start3A_747 = tpu.memref_slice %arg15[%dma_start3A_745, %dma_start3A_746] : memref<10112x160xbf16, #tpu.memory_space<vmem_shared>> -> memref<10112x160xbf16, #tpu.memory_space<vmem_shared>>
      tpu.enqueue_indirect_dma source(%arg14 : memref<128x160xbf16, #tpu.memory_space<vmem>>) target(%dma_start3A_747 : memref<10112x160xbf16, #tpu.memory_space<vmem_shared>>) offsets(%dma_start3A_744 : memref<128xi32, #tpu.memory_space<vmem>>) semaphore(%arg23 : memref<!tpu.dma_semaphore, #tpu.memory_space<semaphore_mem>>) {add = true}
      %add3A_748 = arith.constant 1 : i32
      %add3A_749 = arith.addi %add3A_515, %add3A_748 : i32
      %dma_wait3A_750 = arith.constant 0 : i32
      %dma_wait3A_751 = arith.constant 0 : i32
      %dma_wait3A_752 = tpu.memref_slice %arg2[%dma_wait3A_750, %dma_wait3A_751] : memref<10000x160xbf16, #tpu.memory_space<hbm>> -> memref<128x160xbf16, #tpu.memory_space<hbm>>
      %dma_wait3A_753 = arith.constant 0 : i32
      %dma_wait3A_754 = arith.constant 0 : i32
      %dma_wait3A_755 = tpu.memref_slice %arg2[%dma_wait3A_753, %dma_wait3A_754] : memref<10000x160xbf16, #tpu.memory_space<hbm>> -> memref<128x160xbf16, #tpu.memory_space<hbm>>
      tpu.wait_dma2 semaphore(%arg23 : memref<!tpu.dma_semaphore, #tpu.memory_space<semaphore_mem>>) src(%dma_wait3A_755 : memref<128x160xbf16, #tpu.memory_space<hbm>>) dst(%arg14 : memref<128x160xbf16, #tpu.memory_space<vmem>>)
      %add3A_756 = arith.constant 1 : i32
      %add3A_757 = arith.addi %add3A_749, %add3A_756 : i32
      %mul3A_758 = arith.constant 8 : i32
      %mul3A_759 = arith.muli %add3A_757, %mul3A_758 : i32
      %add3A_760 = arith.addi %mul3A_2, %mul3A_759 : i32
      %dma_start3A_761 = arith.constant 0 : i32
      %dma_start3A_762 = tpu.memref_slice %arg3[%add3A_760, %dma_start3A_761] : memref<2568x128xi32, #tpu.memory_space<hbm>> -> memref<8x128xi32, #tpu.memory_space<hbm>>
      %dma_start3A_763 = arith.constant 0 : i32
      %dma_start3A_764 = tpu.memref_slice %arg3[%add3A_760, %dma_start3A_763] : memref<2568x128xi32, #tpu.memory_space<hbm>> -> memref<8x128xi32, #tpu.memory_space<hbm>>
      tpu.enqueue_dma source(%dma_start3A_764 : memref<8x128xi32, #tpu.memory_space<hbm>>) target(%arg7 : memref<8x128xi32, #tpu.memory_space<vmem>>) target_semaphore(%arg24 : memref<!tpu.dma_semaphore, #tpu.memory_space<semaphore_mem>>)
      %mul3A_765 = arith.constant 8 : i32
      %mul3A_766 = arith.muli %add3A_757, %mul3A_765 : i32
      %add3A_767 = arith.addi %mul3A_2, %mul3A_766 : i32
      %dma_start3A_768 = arith.constant 0 : i32
      %dma_start3A_769 = tpu.memref_slice %arg4[%add3A_767, %dma_start3A_768] : memref<2568x128xi32, #tpu.memory_space<hbm>> -> memref<8x128xi32, #tpu.memory_space<hbm>>
      %dma_start3A_770 = arith.constant 0 : i32
      %dma_start3A_771 = tpu.memref_slice %arg4[%add3A_767, %dma_start3A_770] : memref<2568x128xi32, #tpu.memory_space<hbm>> -> memref<8x128xi32, #tpu.memory_space<hbm>>
      tpu.enqueue_dma source(%dma_start3A_771 : memref<8x128xi32, #tpu.memory_space<hbm>>) target(%arg8 : memref<8x128xi32, #tpu.memory_space<vmem>>) target_semaphore(%arg24 : memref<!tpu.dma_semaphore, #tpu.memory_space<semaphore_mem>>)
      %dma_start3A_772 = arith.constant 3 : i32
      %dma_start3A_773 = arith.constant 0 : i32
      %dma_start3A_774 = tpu.memref_slice %arg9[%dma_start3A_772, %dma_start3A_773] : memref<8x128xi32, #tpu.memory_space<vmem>> -> memref<1x128xi32, #tpu.memory_space<vmem>>
      %dma_start3A_775 = tpu.memref_squeeze %dma_start3A_774 : memref<1x128xi32, #tpu.memory_space<vmem>> -> memref<128xi32, #tpu.memory_space<vmem>>
      %dma_start3A_776 = arith.constant 0 : i32
      %dma_start3A_777 = arith.constant 0 : i32
      %dma_start3A_778 = tpu.memref_slice %arg2[%dma_start3A_776, %dma_start3A_777] : memref<10000x160xbf16, #tpu.memory_space<hbm>> -> memref<10000x160xbf16, #tpu.memory_space<hbm>>
      tpu.enqueue_indirect_dma source(%dma_start3A_778 : memref<10000x160xbf16, #tpu.memory_space<hbm>>) target(%arg14 : memref<128x160xbf16, #tpu.memory_space<vmem>>) offsets(%dma_start3A_775 : memref<128xi32, #tpu.memory_space<vmem>>) semaphore(%arg19 : memref<!tpu.dma_semaphore, #tpu.memory_space<semaphore_mem>>)
      %dma_wait3A_779 = arith.constant 0 : i32
      %dma_wait3A_780 = arith.constant 0 : i32
      %dma_wait3A_781 = tpu.memref_slice %arg2[%dma_wait3A_779, %dma_wait3A_780] : memref<10000x160xbf16, #tpu.memory_space<hbm>> -> memref<128x160xbf16, #tpu.memory_space<hbm>>
      %dma_wait3A_782 = arith.constant 0 : i32
      %dma_wait3A_783 = arith.constant 0 : i32
      %dma_wait3A_784 = tpu.memref_slice %arg2[%dma_wait3A_782, %dma_wait3A_783] : memref<10000x160xbf16, #tpu.memory_space<hbm>> -> memref<128x160xbf16, #tpu.memory_space<hbm>>
      tpu.wait_dma2 semaphore(%arg16 : memref<!tpu.dma_semaphore, #tpu.memory_space<semaphore_mem>>) src(%dma_wait3A_784 : memref<128x160xbf16, #tpu.memory_space<hbm>>) dst(%arg11 : memref<128x160xbf16, #tpu.memory_space<vmem>>)
      %dma_start3A_785 = arith.constant 0 : i32
      %dma_start3A_786 = arith.constant 0 : i32
      %dma_start3A_787 = tpu.memref_slice %arg10[%dma_start3A_785, %dma_start3A_786] : memref<8x128xi32, #tpu.memory_space<vmem>> -> memref<1x128xi32, #tpu.memory_space<vmem>>
      %dma_start3A_788 = tpu.memref_squeeze %dma_start3A_787 : memref<1x128xi32, #tpu.memory_space<vmem>> -> memref<128xi32, #tpu.memory_space<vmem>>
      %dma_start3A_789 = arith.constant 0 : i32
      %dma_start3A_790 = arith.constant 0 : i32
      %dma_start3A_791 = tpu.memref_slice %arg15[%dma_start3A_789, %dma_start3A_790] : memref<10112x160xbf16, #tpu.memory_space<vmem_shared>> -> memref<10112x160xbf16, #tpu.memory_space<vmem_shared>>
      tpu.enqueue_indirect_dma source(%arg11 : memref<128x160xbf16, #tpu.memory_space<vmem>>) target(%dma_start3A_791 : memref<10112x160xbf16, #tpu.memory_space<vmem_shared>>) offsets(%dma_start3A_788 : memref<128xi32, #tpu.memory_space<vmem>>) semaphore(%arg20 : memref<!tpu.dma_semaphore, #tpu.memory_space<semaphore_mem>>) {add = true}
      %add3A_792 = arith.constant 1 : i32
      %add3A_793 = arith.addi %add3A_515, %add3A_792 : i32
      %dma_wait3A_794 = arith.constant 0 : i32
      %dma_wait3A_795 = arith.constant 0 : i32
      %dma_wait3A_796 = tpu.memref_slice %arg2[%dma_wait3A_794, %dma_wait3A_795] : memref<10000x160xbf16, #tpu.memory_space<hbm>> -> memref<128x160xbf16, #tpu.memory_space<hbm>>
      %dma_wait3A_797 = arith.constant 0 : i32
      %dma_wait3A_798 = arith.constant 0 : i32
      %dma_wait3A_799 = tpu.memref_slice %arg2[%dma_wait3A_797, %dma_wait3A_798] : memref<10000x160xbf16, #tpu.memory_space<hbm>> -> memref<128x160xbf16, #tpu.memory_space<hbm>>
      tpu.wait_dma2 semaphore(%arg20 : memref<!tpu.dma_semaphore, #tpu.memory_space<semaphore_mem>>) src(%dma_wait3A_799 : memref<128x160xbf16, #tpu.memory_space<hbm>>) dst(%arg11 : memref<128x160xbf16, #tpu.memory_space<vmem>>)
      %dma_start3A_800 = arith.constant 4 : i32
      %dma_start3A_801 = arith.constant 0 : i32
      %dma_start3A_802 = tpu.memref_slice %arg9[%dma_start3A_800, %dma_start3A_801] : memref<8x128xi32, #tpu.memory_space<vmem>> -> memref<1x128xi32, #tpu.memory_space<vmem>>
      %dma_start3A_803 = tpu.memref_squeeze %dma_start3A_802 : memref<1x128xi32, #tpu.memory_space<vmem>> -> memref<128xi32, #tpu.memory_space<vmem>>
      %dma_start3A_804 = arith.constant 0 : i32
      %dma_start3A_805 = arith.constant 0 : i32
      %dma_start3A_806 = tpu.memref_slice %arg2[%dma_start3A_804, %dma_start3A_805] : memref<10000x160xbf16, #tpu.memory_space<hbm>> -> memref<10000x160xbf16, #tpu.memory_space<hbm>>
      tpu.enqueue_indirect_dma source(%dma_start3A_806 : memref<10000x160xbf16, #tpu.memory_space<hbm>>) target(%arg11 : memref<128x160xbf16, #tpu.memory_space<vmem>>) offsets(%dma_start3A_803 : memref<128xi32, #tpu.memory_space<vmem>>) semaphore(%arg16 : memref<!tpu.dma_semaphore, #tpu.memory_space<semaphore_mem>>)
      %dma_wait3A_807 = arith.constant 0 : i32
      %dma_wait3A_808 = arith.constant 0 : i32
      %dma_wait3A_809 = tpu.memref_slice %arg2[%dma_wait3A_807, %dma_wait3A_808] : memref<10000x160xbf16, #tpu.memory_space<hbm>> -> memref<128x160xbf16, #tpu.memory_space<hbm>>
      %dma_wait3A_810 = arith.constant 0 : i32
      %dma_wait3A_811 = arith.constant 0 : i32
      %dma_wait3A_812 = tpu.memref_slice %arg2[%dma_wait3A_810, %dma_wait3A_811] : memref<10000x160xbf16, #tpu.memory_space<hbm>> -> memref<128x160xbf16, #tpu.memory_space<hbm>>
      tpu.wait_dma2 semaphore(%arg17 : memref<!tpu.dma_semaphore, #tpu.memory_space<semaphore_mem>>) src(%dma_wait3A_812 : memref<128x160xbf16, #tpu.memory_space<hbm>>) dst(%arg12 : memref<128x160xbf16, #tpu.memory_space<vmem>>)
      %dma_start3A_813 = arith.constant 1 : i32
      %dma_start3A_814 = arith.constant 0 : i32
      %dma_start3A_815 = tpu.memref_slice %arg10[%dma_start3A_813, %dma_start3A_814] : memref<8x128xi32, #tpu.memory_space<vmem>> -> memref<1x128xi32, #tpu.memory_space<vmem>>
      %dma_start3A_816 = tpu.memref_squeeze %dma_start3A_815 : memref<1x128xi32, #tpu.memory_space<vmem>> -> memref<128xi32, #tpu.memory_space<vmem>>
      %dma_start3A_817 = arith.constant 0 : i32
      %dma_start3A_818 = arith.constant 0 : i32
      %dma_start3A_819 = tpu.memref_slice %arg15[%dma_start3A_817, %dma_start3A_818] : memref<10112x160xbf16, #tpu.memory_space<vmem_shared>> -> memref<10112x160xbf16, #tpu.memory_space<vmem_shared>>
      tpu.enqueue_indirect_dma source(%arg12 : memref<128x160xbf16, #tpu.memory_space<vmem>>) target(%dma_start3A_819 : memref<10112x160xbf16, #tpu.memory_space<vmem_shared>>) offsets(%dma_start3A_816 : memref<128xi32, #tpu.memory_space<vmem>>) semaphore(%arg21 : memref<!tpu.dma_semaphore, #tpu.memory_space<semaphore_mem>>) {add = true}
      %add3A_820 = arith.constant 1 : i32
      %add3A_821 = arith.addi %add3A_515, %add3A_820 : i32
      %dma_wait3A_822 = arith.constant 0 : i32
      %dma_wait3A_823 = arith.constant 0 : i32
      %dma_wait3A_824 = tpu.memref_slice %arg2[%dma_wait3A_822, %dma_wait3A_823] : memref<10000x160xbf16, #tpu.memory_space<hbm>> -> memref<128x160xbf16, #tpu.memory_space<hbm>>
      %dma_wait3A_825 = arith.constant 0 : i32
      %dma_wait3A_826 = arith.constant 0 : i32
      %dma_wait3A_827 = tpu.memref_slice %arg2[%dma_wait3A_825, %dma_wait3A_826] : memref<10000x160xbf16, #tpu.memory_space<hbm>> -> memref<128x160xbf16, #tpu.memory_space<hbm>>
      tpu.wait_dma2 semaphore(%arg21 : memref<!tpu.dma_semaphore, #tpu.memory_space<semaphore_mem>>) src(%dma_wait3A_827 : memref<128x160xbf16, #tpu.memory_space<hbm>>) dst(%arg12 : memref<128x160xbf16, #tpu.memory_space<vmem>>)
      %dma_start3A_828 = arith.constant 5 : i32
      %dma_start3A_829 = arith.constant 0 : i32
      %dma_start3A_830 = tpu.memref_slice %arg9[%dma_start3A_828, %dma_start3A_829] : memref<8x128xi32, #tpu.memory_space<vmem>> -> memref<1x128xi32, #tpu.memory_space<vmem>>
      %dma_start3A_831 = tpu.memref_squeeze %dma_start3A_830 : memref<1x128xi32, #tpu.memory_space<vmem>> -> memref<128xi32, #tpu.memory_space<vmem>>
      %dma_start3A_832 = arith.constant 0 : i32
      %dma_start3A_833 = arith.constant 0 : i32
      %dma_start3A_834 = tpu.memref_slice %arg2[%dma_start3A_832, %dma_start3A_833] : memref<10000x160xbf16, #tpu.memory_space<hbm>> -> memref<10000x160xbf16, #tpu.memory_space<hbm>>
      tpu.enqueue_indirect_dma source(%dma_start3A_834 : memref<10000x160xbf16, #tpu.memory_space<hbm>>) target(%arg12 : memref<128x160xbf16, #tpu.memory_space<vmem>>) offsets(%dma_start3A_831 : memref<128xi32, #tpu.memory_space<vmem>>) semaphore(%arg17 : memref<!tpu.dma_semaphore, #tpu.memory_space<semaphore_mem>>)
      %dma_wait3A_835 = arith.constant 0 : i32
      %dma_wait3A_836 = arith.constant 0 : i32
      %dma_wait3A_837 = tpu.memref_slice %arg2[%dma_wait3A_835, %dma_wait3A_836] : memref<10000x160xbf16, #tpu.memory_space<hbm>> -> memref<128x160xbf16, #tpu.memory_space<hbm>>
      %dma_wait3A_838 = arith.constant 0 : i32
      %dma_wait3A_839 = arith.constant 0 : i32
      %dma_wait3A_840 = tpu.memref_slice %arg2[%dma_wait3A_838, %dma_wait3A_839] : memref<10000x160xbf16, #tpu.memory_space<hbm>> -> memref<128x160xbf16, #tpu.memory_space<hbm>>
      tpu.wait_dma2 semaphore(%arg18 : memref<!tpu.dma_semaphore, #tpu.memory_space<semaphore_mem>>) src(%dma_wait3A_840 : memref<128x160xbf16, #tpu.memory_space<hbm>>) dst(%arg13 : memref<128x160xbf16, #tpu.memory_space<vmem>>)
      %dma_start3A_841 = arith.constant 2 : i32
      %dma_start3A_842 = arith.constant 0 : i32
      %dma_start3A_843 = tpu.memref_slice %arg10[%dma_start3A_841, %dma_start3A_842] : memref<8x128xi32, #tpu.memory_space<vmem>> -> memref<1x128xi32, #tpu.memory_space<vmem>>
      %dma_start3A_844 = tpu.memref_squeeze %dma_start3A_843 : memref<1x128xi32, #tpu.memory_space<vmem>> -> memref<128xi32, #tpu.memory_space<vmem>>
      %dma_start3A_845 = arith.constant 0 : i32
      %dma_start3A_846 = arith.constant 0 : i32
      %dma_start3A_847 = tpu.memref_slice %arg15[%dma_start3A_845, %dma_start3A_846] : memref<10112x160xbf16, #tpu.memory_space<vmem_shared>> -> memref<10112x160xbf16, #tpu.memory_space<vmem_shared>>
      tpu.enqueue_indirect_dma source(%arg13 : memref<128x160xbf16, #tpu.memory_space<vmem>>) target(%dma_start3A_847 : memref<10112x160xbf16, #tpu.memory_space<vmem_shared>>) offsets(%dma_start3A_844 : memref<128xi32, #tpu.memory_space<vmem>>) semaphore(%arg22 : memref<!tpu.dma_semaphore, #tpu.memory_space<semaphore_mem>>) {add = true}
      %add3A_848 = arith.constant 1 : i32
      %add3A_849 = arith.addi %add3A_515, %add3A_848 : i32
      %dma_wait3A_850 = arith.constant 0 : i32
      %dma_wait3A_851 = arith.constant 0 : i32
      %dma_wait3A_852 = tpu.memref_slice %arg2[%dma_wait3A_850, %dma_wait3A_851] : memref<10000x160xbf16, #tpu.memory_space<hbm>> -> memref<128x160xbf16, #tpu.memory_space<hbm>>
      %dma_wait3A_853 = arith.constant 0 : i32
      %dma_wait3A_854 = arith.constant 0 : i32
      %dma_wait3A_855 = tpu.memref_slice %arg2[%dma_wait3A_853, %dma_wait3A_854] : memref<10000x160xbf16, #tpu.memory_space<hbm>> -> memref<128x160xbf16, #tpu.memory_space<hbm>>
      tpu.wait_dma2 semaphore(%arg22 : memref<!tpu.dma_semaphore, #tpu.memory_space<semaphore_mem>>) src(%dma_wait3A_855 : memref<128x160xbf16, #tpu.memory_space<hbm>>) dst(%arg13 : memref<128x160xbf16, #tpu.memory_space<vmem>>)
      %dma_start3A_856 = arith.constant 6 : i32
      %dma_start3A_857 = arith.constant 0 : i32
      %dma_start3A_858 = tpu.memref_slice %arg9[%dma_start3A_856, %dma_start3A_857] : memref<8x128xi32, #tpu.memory_space<vmem>> -> memref<1x128xi32, #tpu.memory_space<vmem>>
      %dma_start3A_859 = tpu.memref_squeeze %dma_start3A_858 : memref<1x128xi32, #tpu.memory_space<vmem>> -> memref<128xi32, #tpu.memory_space<vmem>>
      %dma_start3A_860 = arith.constant 0 : i32
      %dma_start3A_861 = arith.constant 0 : i32
      %dma_start3A_862 = tpu.memref_slice %arg2[%dma_start3A_860, %dma_start3A_861] : memref<10000x160xbf16, #tpu.memory_space<hbm>> -> memref<10000x160xbf16, #tpu.memory_space<hbm>>
      tpu.enqueue_indirect_dma source(%dma_start3A_862 : memref<10000x160xbf16, #tpu.memory_space<hbm>>) target(%arg13 : memref<128x160xbf16, #tpu.memory_space<vmem>>) offsets(%dma_start3A_859 : memref<128xi32, #tpu.memory_space<vmem>>) semaphore(%arg18 : memref<!tpu.dma_semaphore, #tpu.memory_space<semaphore_mem>>)
      %dma_wait3A_863 = arith.constant 0 : i32
      %dma_wait3A_864 = arith.constant 0 : i32
      %dma_wait3A_865 = tpu.memref_slice %arg2[%dma_wait3A_863, %dma_wait3A_864] : memref<10000x160xbf16, #tpu.memory_space<hbm>> -> memref<128x160xbf16, #tpu.memory_space<hbm>>
      %dma_wait3A_866 = arith.constant 0 : i32
      %dma_wait3A_867 = arith.constant 0 : i32
      %dma_wait3A_868 = tpu.memref_slice %arg2[%dma_wait3A_866, %dma_wait3A_867] : memref<10000x160xbf16, #tpu.memory_space<hbm>> -> memref<128x160xbf16, #tpu.memory_space<hbm>>
      tpu.wait_dma2 semaphore(%arg19 : memref<!tpu.dma_semaphore, #tpu.memory_space<semaphore_mem>>) src(%dma_wait3A_868 : memref<128x160xbf16, #tpu.memory_space<hbm>>) dst(%arg14 : memref<128x160xbf16, #tpu.memory_space<vmem>>)
      %dma_start3A_869 = arith.constant 3 : i32
      %dma_start3A_870 = arith.constant 0 : i32
      %dma_start3A_871 = tpu.memref_slice %arg10[%dma_start3A_869, %dma_start3A_870] : memref<8x128xi32, #tpu.memory_space<vmem>> -> memref<1x128xi32, #tpu.memory_space<vmem>>
      %dma_start3A_872 = tpu.memref_squeeze %dma_start3A_871 : memref<1x128xi32, #tpu.memory_space<vmem>> -> memref<128xi32, #tpu.memory_space<vmem>>
      %dma_start3A_873 = arith.constant 0 : i32
      %dma_start3A_874 = arith.constant 0 : i32
      %dma_start3A_875 = tpu.memref_slice %arg15[%dma_start3A_873, %dma_start3A_874] : memref<10112x160xbf16, #tpu.memory_space<vmem_shared>> -> memref<10112x160xbf16, #tpu.memory_space<vmem_shared>>
      tpu.enqueue_indirect_dma source(%arg14 : memref<128x160xbf16, #tpu.memory_space<vmem>>) target(%dma_start3A_875 : memref<10112x160xbf16, #tpu.memory_space<vmem_shared>>) offsets(%dma_start3A_872 : memref<128xi32, #tpu.memory_space<vmem>>) semaphore(%arg23 : memref<!tpu.dma_semaphore, #tpu.memory_space<semaphore_mem>>) {add = true}
      %add3A_876 = arith.constant 1 : i32
      %add3A_877 = arith.addi %add3A_515, %add3A_876 : i32
      %dma_wait3A_878 = arith.constant 0 : i32
      %dma_wait3A_879 = arith.constant 0 : i32
      %dma_wait3A_880 = tpu.memref_slice %arg2[%dma_wait3A_878, %dma_wait3A_879] : memref<10000x160xbf16, #tpu.memory_space<hbm>> -> memref<128x160xbf16, #tpu.memory_space<hbm>>
      %dma_wait3A_881 = arith.constant 0 : i32
      %dma_wait3A_882 = arith.constant 0 : i32
      %dma_wait3A_883 = tpu.memref_slice %arg2[%dma_wait3A_881, %dma_wait3A_882] : memref<10000x160xbf16, #tpu.memory_space<hbm>> -> memref<128x160xbf16, #tpu.memory_space<hbm>>
      tpu.wait_dma2 semaphore(%arg23 : memref<!tpu.dma_semaphore, #tpu.memory_space<semaphore_mem>>) src(%dma_wait3A_883 : memref<128x160xbf16, #tpu.memory_space<hbm>>) dst(%arg14 : memref<128x160xbf16, #tpu.memory_space<vmem>>)
      %dma_start3A_884 = arith.constant 7 : i32
      %dma_start3A_885 = arith.constant 0 : i32
      %dma_start3A_886 = tpu.memref_slice %arg9[%dma_start3A_884, %dma_start3A_885] : memref<8x128xi32, #tpu.memory_space<vmem>> -> memref<1x128xi32, #tpu.memory_space<vmem>>
      %dma_start3A_887 = tpu.memref_squeeze %dma_start3A_886 : memref<1x128xi32, #tpu.memory_space<vmem>> -> memref<128xi32, #tpu.memory_space<vmem>>
      %dma_start3A_888 = arith.constant 0 : i32
      %dma_start3A_889 = arith.constant 0 : i32
      %dma_start3A_890 = tpu.memref_slice %arg2[%dma_start3A_888, %dma_start3A_889] : memref<10000x160xbf16, #tpu.memory_space<hbm>> -> memref<10000x160xbf16, #tpu.memory_space<hbm>>
      tpu.enqueue_indirect_dma source(%dma_start3A_890 : memref<10000x160xbf16, #tpu.memory_space<hbm>>) target(%arg14 : memref<128x160xbf16, #tpu.memory_space<vmem>>) offsets(%dma_start3A_887 : memref<128xi32, #tpu.memory_space<vmem>>) semaphore(%arg19 : memref<!tpu.dma_semaphore, #tpu.memory_space<semaphore_mem>>)
      %dma_wait3A_891 = arith.constant 0 : i32
      %dma_wait3A_892 = arith.constant 0 : i32
      %dma_wait3A_893 = tpu.memref_slice %arg2[%dma_wait3A_891, %dma_wait3A_892] : memref<10000x160xbf16, #tpu.memory_space<hbm>> -> memref<128x160xbf16, #tpu.memory_space<hbm>>
      %dma_wait3A_894 = arith.constant 0 : i32
      %dma_wait3A_895 = arith.constant 0 : i32
      %dma_wait3A_896 = tpu.memref_slice %arg2[%dma_wait3A_894, %dma_wait3A_895] : memref<10000x160xbf16, #tpu.memory_space<hbm>> -> memref<128x160xbf16, #tpu.memory_space<hbm>>
      tpu.wait_dma2 semaphore(%arg16 : memref<!tpu.dma_semaphore, #tpu.memory_space<semaphore_mem>>) src(%dma_wait3A_896 : memref<128x160xbf16, #tpu.memory_space<hbm>>) dst(%arg11 : memref<128x160xbf16, #tpu.memory_space<vmem>>)
      %dma_start3A_897 = arith.constant 4 : i32
      %dma_start3A_898 = arith.constant 0 : i32
      %dma_start3A_899 = tpu.memref_slice %arg10[%dma_start3A_897, %dma_start3A_898] : memref<8x128xi32, #tpu.memory_space<vmem>> -> memref<1x128xi32, #tpu.memory_space<vmem>>
      %dma_start3A_900 = tpu.memref_squeeze %dma_start3A_899 : memref<1x128xi32, #tpu.memory_space<vmem>> -> memref<128xi32, #tpu.memory_space<vmem>>
      %dma_start3A_901 = arith.constant 0 : i32
      %dma_start3A_902 = arith.constant 0 : i32
      %dma_start3A_903 = tpu.memref_slice %arg15[%dma_start3A_901, %dma_start3A_902] : memref<10112x160xbf16, #tpu.memory_space<vmem_shared>> -> memref<10112x160xbf16, #tpu.memory_space<vmem_shared>>
      tpu.enqueue_indirect_dma source(%arg11 : memref<128x160xbf16, #tpu.memory_space<vmem>>) target(%dma_start3A_903 : memref<10112x160xbf16, #tpu.memory_space<vmem_shared>>) offsets(%dma_start3A_900 : memref<128xi32, #tpu.memory_space<vmem>>) semaphore(%arg20 : memref<!tpu.dma_semaphore, #tpu.memory_space<semaphore_mem>>) {add = true}
      %add3A_904 = arith.constant 1 : i32
      %add3A_905 = arith.addi %add3A_515, %add3A_904 : i32
      %dma_wait3A_906 = arith.constant 0 : i32
      %dma_wait3A_907 = arith.constant 0 : i32
      %dma_wait3A_908 = tpu.memref_slice %arg2[%dma_wait3A_906, %dma_wait3A_907] : memref<10000x160xbf16, #tpu.memory_space<hbm>> -> memref<128x160xbf16, #tpu.memory_space<hbm>>
      %dma_wait3A_909 = arith.constant 0 : i32
      %dma_wait3A_910 = arith.constant 0 : i32
      %dma_wait3A_911 = tpu.memref_slice %arg2[%dma_wait3A_909, %dma_wait3A_910] : memref<10000x160xbf16, #tpu.memory_space<hbm>> -> memref<128x160xbf16, #tpu.memory_space<hbm>>
      tpu.wait_dma2 semaphore(%arg20 : memref<!tpu.dma_semaphore, #tpu.memory_space<semaphore_mem>>) src(%dma_wait3A_911 : memref<128x160xbf16, #tpu.memory_space<hbm>>) dst(%arg11 : memref<128x160xbf16, #tpu.memory_space<vmem>>)
      %dma_wait3A_912 = arith.constant 0 : i32
      %dma_wait3A_913 = tpu.memref_slice %arg3[%mul3A_2, %dma_wait3A_912] : memref<2568x128xi32, #tpu.memory_space<hbm>> -> memref<8x128xi32, #tpu.memory_space<hbm>>
      %dma_wait3A_914 = arith.constant 0 : i32
      %dma_wait3A_915 = tpu.memref_slice %arg3[%mul3A_2, %dma_wait3A_914] : memref<2568x128xi32, #tpu.memory_space<hbm>> -> memref<8x128xi32, #tpu.memory_space<hbm>>
      tpu.wait_dma2 semaphore(%arg24 : memref<!tpu.dma_semaphore, #tpu.memory_space<semaphore_mem>>) src(%dma_wait3A_915 : memref<8x128xi32, #tpu.memory_space<hbm>>) dst(%arg7 : memref<8x128xi32, #tpu.memory_space<vmem>>)
      %dma_wait3A_916 = arith.constant 0 : i32
      %dma_wait3A_917 = tpu.memref_slice %arg4[%mul3A_2, %dma_wait3A_916] : memref<2568x128xi32, #tpu.memory_space<hbm>> -> memref<8x128xi32, #tpu.memory_space<hbm>>
      %dma_wait3A_918 = arith.constant 0 : i32
      %dma_wait3A_919 = tpu.memref_slice %arg4[%mul3A_2, %dma_wait3A_918] : memref<2568x128xi32, #tpu.memory_space<hbm>> -> memref<8x128xi32, #tpu.memory_space<hbm>>
      tpu.wait_dma2 semaphore(%arg24 : memref<!tpu.dma_semaphore, #tpu.memory_space<semaphore_mem>>) src(%dma_wait3A_919 : memref<8x128xi32, #tpu.memory_space<hbm>>) dst(%arg8 : memref<8x128xi32, #tpu.memory_space<vmem>>)
      %dma_start3A_920 = arith.constant 0 : i32
      %dma_start3A_921 = arith.constant 0 : i32
      %dma_start3A_922 = tpu.memref_slice %arg7[%dma_start3A_920, %dma_start3A_921] : memref<8x128xi32, #tpu.memory_space<vmem>> -> memref<1x128xi32, #tpu.memory_space<vmem>>
      %dma_start3A_923 = tpu.memref_squeeze %dma_start3A_922 : memref<1x128xi32, #tpu.memory_space<vmem>> -> memref<128xi32, #tpu.memory_space<vmem>>
      %dma_start3A_924 = arith.constant 0 : i32
      %dma_start3A_925 = arith.constant 0 : i32
      %dma_start3A_926 = tpu.memref_slice %arg2[%dma_start3A_924, %dma_start3A_925] : memref<10000x160xbf16, #tpu.memory_space<hbm>> -> memref<10000x160xbf16, #tpu.memory_space<hbm>>
      tpu.enqueue_indirect_dma source(%dma_start3A_926 : memref<10000x160xbf16, #tpu.memory_space<hbm>>) target(%arg11 : memref<128x160xbf16, #tpu.memory_space<vmem>>) offsets(%dma_start3A_923 : memref<128xi32, #tpu.memory_space<vmem>>) semaphore(%arg16 : memref<!tpu.dma_semaphore, #tpu.memory_space<semaphore_mem>>)
      %dma_wait3A_927 = arith.constant 0 : i32
      %dma_wait3A_928 = arith.constant 0 : i32
      %dma_wait3A_929 = tpu.memref_slice %arg2[%dma_wait3A_927, %dma_wait3A_928] : memref<10000x160xbf16, #tpu.memory_space<hbm>> -> memref<128x160xbf16, #tpu.memory_space<hbm>>
      %dma_wait3A_930 = arith.constant 0 : i32
      %dma_wait3A_931 = arith.constant 0 : i32
      %dma_wait3A_932 = tpu.memref_slice %arg2[%dma_wait3A_930, %dma_wait3A_931] : memref<10000x160xbf16, #tpu.memory_space<hbm>> -> memref<128x160xbf16, #tpu.memory_space<hbm>>
      tpu.wait_dma2 semaphore(%arg17 : memref<!tpu.dma_semaphore, #tpu.memory_space<semaphore_mem>>) src(%dma_wait3A_932 : memref<128x160xbf16, #tpu.memory_space<hbm>>) dst(%arg12 : memref<128x160xbf16, #tpu.memory_space<vmem>>)
      %dma_start3A_933 = arith.constant 5 : i32
      %dma_start3A_934 = arith.constant 0 : i32
      %dma_start3A_935 = tpu.memref_slice %arg10[%dma_start3A_933, %dma_start3A_934] : memref<8x128xi32, #tpu.memory_space<vmem>> -> memref<1x128xi32, #tpu.memory_space<vmem>>
      %dma_start3A_936 = tpu.memref_squeeze %dma_start3A_935 : memref<1x128xi32, #tpu.memory_space<vmem>> -> memref<128xi32, #tpu.memory_space<vmem>>
      %dma_start3A_937 = arith.constant 0 : i32
      %dma_start3A_938 = arith.constant 0 : i32
      %dma_start3A_939 = tpu.memref_slice %arg15[%dma_start3A_937, %dma_start3A_938] : memref<10112x160xbf16, #tpu.memory_space<vmem_shared>> -> memref<10112x160xbf16, #tpu.memory_space<vmem_shared>>
      tpu.enqueue_indirect_dma source(%arg12 : memref<128x160xbf16, #tpu.memory_space<vmem>>) target(%dma_start3A_939 : memref<10112x160xbf16, #tpu.memory_space<vmem_shared>>) offsets(%dma_start3A_936 : memref<128xi32, #tpu.memory_space<vmem>>) semaphore(%arg21 : memref<!tpu.dma_semaphore, #tpu.memory_space<semaphore_mem>>) {add = true}
      %add3A_940 = arith.constant 1 : i32
      %add3A_941 = arith.addi %add3A_515, %add3A_940 : i32
      %dma_wait3A_942 = arith.constant 0 : i32
      %dma_wait3A_943 = arith.constant 0 : i32
      %dma_wait3A_944 = tpu.memref_slice %arg2[%dma_wait3A_942, %dma_wait3A_943] : memref<10000x160xbf16, #tpu.memory_space<hbm>> -> memref<128x160xbf16, #tpu.memory_space<hbm>>
      %dma_wait3A_945 = arith.constant 0 : i32
      %dma_wait3A_946 = arith.constant 0 : i32
      %dma_wait3A_947 = tpu.memref_slice %arg2[%dma_wait3A_945, %dma_wait3A_946] : memref<10000x160xbf16, #tpu.memory_space<hbm>> -> memref<128x160xbf16, #tpu.memory_space<hbm>>
      tpu.wait_dma2 semaphore(%arg21 : memref<!tpu.dma_semaphore, #tpu.memory_space<semaphore_mem>>) src(%dma_wait3A_947 : memref<128x160xbf16, #tpu.memory_space<hbm>>) dst(%arg12 : memref<128x160xbf16, #tpu.memory_space<vmem>>)
      %dma_start3A_948 = arith.constant 1 : i32
      %dma_start3A_949 = arith.constant 0 : i32
      %dma_start3A_950 = tpu.memref_slice %arg7[%dma_start3A_948, %dma_start3A_949] : memref<8x128xi32, #tpu.memory_space<vmem>> -> memref<1x128xi32, #tpu.memory_space<vmem>>
      %dma_start3A_951 = tpu.memref_squeeze %dma_start3A_950 : memref<1x128xi32, #tpu.memory_space<vmem>> -> memref<128xi32, #tpu.memory_space<vmem>>
      %dma_start3A_952 = arith.constant 0 : i32
      %dma_start3A_953 = arith.constant 0 : i32
      %dma_start3A_954 = tpu.memref_slice %arg2[%dma_start3A_952, %dma_start3A_953] : memref<10000x160xbf16, #tpu.memory_space<hbm>> -> memref<10000x160xbf16, #tpu.memory_space<hbm>>
      tpu.enqueue_indirect_dma source(%dma_start3A_954 : memref<10000x160xbf16, #tpu.memory_space<hbm>>) target(%arg12 : memref<128x160xbf16, #tpu.memory_space<vmem>>) offsets(%dma_start3A_951 : memref<128xi32, #tpu.memory_space<vmem>>) semaphore(%arg17 : memref<!tpu.dma_semaphore, #tpu.memory_space<semaphore_mem>>)
      %dma_wait3A_955 = arith.constant 0 : i32
      %dma_wait3A_956 = arith.constant 0 : i32
      %dma_wait3A_957 = tpu.memref_slice %arg2[%dma_wait3A_955, %dma_wait3A_956] : memref<10000x160xbf16, #tpu.memory_space<hbm>> -> memref<128x160xbf16, #tpu.memory_space<hbm>>
      %dma_wait3A_958 = arith.constant 0 : i32
      %dma_wait3A_959 = arith.constant 0 : i32
      %dma_wait3A_960 = tpu.memref_slice %arg2[%dma_wait3A_958, %dma_wait3A_959] : memref<10000x160xbf16, #tpu.memory_space<hbm>> -> memref<128x160xbf16, #tpu.memory_space<hbm>>
      tpu.wait_dma2 semaphore(%arg18 : memref<!tpu.dma_semaphore, #tpu.memory_space<semaphore_mem>>) src(%dma_wait3A_960 : memref<128x160xbf16, #tpu.memory_space<hbm>>) dst(%arg13 : memref<128x160xbf16, #tpu.memory_space<vmem>>)
      %dma_start3A_961 = arith.constant 6 : i32
      %dma_start3A_962 = arith.constant 0 : i32
      %dma_start3A_963 = tpu.memref_slice %arg10[%dma_start3A_961, %dma_start3A_962] : memref<8x128xi32, #tpu.memory_space<vmem>> -> memref<1x128xi32, #tpu.memory_space<vmem>>
      %dma_start3A_964 = tpu.memref_squeeze %dma_start3A_963 : memref<1x128xi32, #tpu.memory_space<vmem>> -> memref<128xi32, #tpu.memory_space<vmem>>
      %dma_start3A_965 = arith.constant 0 : i32
      %dma_start3A_966 = arith.constant 0 : i32
      %dma_start3A_967 = tpu.memref_slice %arg15[%dma_start3A_965, %dma_start3A_966] : memref<10112x160xbf16, #tpu.memory_space<vmem_shared>> -> memref<10112x160xbf16, #tpu.memory_space<vmem_shared>>
      tpu.enqueue_indirect_dma source(%arg13 : memref<128x160xbf16, #tpu.memory_space<vmem>>) target(%dma_start3A_967 : memref<10112x160xbf16, #tpu.memory_space<vmem_shared>>) offsets(%dma_start3A_964 : memref<128xi32, #tpu.memory_space<vmem>>) semaphore(%arg22 : memref<!tpu.dma_semaphore, #tpu.memory_space<semaphore_mem>>) {add = true}
      %add3A_968 = arith.constant 1 : i32
      %add3A_969 = arith.addi %add3A_515, %add3A_968 : i32
      %dma_wait3A_970 = arith.constant 0 : i32
      %dma_wait3A_971 = arith.constant 0 : i32
      %dma_wait3A_972 = tpu.memref_slice %arg2[%dma_wait3A_970, %dma_wait3A_971] : memref<10000x160xbf16, #tpu.memory_space<hbm>> -> memref<128x160xbf16, #tpu.memory_space<hbm>>
      %dma_wait3A_973 = arith.constant 0 : i32
      %dma_wait3A_974 = arith.constant 0 : i32
      %dma_wait3A_975 = tpu.memref_slice %arg2[%dma_wait3A_973, %dma_wait3A_974] : memref<10000x160xbf16, #tpu.memory_space<hbm>> -> memref<128x160xbf16, #tpu.memory_space<hbm>>
      tpu.wait_dma2 semaphore(%arg22 : memref<!tpu.dma_semaphore, #tpu.memory_space<semaphore_mem>>) src(%dma_wait3A_975 : memref<128x160xbf16, #tpu.memory_space<hbm>>) dst(%arg13 : memref<128x160xbf16, #tpu.memory_space<vmem>>)
      %dma_start3A_976 = arith.constant 2 : i32
      %dma_start3A_977 = arith.constant 0 : i32
      %dma_start3A_978 = tpu.memref_slice %arg7[%dma_start3A_976, %dma_start3A_977] : memref<8x128xi32, #tpu.memory_space<vmem>> -> memref<1x128xi32, #tpu.memory_space<vmem>>
      %dma_start3A_979 = tpu.memref_squeeze %dma_start3A_978 : memref<1x128xi32, #tpu.memory_space<vmem>> -> memref<128xi32, #tpu.memory_space<vmem>>
      %dma_start3A_980 = arith.constant 0 : i32
      %dma_start3A_981 = arith.constant 0 : i32
      %dma_start3A_982 = tpu.memref_slice %arg2[%dma_start3A_980, %dma_start3A_981] : memref<10000x160xbf16, #tpu.memory_space<hbm>> -> memref<10000x160xbf16, #tpu.memory_space<hbm>>
      tpu.enqueue_indirect_dma source(%dma_start3A_982 : memref<10000x160xbf16, #tpu.memory_space<hbm>>) target(%arg13 : memref<128x160xbf16, #tpu.memory_space<vmem>>) offsets(%dma_start3A_979 : memref<128xi32, #tpu.memory_space<vmem>>) semaphore(%arg18 : memref<!tpu.dma_semaphore, #tpu.memory_space<semaphore_mem>>)
      %dma_wait3A_983 = arith.constant 0 : i32
      %dma_wait3A_984 = arith.constant 0 : i32
      %dma_wait3A_985 = tpu.memref_slice %arg2[%dma_wait3A_983, %dma_wait3A_984] : memref<10000x160xbf16, #tpu.memory_space<hbm>> -> memref<128x160xbf16, #tpu.memory_space<hbm>>
      %dma_wait3A_986 = arith.constant 0 : i32
      %dma_wait3A_987 = arith.constant 0 : i32
      %dma_wait3A_988 = tpu.memref_slice %arg2[%dma_wait3A_986, %dma_wait3A_987] : memref<10000x160xbf16, #tpu.memory_space<hbm>> -> memref<128x160xbf16, #tpu.memory_space<hbm>>
      tpu.wait_dma2 semaphore(%arg19 : memref<!tpu.dma_semaphore, #tpu.memory_space<semaphore_mem>>) src(%dma_wait3A_988 : memref<128x160xbf16, #tpu.memory_space<hbm>>) dst(%arg14 : memref<128x160xbf16, #tpu.memory_space<vmem>>)
      %dma_start3A_989 = arith.constant 7 : i32
      %dma_start3A_990 = arith.constant 0 : i32
      %dma_start3A_991 = tpu.memref_slice %arg10[%dma_start3A_989, %dma_start3A_990] : memref<8x128xi32, #tpu.memory_space<vmem>> -> memref<1x128xi32, #tpu.memory_space<vmem>>
      %dma_start3A_992 = tpu.memref_squeeze %dma_start3A_991 : memref<1x128xi32, #tpu.memory_space<vmem>> -> memref<128xi32, #tpu.memory_space<vmem>>
      %dma_start3A_993 = arith.constant 0 : i32
      %dma_start3A_994 = arith.constant 0 : i32
      %dma_start3A_995 = tpu.memref_slice %arg15[%dma_start3A_993, %dma_start3A_994] : memref<10112x160xbf16, #tpu.memory_space<vmem_shared>> -> memref<10112x160xbf16, #tpu.memory_space<vmem_shared>>
      tpu.enqueue_indirect_dma source(%arg14 : memref<128x160xbf16, #tpu.memory_space<vmem>>) target(%dma_start3A_995 : memref<10112x160xbf16, #tpu.memory_space<vmem_shared>>) offsets(%dma_start3A_992 : memref<128xi32, #tpu.memory_space<vmem>>) semaphore(%arg23 : memref<!tpu.dma_semaphore, #tpu.memory_space<semaphore_mem>>) {add = true}
    }
    %scan3A_481 = arith.constant 4 : i32
    %dma_wait3A_482 = arith.constant 0 : i32
    %dma_wait3A_483 = arith.constant 0 : i32
    %dma_wait3A_484 = tpu.memref_slice %arg2[%dma_wait3A_482, %dma_wait3A_483] : memref<10000x160xbf16, #tpu.memory_space<hbm>> -> memref<128x160xbf16, #tpu.memory_space<hbm>>
    %dma_wait3A_485 = arith.constant 0 : i32
    %dma_wait3A_486 = arith.constant 0 : i32
    %dma_wait3A_487 = tpu.memref_slice %arg2[%dma_wait3A_485, %dma_wait3A_486] : memref<10000x160xbf16, #tpu.memory_space<hbm>> -> memref<128x160xbf16, #tpu.memory_space<hbm>>
    tpu.wait_dma2 semaphore(%arg16 : memref<!tpu.dma_semaphore, #tpu.memory_space<semaphore_mem>>) src(%dma_wait3A_487 : memref<128x160xbf16, #tpu.memory_space<hbm>>) dst(%arg11 : memref<128x160xbf16, #tpu.memory_space<vmem>>)
    %dma_wait3A_488 = arith.constant 0 : i32
    %dma_wait3A_489 = arith.constant 0 : i32
    %dma_wait3A_490 = tpu.memref_slice %arg2[%dma_wait3A_488, %dma_wait3A_489] : memref<10000x160xbf16, #tpu.memory_space<hbm>> -> memref<128x160xbf16, #tpu.memory_space<hbm>>
    %dma_wait3A_491 = arith.constant 0 : i32
    %dma_wait3A_492 = arith.constant 0 : i32
    %dma_wait3A_493 = tpu.memref_slice %arg2[%dma_wait3A_491, %dma_wait3A_492] : memref<10000x160xbf16, #tpu.memory_space<hbm>> -> memref<128x160xbf16, #tpu.memory_space<hbm>>
    tpu.wait_dma2 semaphore(%arg17 : memref<!tpu.dma_semaphore, #tpu.memory_space<semaphore_mem>>) src(%dma_wait3A_493 : memref<128x160xbf16, #tpu.memory_space<hbm>>) dst(%arg12 : memref<128x160xbf16, #tpu.memory_space<vmem>>)
    %dma_wait3A_494 = arith.constant 0 : i32
    %dma_wait3A_495 = arith.constant 0 : i32
    %dma_wait3A_496 = tpu.memref_slice %arg2[%dma_wait3A_494, %dma_wait3A_495] : memref<10000x160xbf16, #tpu.memory_space<hbm>> -> memref<128x160xbf16, #tpu.memory_space<hbm>>
    %dma_wait3A_497 = arith.constant 0 : i32
    %dma_wait3A_498 = arith.constant 0 : i32
    %dma_wait3A_499 = tpu.memref_slice %arg2[%dma_wait3A_497, %dma_wait3A_498] : memref<10000x160xbf16, #tpu.memory_space<hbm>> -> memref<128x160xbf16, #tpu.memory_space<hbm>>
    tpu.wait_dma2 semaphore(%arg18 : memref<!tpu.dma_semaphore, #tpu.memory_space<semaphore_mem>>) src(%dma_wait3A_499 : memref<128x160xbf16, #tpu.memory_space<hbm>>) dst(%arg13 : memref<128x160xbf16, #tpu.memory_space<vmem>>)
    %dma_wait3A_500 = arith.constant 0 : i32
    %dma_wait3A_501 = arith.constant 0 : i32
    %dma_wait3A_502 = tpu.memref_slice %arg2[%dma_wait3A_500, %dma_wait3A_501] : memref<10000x160xbf16, #tpu.memory_space<hbm>> -> memref<128x160xbf16, #tpu.memory_space<hbm>>
    %dma_wait3A_503 = arith.constant 0 : i32
    %dma_wait3A_504 = arith.constant 0 : i32
    %dma_wait3A_505 = tpu.memref_slice %arg2[%dma_wait3A_503, %dma_wait3A_504] : memref<10000x160xbf16, #tpu.memory_space<hbm>> -> memref<128x160xbf16, #tpu.memory_space<hbm>>
    tpu.wait_dma2 semaphore(%arg23 : memref<!tpu.dma_semaphore, #tpu.memory_space<semaphore_mem>>) src(%dma_wait3A_505 : memref<128x160xbf16, #tpu.memory_space<hbm>>) dst(%arg14 : memref<128x160xbf16, #tpu.memory_space<vmem>>)
    %barrier3A_506 = arith.constant 0 : index
    tpu.barrier barrier_id(%barrier3A_506)
    "tpu.region"() ({
      %run_scoped3A = tpu.sem_alloc : memref<!tpu.dma_semaphore, #tpu.memory_space<semaphore_mem>>
      %dma_start3A_507 = arith.constant 0 : i32
      %dma_start3A_508 = tpu.memref_slice %arg6[%arg0, %mul3A_4, %dma_start3A_507] : memref<2x10112x160xbf16, #tpu.memory_space<hbm>> -> memref<1x632x160xbf16, #tpu.memory_space<hbm>>
      %dma_start3A_509 = tpu.memref_squeeze %dma_start3A_508 : memref<1x632x160xbf16, #tpu.memory_space<hbm>> -> memref<632x160xbf16, #tpu.memory_space<hbm>>
      %dma_start3A_510 = arith.constant 0 : i32
      %dma_start3A_511 = tpu.memref_slice %arg15[%mul3A_4, %dma_start3A_510] : memref<10112x160xbf16, #tpu.memory_space<vmem_shared>> -> memref<632x160xbf16, #tpu.memory_space<vmem_shared>>
      tpu.enqueue_dma source(%dma_start3A_511 : memref<632x160xbf16, #tpu.memory_space<vmem_shared>>) target(%dma_start3A_509 : memref<632x160xbf16, #tpu.memory_space<hbm>>) target_semaphore(%run_scoped3A : memref<!tpu.dma_semaphore, #tpu.memory_space<semaphore_mem>>)
      %dma_wait3A_512 = arith.constant 0 : i32
      %dma_wait3A_513 = tpu.memref_slice %arg6[%arg0, %mul3A_4, %dma_wait3A_512] : memref<2x10112x160xbf16, #tpu.memory_space<hbm>> -> memref<1x632x160xbf16, #tpu.memory_space<hbm>>
      %dma_wait3A_514 = tpu.memref_squeeze %dma_wait3A_513 : memref<1x632x160xbf16, #tpu.memory_space<hbm>> -> memref<632x160xbf16, #tpu.memory_space<hbm>>
      %dma_wait3A_515 = arith.constant 0 : i32
      %dma_wait3A_516 = tpu.memref_slice %arg15[%mul3A_4, %dma_wait3A_515] : memref<10112x160xbf16, #tpu.memory_space<vmem_shared>> -> memref<632x160xbf16, #tpu.memory_space<vmem_shared>>
      tpu.wait_dma2 semaphore(%run_scoped3A : memref<!tpu.dma_semaphore, #tpu.memory_space<semaphore_mem>>) src(%dma_wait3A_516 : memref<632x160xbf16, #tpu.memory_space<vmem_shared>>) dst(%dma_wait3A_514 : memref<632x160xbf16, #tpu.memory_space<hbm>>)
      tpu.yield
    }) : () -> ()
    return
  }
}

module attributes {stable_mosaic.version = 14 : i64} {
  func.func @body(%arg0: i32, %arg1: memref<1000x128xf32, #tpu.memory_space<vmem>>, %arg2: memref<128x128xf32, #tpu.memory_space<vmem>>, %arg3: memref<128x128xf32, #tpu.memory_space<vmem>>, %arg4: memref<1x128xf32, #tpu.memory_space<vmem>>, %arg5: memref<1000x160xbf16, #tpu.memory_space<vmem>>, %arg6: memref<1000x128xf32, #tpu.memory_space<vmem>>) attributes {dimension_semantics = [#tpu.dimension_semantics<arbitrary>], iteration_bounds = array<i64: 10>, scalar_prefetch = 0 : i64, scratch_operands = 0 : i64, tpu.core_type = #tpu.core_type<tc>, window_params = [{transform_indices = @transform_0, window_bounds = array<i64: 1000, 128>}, {pipeline_mode = #tpu.pipeline_mode<synchronous>, transform_indices = @transform_1, window_bounds = array<i64: 128, 128>}, {pipeline_mode = #tpu.pipeline_mode<synchronous>, transform_indices = @transform_2, window_bounds = array<i64: 128, 128>}, {pipeline_mode = #tpu.pipeline_mode<synchronous>, transform_indices = @transform_3, window_bounds = array<i64: 1, 128>}, {transform_indices = @transform_4, window_bounds = array<i64: 1000, 160>}, {transform_indices = @transform_5, window_bounds = array<i64: 1000, 128>}]} {
    %get3A = arith.constant 0 : index
    %get3A_0 = arith.constant 0 : index
    %get3A_1 = vector.load %arg1[%get3A, %get3A_0] : memref<1000x128xf32, #tpu.memory_space<vmem>>, vector<1000x128xf32>
    %get3A_2 = arith.constant 0 : index
    %get3A_3 = arith.constant 0 : index
    %get3A_4 = vector.load %arg2[%get3A_2, %get3A_3] : memref<128x128xf32, #tpu.memory_space<vmem>>, vector<128x128xf32>
    %dot_general3A = arith.constant dense<0.000000e+00> : vector<1000x128xf32>
    %dot_general3A_5 = tpu.matmul %get3A_1, %get3A_4, %dot_general3A {dimension_numbers = #tpu.dot_dimension_numbers<[1], [1], [0], [0], [0, 0, 1, 0], [], []>, transpose_lhs_hint = false} : vector<1000x128xf32>, vector<128x128xf32>, vector<1000x128xf32> -> vector<1000x128xf32>
    %iota3A = tpu.iota {dimensions = array<i32: 1>} : vector<1000x32xi32>
    %eq3A = arith.constant 0 : i32
    %eq3A_6 = vector.broadcast %eq3A : i32 to vector<1000x32xi32>
    %eq3A_7 = arith.cmpi eq, %iota3A, %eq3A_6 : vector<1000x32xi32>
    %jit3A = arith.constant 1.000000e+00 : f32
    %jit3A_8 = arith.constant 0.000000e+00 : f32
    %broadcast_in_dim3A = vector.broadcast %jit3A : f32 to vector<1000x32xf32>
    %broadcast_in_dim3A_9 = vector.broadcast %jit3A_8 : f32 to vector<1000x32xf32>
    %select_n3A = arith.select %eq3A_7, %broadcast_in_dim3A, %broadcast_in_dim3A_9 : vector<1000x32xi1>, vector<1000x32xf32>
    %concatenate3A = tpu.concatenate %dot_general3A_5, %select_n3A in 1 : vector<1000x128xf32>, vector<1000x32xf32> -> vector<1000x160xf32>
    %convert_element_type3A = arith.truncf %concatenate3A : vector<1000x160xf32> to vector<1000x160xbf16>
    %swap3A = arith.constant 0 : index
    %swap3A_10 = arith.constant 0 : index
    %swap3A_11 = vector.load %arg5[%swap3A, %swap3A_10] : memref<1000x160xbf16, #tpu.memory_space<vmem>>, vector<1000x160xbf16>
    tpu.vector_store %arg5[%swap3A, %swap3A_10], %convert_element_type3A {strides = array<i32>} : memref<1000x160xbf16, #tpu.memory_space<vmem>>, vector<1000x160xbf16>,
    %get3A_12 = arith.constant 0 : index
    %get3A_13 = arith.constant 0 : index
    %get3A_14 = vector.load %arg3[%get3A_12, %get3A_13] : memref<128x128xf32, #tpu.memory_space<vmem>>, vector<128x128xf32>
    %dot_general3A_15 = arith.constant dense<0.000000e+00> : vector<1000x128xf32>
    %dot_general3A_16 = tpu.matmul %get3A_1, %get3A_14, %dot_general3A_15 {dimension_numbers = #tpu.dot_dimension_numbers<[1], [1], [0], [0], [0, 0, 1, 0], [], []>, transpose_lhs_hint = false} : vector<1000x128xf32>, vector<128x128xf32>, vector<1000x128xf32> -> vector<1000x128xf32>
    %get3A_17 = arith.constant 0 : index
    %get3A_18 = arith.constant 0 : index
    %get3A_19 = vector.load %arg4[%get3A_17, %get3A_18] : memref<1x128xf32, #tpu.memory_space<vmem>>, vector<1x128xf32>
    %add3A = vector.broadcast %get3A_19 : vector<1x128xf32> to vector<1000x128xf32>
    %add3A_20 = arith.addf %dot_general3A_16, %add3A : vector<1000x128xf32>
    %swap3A_21 = arith.constant 0 : index
    %swap3A_22 = arith.constant 0 : index
    %swap3A_23 = vector.load %arg6[%swap3A_21, %swap3A_22] : memref<1000x128xf32, #tpu.memory_space<vmem>>, vector<1000x128xf32>
    tpu.vector_store %arg6[%swap3A_21, %swap3A_22], %add3A_20 {strides = array<i32>} : memref<1000x128xf32, #tpu.memory_space<vmem>>, vector<1000x128xf32>,
    return
  }
  func.func @transform_0(%arg0: i32) -> (i32, i32) {
    %c0_i32 = arith.constant 0 : i32
    %c0_i32_0 = arith.constant 0 : i32
    return %arg0, %c0_i32 : i32, i32
  }
  func.func @transform_1(%arg0: i32) -> (i32, i32) {
    %c0_i32 = arith.constant 0 : i32
    %c0_i32_0 = arith.constant 0 : i32
    %c0_i32_1 = arith.constant 0 : i32
    return %c0_i32, %c0_i32_0 : i32, i32
  }
  func.func @transform_2(%arg0: i32) -> (i32, i32) {
    %c0_i32 = arith.constant 0 : i32
    %c0_i32_0 = arith.constant 0 : i32
    %c0_i32_1 = arith.constant 0 : i32
    return %c0_i32, %c0_i32_0 : i32, i32
  }
  func.func @transform_3(%arg0: i32) -> (i32, i32) {
    %c0_i32 = arith.constant 0 : i32
    %c0_i32_0 = arith.constant 0 : i32
    %c0_i32_1 = arith.constant 0 : i32
    return %c0_i32, %c0_i32_0 : i32, i32
  }
  func.func @transform_4(%arg0: i32) -> (i32, i32) {
    %c0_i32 = arith.constant 0 : i32
    %c0_i32_0 = arith.constant 0 : i32
    return %arg0, %c0_i32 : i32, i32
  }
  func.func @transform_5(%arg0: i32) -> (i32, i32) {
    %c0_i32 = arith.constant 0 : i32
    %c0_i32_0 = arith.constant 0 : i32
    return %arg0, %c0_i32 : i32, i32
  }
}

module attributes {stable_mosaic.version = 14 : i64} {
  func.func @body(%arg0: i32, %arg1: memref<1x1000x160xbf16, #tpu.memory_space<vmem>>, %arg2: memref<1x1000x160xbf16, #tpu.memory_space<vmem>>, %arg3: memref<1000x128xf32, #tpu.memory_space<vmem>>, %arg4: memref<1000x128xf32, #tpu.memory_space<vmem>>) attributes {dimension_semantics = [#tpu.dimension_semantics<arbitrary>], iteration_bounds = array<i64: 10>, scalar_prefetch = 0 : i64, scratch_operands = 0 : i64, tpu.core_type = #tpu.core_type<tc>, window_params = [{transform_indices = @transform_0, window_bounds = array<i64: 1, 1000, 160>}, {transform_indices = @transform_1, window_bounds = array<i64: 1, 1000, 160>}, {transform_indices = @transform_2, window_bounds = array<i64: 1000, 128>}, {transform_indices = @transform_3, window_bounds = array<i64: 1000, 128>}]} {
    %get3A = arith.constant 0 : index
    %get3A_0 = arith.constant 0 : index
    %get3A_1 = arith.constant 128 : index
    %get3A_2 = vector.load %arg1[%get3A, %get3A_0, %get3A_1] : memref<1x1000x160xbf16, #tpu.memory_space<vmem>>, vector<1x1000x1xbf16>
    %get3A_3 = vector.shape_cast %get3A_2 : vector<1x1000x1xbf16> to vector<1000x1xbf16>
    %get3A_4 = arith.constant 0 : index
    %get3A_5 = arith.constant 0 : index
    %get3A_6 = arith.constant 128 : index
    %get3A_7 = vector.load %arg2[%get3A_4, %get3A_5, %get3A_6] : memref<1x1000x160xbf16, #tpu.memory_space<vmem>>, vector<1x1000x1xbf16>
    %get3A_8 = vector.shape_cast %get3A_7 : vector<1x1000x1xbf16> to vector<1000x1xbf16>
    %add3A = arith.addf %get3A_3, %get3A_8 : vector<1000x1xbf16>
    %convert_element_type3A = arith.extf %add3A : vector<1000x1xbf16> to vector<1000x1xf32>
    %max3A = arith.constant 1.000000e+00 : f32
    %max3A_9 = vector.broadcast %max3A : f32 to vector<1000x1xf32>
    %max3A_10 = arith.maximumf %convert_element_type3A, %max3A_9 : vector<1000x1xf32>
    %get3A_11 = arith.constant 0 : index
    %get3A_12 = arith.constant 0 : index
    %get3A_13 = arith.constant 0 : index
    %get3A_14 = vector.load %arg1[%get3A_11, %get3A_12, %get3A_13] : memref<1x1000x160xbf16, #tpu.memory_space<vmem>>, vector<1x1000x128xbf16>
    %get3A_15 = vector.shape_cast %get3A_14 : vector<1x1000x128xbf16> to vector<1000x128xbf16>
    %convert_element_type3A_16 = arith.extf %get3A_15 : vector<1000x128xbf16> to vector<1000x128xf32>
    %get3A_17 = arith.constant 0 : index
    %get3A_18 = arith.constant 0 : index
    %get3A_19 = arith.constant 0 : index
    %get3A_20 = vector.load %arg2[%get3A_17, %get3A_18, %get3A_19] : memref<1x1000x160xbf16, #tpu.memory_space<vmem>>, vector<1x1000x128xbf16>
    %get3A_21 = vector.shape_cast %get3A_20 : vector<1x1000x128xbf16> to vector<1000x128xbf16>
    %convert_element_type3A_22 = arith.extf %get3A_21 : vector<1000x128xbf16> to vector<1000x128xf32>
    %add3A_23 = arith.addf %convert_element_type3A_16, %convert_element_type3A_22 : vector<1000x128xf32>
    %div3A = vector.broadcast %max3A_10 : vector<1000x1xf32> to vector<1000x128xf32>
    %div3A_24 = arith.divf %add3A_23, %div3A : vector<1000x128xf32>
    %get3A_25 = arith.constant 0 : index
    %get3A_26 = arith.constant 0 : index
    %get3A_27 = vector.load %arg3[%get3A_25, %get3A_26] : memref<1000x128xf32, #tpu.memory_space<vmem>>, vector<1000x128xf32>
    %add3A_28 = arith.addf %div3A_24, %get3A_27 : vector<1000x128xf32>
    %swap3A = arith.constant 0 : index
    %swap3A_29 = arith.constant 0 : index
    %swap3A_30 = vector.load %arg4[%swap3A, %swap3A_29] : memref<1000x128xf32, #tpu.memory_space<vmem>>, vector<1000x128xf32>
    tpu.vector_store %arg4[%swap3A, %swap3A_29], %add3A_28 {strides = array<i32>} : memref<1000x128xf32, #tpu.memory_space<vmem>>, vector<1000x128xf32>,
    return
  }
  func.func @transform_0(%arg0: i32) -> (i32, i32, i32) {
    %c0_i32 = arith.constant 0 : i32
    %c0_i32_0 = arith.constant 0 : i32
    %c0_i32_1 = arith.constant 0 : i32
    return %c0_i32, %arg0, %c0_i32_0 : i32, i32, i32
  }
  func.func @transform_1(%arg0: i32) -> (i32, i32, i32) {
    %c1_i32 = arith.constant 1 : i32
    %c0_i32 = arith.constant 0 : i32
    %c0_i32_0 = arith.constant 0 : i32
    return %c1_i32, %arg0, %c0_i32 : i32, i32, i32
  }
  func.func @transform_2(%arg0: i32) -> (i32, i32) {
    %c0_i32 = arith.constant 0 : i32
    %c0_i32_0 = arith.constant 0 : i32
    return %arg0, %c0_i32 : i32, i32
  }
  func.func @transform_3(%arg0: i32) -> (i32, i32) {
    %c0_i32 = arith.constant 0 : i32
    %c0_i32_0 = arith.constant 0 : i32
    return %arg0, %c0_i32 : i32, i32
  }
}

</mosaic_0001>

<sc_bundles>
// kernel: kernel.5.cloned.1.call-start
scs
__scs_entry_jumppad:
0x0: {  	(pc) =	sbr.rel $0x88, $3  }
0x1: {  	(tag) =	ssettag $0x0;
	lr =	simm.s32 $0x1  }
0x2: {  	[smem:$0x3F9C] =	sst lr;
	_ =	strace $0xD0000000  }
0x3: {  	_ = 	snop  }
0x4: {  	_ = 	snop  }
0x5: {  	_ = 	snop  }
0x6: {  	_ = 	snop  }
0x7: {  	_ = 	snop  }
__scs_overlays_trampoline_lowered:
0x8: {  	[smem:$0x3FAB] =	sst s0  }
0x9: {  	[smem:$0x3FAC] =	sst s1  }
0xa: {  	[smem:$0x3FAD] =	sst s2  }
0xb: {  	[smem:$0x3FAE] =	sst s3  }
0xc: {  	[smem:$0x3FAF] =	sst s4  }
0xd: {  	[smem:$0x3FB0] =	sst s5  }
0xe: {  	[smem:$0x3FB1] =	sst s6  }
0xf: {  	[smem:$0x3FB2] =	sst s7  }
0x10: {  	[smem:$0x3FB3] =	sst s8  }
0x11: {  	[smem:$0x3FB4] =	sst s9;
	s0 =	simm.s32 @!p0 $0x0  }
0x12: {  	s1 =	sld [smem:$0x3F9A];
	s0 =	simm.s32 @p0 $0x1  }
0x13: {  	[smem:$0x3FB5] =	sst s0;
	s0 =	simm.s32 @!p1 $0x0  }
0x14: {  	s2 =	sld [smem:$0x3F99];
	s0 =	simm.s32 @p1 $0x1  }
0x15: {  	[smem:$0x3FB6] =	sst s0;
	s0 =	simm.s32 @!p2 $0x0  }
0x16: {  	s3 =	sld [smem:$0x3FDB];
	s0 =	simm.s32 @p2 $0x1  }
0x17: {  	s4 =	simm.s32 $0x1BF5;
	[smem:$0x3FB8] =	sst s0  }
0x18: {  	s0 =	sld [smem:$0x3F9B];
	_ =	swait.ge [sflag:s4], $0x0  }
0x19: {  	s7 =	sld [smem:$0x3F9C]  }
0x1a: {  	s8 =	sadd.s32 $0xFFFFE003, lr  }
0x1b: {  	s9 =	sadd.s32 $0xFFFFFEF7, lr;
	s5 =	simm.s32 $0xFFFFFFFF;
	p2 =	slt.u32 s8, $0xFFFFF086  }
0x1c: {  	p1 =	slt.u32 s9, $0xF7A;
	s5 =	simm.s32 @!p2 $0x0  }
0x1d: {  	s5 =	simm.s32 @p1 $0x1;
	p0 =	seq.s32 s7, s2  }
0x1e: {  	s7 =	smul.u32 @!p0 $0xF7A, s2;
	p2 =	seq.s32 @!p0 s5, $0x0  }
0x1f: {  	s9 =	smul.u32 $0xF7A, s1;
	s8 =	simm.s32 @!p0 $0x1BF5;
	p2 =	por !p2, p0  }
0x20: {  	[sflag:s8] =	ssyncset.s32 @!p0 $0xFFFFF086;
	s6 =	sadd.s32 @!p0 s3, s7;
	s7 =	simm.s32 @!p0 $0x108  }
0x21: {  	s3 =	sadd.s32 s3, s9;
	s6 =	sadd.s32 @!p0 $0x88, s6;
	s7 =	simm.s32 @p2 $0x1082  }
0x22: {  	[simem:s7], [sflag:s8] =	dma.local @!p0 [hbm:s6], $0xF7A  }
0x23: {  	s9 =	sor.u32 $0xD0000000, s2;
	s6 =	simm.s32 $0x108;
	_ =	swait.ge @!p0 [sflag:s8], $0x0  }
0x24: {  	s3 =	sadd.s32 $0x88, s3;
	s6 =	simm.s32 @!p1 $0x1082;
	[sflag:s4] =	ssyncset.s32 $0xFFFFF086  }
0x25: {  	[simem:s6], [sflag:s4] =	dma.local [hbm:s3], $0xF7A  }
0x26: {  	[smem:$0x3F9C] =	sst s1;
	(tag) =	ssettag s2;
	_ =	strace s9  }
0x27: {  	s1 =	sld [smem:$0x3FAC]  }
0x28: {  	s2 =	sld [smem:$0x3FAD]  }
0x29: {  	s4 =	sld [smem:$0x3FAF]  }
0x2a: {  	p0 =	seq.s32 s5, $0x0;
	s5 =	sld [smem:$0x3FB0]  }
0x2b: {  	s6 =	sld [smem:$0x3FB1]  }
0x2c: {  	s7 =	sld [smem:$0x3FB2]  }
0x2d: {  	s3 =	simm.s32 $0x108;
	s8 =	sld [smem:$0x3FB3]  }
0x2e: {  	s3 =	simm.s32 @!p0 $0x1082;
	s9 =	sld [smem:$0x3FB4]  }
0x2f: {  	lr =	sadd.s32 s0, s3;
	s0 =	sld [smem:$0x3FAB]  }
0x30: {  	s3 =	sld [smem:$0x3FAE]  }
0x31: {  	[smem:$0x3FB7] =	sst s10  }
0x32: {  	s10 =	sld [smem:$0x3FB5];
	_ =	sdelay $0x3  }
0x33: {  	p0 =	seq.s32 s10, $0x1;
	s10 =	sld [smem:$0x3FB7];
	_ =	sdelay $0x3  }
0x34: {  	[smem:$0x3FB7] =	sst s10  }
0x35: {  	s10 =	sld [smem:$0x3FB6];
	_ =	sdelay $0x3  }
0x36: {  	p1 =	seq.s32 s10, $0x1;
	s10 =	sld [smem:$0x3FB7];
	_ =	sdelay $0x3  }
0x37: {  	[smem:$0x3FB7] =	sst s10  }
0x38: {  	s10 =	sld [smem:$0x3FB8]  }
0x39: {  	_ = 	snop;
	(pc) =	sbr.ind lr, $3  }
0x3a: {  	_ = 	snop  }
0x3b: {  	_ = 	snop  }
0x3c: {  	p2 =	seq.s32 s10, $0x1;
	s10 =	sld [smem:$0x3FB7]  }
0x3d: {  	_ =	shalt  }
0x3e: {  	_ =	shalt  }
0x3f: {  	_ =	shalt  }
0x40: {  	_ =	shalt  }
0x41: {  	_ =	shalt  }
0x42: {  	_ =	shalt  }
0x43: {  	_ =	shalt  }
0x44: {  	_ =	shalt  }
0x45: {  	_ =	shalt  }
0x46: {  	_ =	shalt  }
0x47: {  	_ =	shalt  }
0x48: {  	_ =	shalt  }
0x49: {  	_ =	shalt  }
0x4a: {  	_ =	shalt  }
0x4b: {  	_ =	shalt  }
0x4c: {  	_ =	shalt  }
0x4d: {  	_ =	shalt  }
0x4e: {  	_ =	shalt  }
0x4f: {  	_ =	shalt  }
0x50: {  	_ =	shalt  }
0x51: {  	_ =	shalt  }
0x52: {  	_ =	shalt  }
0x53: {  	_ =	shalt  }
0x54: {  	_ =	shalt  }
0x55: {  	_ =	shalt  }
0x56: {  	_ =	shalt  }
0x57: {  	_ =	shalt  }
0x58: {  	_ =	shalt  }
0x59: {  	_ =	shalt  }
0x5a: {  	_ =	shalt  }
0x5b: {  	_ =	shalt  }
0x5c: {  	_ =	shalt  }
0x5d: {  	_ =	shalt  }
0x5e: {  	_ =	shalt  }
0x5f: {  	_ =	shalt  }
0x60: {  	_ =	shalt  }
0x61: {  	_ =	shalt  }
0x62: {  	_ =	shalt  }
0x63: {  	_ =	shalt  }
0x64: {  	_ =	shalt  }
0x65: {  	_ =	shalt  }
0x66: {  	_ =	shalt  }
0x67: {  	_ =	shalt  }
0x68: {  	_ =	shalt  }
0x69: {  	_ =	shalt  }
0x6a: {  	_ =	shalt  }
0x6b: {  	_ =	shalt  }
0x6c: {  	_ =	shalt  }
0x6d: {  	_ =	shalt  }
0x6e: {  	_ =	shalt  }
0x6f: {  	_ =	shalt  }
0x70: {  	_ =	shalt  }
0x71: {  	_ =	shalt  }
0x72: {  	_ =	shalt  }
0x73: {  	_ =	shalt  }
0x74: {  	_ =	shalt  }
0x75: {  	_ =	shalt  }
0x76: {  	_ =	shalt  }
0x77: {  	_ =	shalt  }
0x78: {  	_ =	shalt  }
0x79: {  	_ =	shalt  }
0x7a: {  	_ =	shalt  }
0x7b: {  	_ =	shalt  }
0x7c: {  	_ =	shalt  }
0x7d: {  	_ =	shalt  }
0x7e: {  	_ =	shalt  }
0x7f: {  	_ =	shalt  }
0x80: {  	_ =	shalt  }
0x81: {  	_ =	shalt  }
0x82: {  	_ =	shalt  }
0x83: {  	_ =	shalt  }
0x84: {  	_ =	shalt  }
0x85: {  	_ =	shalt  }
0x86: {  	_ =	shalt  }
0x87: {  	_ =	shalt  }
.Lfunc_end0:
.L_simem_size_0:
called_computation_lowered:
.L_overlay_start_0:
0x88: {  	s2 =	sld [smem:$0x3FD9]  }
0x89: {  	s3 =	sld [smem:$0x3FFE];
	_ =	sdelay $0x1  }
0x8a: {  	s1 =	srdreg.scid  }
0x8b: {  	s0 =	sand.u32 $0x1, s1  }
0x8c: {  	s17 =	sshll.u32 s0, $0xA;
	s2 =	sadd.s32 s3, s2  }
0x8d: {  	s2 =	sadd.s32 s2, s17  }
0x8e: {  	[smem:$0x3FC3] =	sst s2  }
0x8f: {  	_ = 	snop  }
0x90: {  	s2 =	sld [smem:$0x3FD0];
	(tm) =	ssettm $0x1  }
0x91: {  	s18 =	sld [smem:$0x3FFB];
	_ =	sdelay $0x3  }
0x92: {  	_ =	strace s18  }
0x93: {  	s3 =	sld [smem:$0x3FFC];
	_ =	sdelay $0x3  }
0x94: {  	_ =	strace s3  }
0x95: {  	s3 =	sld [smem:$0x3FFD];
	_ =	sdelay $0x3  }
0x96: {  	_ =	strace s3  }
0x97: {  	_ =	strace $0x8FFFFFFF  }
0x98: {  	s19 =	sld [smem:$0x3FDB];
	_ =	sdelay $0x1  }
0x99: {  	s4 =	simm.s32 $_scs_section_size  }
0x9a: {  	s5 =	simm.s32 $_size__tile_overlayer_lowered;
	s6 =	simm.s32 $_tile_overlayer_lowered  }
0x9b: {  	s22 =	simm.s32 $0x1BFF;
	s21 =	sshll.u32 s6, $0x1;
	s3 =	sadd.s32 s4, s19  }
0x9c: {  	s7 =	simm.s32 $0x0;
	s20 =	sshll.u32 s5, $0x1;
	s5 =	sadd.s32 s21, s3  }
0x9d: {  	[timem:s7], [sflag:s22] =	dma.local [hbm:s5], s20  }
0x9e: {  	_ =	swait.ge [sflag:s22], s20  }
0x9f: {  	s4 =	ssub.s32 $0x0, s20;
	[sflag:s22] =	ssyncset.done $0x0  }
0xa0: {  	[sflag:s22] =	ssyncadd.s32 s4;
	_ =	sdelay $0x1  }
0xa1: {  	s23 =	simm.s32 $0x1B8B  }
0xa2: {  	_ =	swait.ge [sflag:s23], $0x1  }
0xa3: {  	[sflag:s23] =	ssyncset.done $0x0  }
0xa4: {  	s25 =	simm.s32 $0x1B8E;
	s24 =	sld [smem:$0x3FFE];
	[sflag:s23] =	ssyncadd.s32 $0xFFFFFFFF  }
0xa5: {  	s26 =	simm.s32 $execute0_lowered;
	[smem:$0x3FD2] =	sst s25  }
0xa6: {  	s5 =	sshll.u32 s26, $0x1;
	_ =	strace $0x80000046;
	[dreg:$0x1] =	wrdreg $0xFFFFFFFF  }
0xa7: {  	s28 =	simm.s32 $_size_execute0_lowered;
	s3 =	sadd.s32 s3, s5;
	[dreg:$0x0] =	wrdreg $0x0  }
0xa8: {  	s5 =	sshll.u32 s28, $0x1;
	[dreg:$0x2] =	wrdreg s3  }
0xa9: {  	[dreg:$0x3] =	wrdreg s5  }
0xaa: {  	[dreg:$0x4] =	wrdreg $0xC0  }
0xab: {  	_ =	task [dreg:s7], $0x5FFFF  }
0xac: {  	[dreg:$0x1] =	wrdreg $0xFFFFFFFF  }
0xad: {  	[dreg:$0x0] =	wrdreg $0x60  }
0xae: {  	[dreg:$0x2] =	wrdreg s24  }
0xaf: {  	[dreg:$0x3] =	wrdreg s2  }
0xb0: {  	[dreg:$0x4] =	wrdreg $0xB0000  }
0xb1: {  	[dreg:$0x5] =	wrdreg $0x9  }
0xb2: {  	_ =	task.clear_ibuf [dreg:s7], $0x6FFFF;
	_ =	strace $0x90000046  }
0xb3: {  	s29 =	simm.s32 $0x9;
	_ =	strace $0x80000048  }
0xb4: {  	_ =	swait.ge [sflag:s29], $0x1  }
0xb5: {  	[sflag:s29] =	ssyncadd.s32 $0xFFFFFFFF  }
0xb6: {  	_ =	strace $0x90000048  }
0xb7: {  	_ =	sfence  }
0xb8: {  	s30 =	sld [smem:$0x0];
	_ =	sdelay $0x2  }
0xb9: {  	s31 =	sshll.u32 s1, $0xD;
	s1 =	sshrl.u32 s1, $0x2  }
0xba: {  	s3 =	sand.u32 $0x4000, s31;
	s1 =	sadd.s32 s1, s30  }
0xbb: {  	s0 =	sor.u32 s3, s0;
	s1 =	sshll.u32 s1, $0x11  }
0xbc: {  	s0 =	sor.u32 s1, s0  }
0xbd: {  	s0 =	sadd.s32 $0x8F2B, s0  }
0xbe: {  	[sflag:s0] =	ssyncadd.remote.s32 $0x1  }
0xbf: {  	_ =	sfence.sel $0xFFFF  }
0xc0: {  	[dreg:$0x0] =	wrdreg $0xFFFFFFFF;
	(pc) =	sbr.abs _section_cstart, $3  }
0xc1: {  	[dreg:$0x1] =	wrdreg $0xFFFFFFFF  }
0xc2: {  	_ =	task.clear_ibuf [dreg:s7], $0x2FFFF;
	_ =	strace $0x9FFFFFFF  }
0xc3: {  	(tm) =	ssettm $0x7FFFFFFF  }
tec
execute0_lowered:
.L_overlay_start_1:
0x0: {  	(tag) =	ssettag $0x1  }
0x1: {  	s0 =	rddreg [dreg:$0x0]  }
0x2: {  	s1 =	rddreg [dreg:$0x1]  }
0x3: {  	s2 =	rddreg [dreg:$0x2]  }
0x4: {  	s4 =	srdreg.scid;
	s13 =	stileid.u32;
	s3 =	simm.s32 $0x0  }
0x5: {  	s28 =	simm.s32 $0x1;
	s29 =	simm.s32 $0x5;
	s31 =	simm.s32 $0x2  }
0x6: {  	s30 =	simm.s32 $0x9;
	s5 =	sand.u32 $0x1, s4;
	s6 =	smul.u32 $0x18B00, s13  }
0x7: {  	[smem:$0x7FF] =	sst s3;
	s4 =	sadd.s32 $0xC00, s0;
	s8 =	sadd.s32 $0x23600, s0  }
0x8: {  	s9 =	sadd.s32 $0x19400, s0;
	s25 =	sshll.u32 s13, $0x6;
	s26 =	smul.u32 $0x50, s13  }
0x9: {  	s7 =	smul.u32 $0x18B000, s5;
	_ =	strace $0x80000047;
	s10 =	ssub.s32 $0x2, s5  }
0xa: {  	s11 =	sshll.u32 s5, $0x4;
	s5 =	smul.u32 $0x500, s5;
	s14 =	sor.u32 $0x1C0B, s25  }
0xb: {  	s23 =	sshrl.u32 s10, $0x1;
	s11 =	sor.u32 s13, s11;
	s24 =	sshrl.u32 s6, $0x1  }
0xc: {  	[dreg:$0xa] =	wrdreg s14;
	s7 =	sadd.s32 s6, s7;
	s12 =	smul.u32 $0x500, s11  }
0xd: {  	s6 =	sshrl.u32 s6, $0x4;
	s15 =	smul.u32 $0x2800, s11;
	s5 =	sadd.s32 s26, s5  }
0xe: {  	s11 =	simm.s32 $0x4;
	s7 =	sshrl.u32 s7, $0x4;
	s1 =	sadd.s32 s1, s6  }
0xf: {  	s5 =	sshll.u32 s5, $0x4;
	s6 =	simm.s32 $0x3;
	s0 =	sadd.s32 s7, s0  }
0x10: {  	s7 =	ssub.s32 s10, s23;
	s10 =	sadd.s32 s24, s2;
	[dreg:$0x9] =	wrdreg s1  }
0x11: {  	s13 =	sadd.s32 s8, s12;
	s16 =	sadd.s32 s9, s12;
	s17 =	sor.u32 $0x80, s12  }
0x12: {  	s1 =	sshrl.u32 s15, $0x3;
	s20 =	sadd.s32 $0x200, s5;
	[dreg:$0x8] =	wrdreg s10  }
0x13: {  	s5 =	sadd.s32 $0x180, s5;
	s12 =	simm.s32 $0xB;
	[dreg:$0xb] =	wrdreg s13  }
0x14: {  	s15 =	simm.s32 $0x100;
	[dreg:$0xc] =	wrdreg s16;
	s18 =	sadd.s32 s8, s17  }
0x15: {  	s19 =	sadd.s32 s9, s17;
	s1 =	sadd.s32 $0x100, s1;
	[dreg:$0xd] =	wrdreg s18  }
0x16: {  	s22 =	sadd.s32 s20, s8;
	s23 =	sadd.s32 s20, s9;
	[dreg:$0xe] =	wrdreg s19  }
0x17: {  	s0 =	sadd.s32 $0x2D800, s0;
	s24 =	sadd.s32 s5, s8;
	[dreg:$0x4] =	wrdreg s22  }
0x18: {  	s25 =	smax.u32 s7, $0x1;
	s26 =	sadd.s32 s5, s9;
	[dreg:$0x11] =	wrdreg s0  }
0x19: {  	s17 =	simm.s32 $0x400;
	s20 =	simm.s32 $0x3800;
	[dreg:$0x5] =	wrdreg s23  }
0x1a: {  	s13 =	simm.s32 $0x8;
	s7 =	simm.s32 $0xA;
	[dreg:$0x12] =	wrdreg s25  }
0x1b: {  	s21 =	sadd.s32 s8, s1;
	s1 =	sadd.s32 s9, s1;
	[dreg:$0x6] =	wrdreg s24  }
0x1c: {  	[dreg:$0x7] =	wrdreg s26;
	s18 =	simm.s32 $0x80;
	s19 =	simm.s32 $0x1000  }
0x1d: {  	s22 =	simm.s32 $0x6000;
	s23 =	simm.s32 $0x800;
	s24 =	simm.s32 $0xC00  }
0x1e: {  	s26 =	simm.s32 $0x8800;
	s9 =	simm.s32 $0x7;
	[dreg:$0xf] =	wrdreg s21  }
0x1f: {  	s0 =	simm.s32 $0x0;
	[dreg:$0x10] =	wrdreg s1;
	s1 =	simm.s32 $0x6  }
.LBB2_1:
0x20: {  	[dreg:$0x13] =	wrdreg s0  }
0x21: {  	s10 =	rddreg [dreg:$0x8]  }
0x22: {  	s8 =	rddreg [dreg:$0x9];
	s5 =	sshrl.u32 s10, $0x3  }
0x23: {  	[dreg:$0x14] =	wrdreg s5  }
0x24: {  	[spmem:s5], [sflag:s14] =	dma.local [hbm:s8], $0x18B0  }
0x25: {  	_ =	swait.ge [sflag:s12], $0x18B0  }
0x26: {  	[sflag:s12] =	ssyncset.done $0x0  }
0x27: {  	[sflag:s12] =	ssyncadd.s32 $0xFFFFE750  }
0x28: {  	[bflag:$0x0] =	sbarrier.arrive $0xFFFF  }
0x29: {  	s16 =	rddreg [dreg:$0xb]  }
0x2a: {  	[tilespmem:s3], [sflag:$0xB] =	stream.linear.gather [hbm4b:s16+s3], $0x400, $0x38;
	[tilespmem:$0x17580] =	vst v63  }
0x2b: {  	_ =	swait.ge [sflag:s12], $0x400  }
0x2c: {  	[sflag:s12] =	ssyncset.done $0x0  }
0x2d: {  	s21 =	rddreg [dreg:$0xc];
	[sflag:s12] =	ssyncadd.s32 $0xFFFFFC00  }
0x2e: {  	[tilespmem:s17], [sflag:$0xB] =	stream.linear.gather [hbm4b:s21+s3], $0x400, $0x38;
	[tilespmem:$0x17580] =	vst v63  }
0x2f: {  	_ =	swait.ge [sflag:s12], $0x400  }
0x30: {  	[sflag:s12] =	ssyncset.done $0x0  }
0x31: {  	[sflag:s12] =	ssyncadd.s32 $0xFFFFFC00  }
0x32: {  	[tilespmem:s19], [sflag:$0x1] =	stream.indirect.gather [hbm4b:s4+s18], $0x50, s3, s18, $0xb8;
	[tilespmem:$0x17580] =	vst v63  }
0x33: {  	_ = 	snop  }
0x34: {  	[tilespmem:s20], [sflag:$0x2] =	stream.indirect.gather [hbm4b:s4+s18], $0x50, s18, s18, $0xb8;
	[tilespmem:$0x17580] =	vst v63  }
0x35: {  	_ = 	snop  }
0x36: {  	[tilespmem:s22], [sflag:$0x3] =	stream.indirect.gather [hbm4b:s4+s18], $0x50, s15, s18, $0xb8;
	[tilespmem:$0x17580] =	vst v63  }
0x37: {  	s25 =	rddreg [dreg:$0xd]  }
0x38: {  	[tilespmem:s23], [sflag:$0xA] =	stream.linear.gather [hbm4b:s25+s3], $0x400, $0x38;
	[tilespmem:$0x17580] =	vst v63  }
0x39: {  	s0 =	rddreg [dreg:$0xe]  }
0x3a: {  	[tilespmem:s24], [sflag:$0xA] =	stream.linear.gather [hbm4b:s0+s3], $0x400, $0x38;
	[tilespmem:$0x17580] =	vst v63  }
0x3b: {  	s14 =	simm.s32 $0x180  }
0x3c: {  	[tilespmem:s26], [sflag:$0x4] =	stream.indirect.gather [hbm4b:s4+s18], $0x50, s14, s18, $0xb8;
	[tilespmem:$0x17580] =	vst v63  }
0x3d: {  	_ =	swait.ge [sflag:s28], $0x2800  }
0x3e: {  	[sflag:s28] =	ssyncset.done $0x0  }
0x3f: {  	[sflag:s28] =	ssyncadd.s32 $0xFFFFD800  }
0x40: {  	[spmem:s2] =	stream.indirect.scatter.add.bf16 [tilespmem:s19], [sflag:$0x5], $0x50, s17, s18, $0xb8;
	[tilespmem:$0x17580] =	vst v63  }
0x41: {  	_ =	swait.ge [sflag:s29], $0x2800  }
0x42: {  	[sflag:s29] =	ssyncset.done $0x0  }
0x43: {  	s25 =	simm.s32 $0x200;
	[sflag:s29] =	ssyncadd.s32 $0xFFFFD800  }
0x44: {  	[tilespmem:s19], [sflag:$0x1] =	stream.indirect.gather [hbm4b:s4+s18], $0x50, s25, s18, $0xb8;
	[tilespmem:$0x17580] =	vst v63  }
0x45: {  	_ =	swait.ge [sflag:s31], $0x2800  }
0x46: {  	[sflag:s31] =	ssyncset.done $0x0  }
0x47: {  	s5 =	simm.s32 $0x480;
	[sflag:s31] =	ssyncadd.s32 $0xFFFFD800  }
0x48: {  	[spmem:s2] =	stream.indirect.scatter.add.bf16 [tilespmem:s20], [sflag:$0x6], $0x50, s5, s18, $0xb8;
	[tilespmem:$0x17580] =	vst v63  }
0x49: {  	_ =	swait.ge [sflag:s1], $0x2800  }
0x4a: {  	[sflag:s1] =	ssyncset.done $0x0  }
0x4b: {  	s8 =	simm.s32 $0x280;
	[sflag:s1] =	ssyncadd.s32 $0xFFFFD800  }
0x4c: {  	[tilespmem:s20], [sflag:$0x2] =	stream.indirect.gather [hbm4b:s4+s18], $0x50, s8, s18, $0xb8;
	[tilespmem:$0x17580] =	vst v63  }
0x4d: {  	_ =	swait.ge [sflag:s6], $0x2800  }
0x4e: {  	[sflag:s6] =	ssyncset.done $0x0  }
0x4f: {  	s10 =	simm.s32 $0x500;
	[sflag:s6] =	ssyncadd.s32 $0xFFFFD800  }
0x50: {  	[spmem:s2] =	stream.indirect.scatter.add.bf16 [tilespmem:s22], [sflag:$0x7], $0x50, s10, s18, $0xb8;
	[tilespmem:$0x17580] =	vst v63  }
0x51: {  	_ =	swait.ge [sflag:s9], $0x2800  }
0x52: {  	[sflag:s9] =	ssyncset.done $0x0  }
0x53: {  	s12 =	simm.s32 $0x300;
	[sflag:s9] =	ssyncadd.s32 $0xFFFFD800  }
0x54: {  	[tilespmem:s22], [sflag:$0x3] =	stream.indirect.gather [hbm4b:s4+s18], $0x50, s12, s18, $0xb8;
	[tilespmem:$0x17580] =	vst v63  }
0x55: {  	_ =	swait.ge [sflag:s11], $0x2800  }
0x56: {  	[sflag:s11] =	ssyncset.done $0x0  }
0x57: {  	s16 =	simm.s32 $0x580;
	[sflag:s11] =	ssyncadd.s32 $0xFFFFD800  }
0x58: {  	[spmem:s2] =	stream.indirect.scatter.add.bf16 [tilespmem:s26], [sflag:$0x8], $0x50, s16, s18, $0xb8;
	[tilespmem:$0x17580] =	vst v63  }
0x59: {  	_ =	swait.ge [sflag:s13], $0x2800  }
0x5a: {  	[sflag:s13] =	ssyncset.done $0x0  }
0x5b: {  	s21 =	simm.s32 $0x380;
	[sflag:s13] =	ssyncadd.s32 $0xFFFFD800  }
0x5c: {  	[tilespmem:s26], [sflag:$0x4] =	stream.indirect.gather [hbm4b:s4+s18], $0x50, s21, s18, $0xb8;
	[tilespmem:$0x17580] =	vst v63  }
0x5d: {  	_ =	swait.ge [sflag:s28], $0x2800  }
0x5e: {  	[sflag:s28] =	ssyncset.done $0x0  }
0x5f: {  	s5 =	simm.s32 $0x600;
	[sflag:s28] =	ssyncadd.s32 $0xFFFFD800  }
0x60: {  	[spmem:s2] =	stream.indirect.scatter.add.bf16 [tilespmem:s19], [sflag:$0x5], $0x50, s5, s18, $0xb8;
	[tilespmem:$0x17580] =	vst v63  }
0x61: {  	_ =	swait.ge [sflag:s29], $0x2800  }
0x62: {  	[sflag:s29] =	ssyncset.done $0x0  }
0x63: {  	[sflag:s29] =	ssyncadd.s32 $0xFFFFD800  }
0x64: {  	_ =	swait.ge [sflag:s7], $0x400  }
0x65: {  	[sflag:s7] =	ssyncset.done $0x0  }
0x66: {  	[sflag:s7] =	ssyncadd.s32 $0xFFFFFC00  }
0x67: {  	_ =	swait.ge [sflag:s7], $0x400  }
0x68: {  	[sflag:s7] =	ssyncset.done $0x0  }
0x69: {  	[sflag:s7] =	ssyncadd.s32 $0xFFFFFC00  }
0x6a: {  	[tilespmem:s19], [sflag:$0x1] =	stream.indirect.gather [hbm4b:s4+s18], $0x50, s23, s18, $0xb8;
	[tilespmem:$0x17580] =	vst v63  }
0x6b: {  	_ =	swait.ge [sflag:s31], $0x2800  }
0x6c: {  	[sflag:s31] =	ssyncset.done $0x0  }
0x6d: {  	s8 =	simm.s32 $0x680;
	[sflag:s31] =	ssyncadd.s32 $0xFFFFD800  }
0x6e: {  	[spmem:s2] =	stream.indirect.scatter.add.bf16 [tilespmem:s20], [sflag:$0x6], $0x50, s8, s18, $0xb8;
	[tilespmem:$0x17580] =	vst v63  }
0x6f: {  	_ =	swait.ge [sflag:s1], $0x2800  }
0x70: {  	[sflag:s1] =	ssyncset.done $0x0  }
0x71: {  	s10 =	simm.s32 $0x880;
	[sflag:s1] =	ssyncadd.s32 $0xFFFFD800  }
0x72: {  	[tilespmem:s20], [sflag:$0x2] =	stream.indirect.gather [hbm4b:s4+s18], $0x50, s10, s18, $0xb8;
	[tilespmem:$0x17580] =	vst v63  }
0x73: {  	_ =	swait.ge [sflag:s6], $0x2800  }
0x74: {  	[sflag:s6] =	ssyncset.done $0x0  }
0x75: {  	s12 =	simm.s32 $0x700;
	[sflag:s6] =	ssyncadd.s32 $0xFFFFD800  }
0x76: {  	[spmem:s2] =	stream.indirect.scatter.add.bf16 [tilespmem:s22], [sflag:$0x7], $0x50, s12, s18, $0xb8;
	[tilespmem:$0x17580] =	vst v63  }
0x77: {  	_ =	swait.ge [sflag:s9], $0x2800  }
0x78: {  	[sflag:s9] =	ssyncset.done $0x0  }
0x79: {  	s16 =	simm.s32 $0x900;
	[sflag:s9] =	ssyncadd.s32 $0xFFFFD800  }
0x7a: {  	[tilespmem:s22], [sflag:$0x3] =	stream.indirect.gather [hbm4b:s4+s18], $0x50, s16, s18, $0xb8;
	[tilespmem:$0x17580] =	vst v63  }
0x7b: {  	_ =	swait.ge [sflag:s11], $0x2800  }
0x7c: {  	[sflag:s11] =	ssyncset.done $0x0  }
0x7d: {  	s21 =	simm.s32 $0x780;
	[sflag:s11] =	ssyncadd.s32 $0xFFFFD800  }
0x7e: {  	[spmem:s2] =	stream.indirect.scatter.add.bf16 [tilespmem:s26], [sflag:$0x8], $0x50, s21, s18, $0xb8;
	[tilespmem:$0x17580] =	vst v63  }
0x7f: {  	_ =	swait.ge [sflag:s13], $0x2800  }
0x80: {  	[sflag:s13] =	ssyncset.done $0x0  }
0x81: {  	s5 =	rddreg [dreg:$0xf];
	[sflag:s13] =	ssyncadd.s32 $0xFFFFD800  }
0x82: {  	[tilespmem:s3], [sflag:$0x9] =	stream.linear.gather [hbm4b:s5+s3], $0x400, $0x38;
	[tilespmem:$0x17580] =	vst v63  }
0x83: {  	s8 =	rddreg [dreg:$0x10]  }
0x84: {  	[tilespmem:s17], [sflag:$0x9] =	stream.linear.gather [hbm4b:s8+s3], $0x400, $0x38;
	[tilespmem:$0x17580] =	vst v63  }
0x85: {  	s0 =	simm.s32 $0x980  }
0x86: {  	[tilespmem:s26], [sflag:$0x4] =	stream.indirect.gather [hbm4b:s4+s18], $0x50, s0, s18, $0xb8;
	[tilespmem:$0x17580] =	vst v63  }
0x87: {  	_ =	swait.ge [sflag:s28], $0x2800  }
0x88: {  	[sflag:s28] =	ssyncset.done $0x0  }
0x89: {  	[sflag:s28] =	ssyncadd.s32 $0xFFFFD800  }
0x8a: {  	[spmem:s2] =	stream.indirect.scatter.add.bf16 [tilespmem:s19], [sflag:$0x5], $0x50, s24, s18, $0xb8;
	[tilespmem:$0x17580] =	vst v63  }
0x8b: {  	_ =	swait.ge [sflag:s29], $0x2800  }
0x8c: {  	[sflag:s29] =	ssyncset.done $0x0  }
0x8d: {  	s5 =	simm.s32 $0xA00;
	[sflag:s29] =	ssyncadd.s32 $0xFFFFD800  }
0x8e: {  	[tilespmem:s19], [sflag:$0x1] =	stream.indirect.gather [hbm4b:s4+s18], $0x50, s5, s18, $0xb8;
	[tilespmem:$0x17580] =	vst v63  }
0x8f: {  	_ =	swait.ge [sflag:s31], $0x2800  }
0x90: {  	[sflag:s31] =	ssyncset.done $0x0  }
0x91: {  	s8 =	simm.s32 $0xC80;
	[sflag:s31] =	ssyncadd.s32 $0xFFFFD800  }
0x92: {  	[spmem:s2] =	stream.indirect.scatter.add.bf16 [tilespmem:s20], [sflag:$0x6], $0x50, s8, s18, $0xb8;
	[tilespmem:$0x17580] =	vst v63  }
0x93: {  	_ =	swait.ge [sflag:s1], $0x2800  }
0x94: {  	[sflag:s1] =	ssyncset.done $0x0  }
0x95: {  	s16 =	simm.s32 $0xA80;
	[sflag:s1] =	ssyncadd.s32 $0xFFFFD800  }
0x96: {  	[tilespmem:s20], [sflag:$0x2] =	stream.indirect.gather [hbm4b:s4+s18], $0x50, s16, s18, $0xb8;
	[tilespmem:$0x17580] =	vst v63  }
0x97: {  	_ =	swait.ge [sflag:s6], $0x2800  }
0x98: {  	[sflag:s6] =	ssyncset.done $0x0  }
0x99: {  	s21 =	simm.s32 $0xD00;
	[sflag:s6] =	ssyncadd.s32 $0xFFFFD800  }
0x9a: {  	[spmem:s2] =	stream.indirect.scatter.add.bf16 [tilespmem:s22], [sflag:$0x7], $0x50, s21, s18, $0xb8;
	[tilespmem:$0x17580] =	vst v63  }
0x9b: {  	_ =	swait.ge [sflag:s9], $0x2800  }
0x9c: {  	[sflag:s9] =	ssyncset.done $0x0  }
0x9d: {  	s12 =	simm.s32 $0xB00;
	[sflag:s9] =	ssyncadd.s32 $0xFFFFD800  }
0x9e: {  	[tilespmem:s22], [sflag:$0x3] =	stream.indirect.gather [hbm4b:s4+s18], $0x50, s12, s18, $0xb8;
	[tilespmem:$0x17580] =	vst v63  }
0x9f: {  	_ =	swait.ge [sflag:s11], $0x2800  }
0xa0: {  	[sflag:s11] =	ssyncset.done $0x0  }
0xa1: {  	s12 =	simm.s32 $0xD80;
	[sflag:s11] =	ssyncadd.s32 $0xFFFFD800  }
0xa2: {  	[spmem:s2] =	stream.indirect.scatter.add.bf16 [tilespmem:s26], [sflag:$0x8], $0x50, s12, s18, $0xb8;
	[tilespmem:$0x17580] =	vst v63  }
0xa3: {  	_ =	swait.ge [sflag:s13], $0x2800  }
0xa4: {  	[sflag:s13] =	ssyncset.done $0x0  }
0xa5: {  	s12 =	simm.s32 $0xB80;
	[sflag:s13] =	ssyncadd.s32 $0xFFFFD800  }
0xa6: {  	[tilespmem:s26], [sflag:$0x4] =	stream.indirect.gather [hbm4b:s4+s18], $0x50, s12, s18, $0xb8;
	[tilespmem:$0x17580] =	vst v63  }
0xa7: {  	_ =	swait.ge [sflag:s28], $0x2800  }
0xa8: {  	[sflag:s28] =	ssyncset.done $0x0  }
0xa9: {  	s12 =	simm.s32 $0xE00;
	[sflag:s28] =	ssyncadd.s32 $0xFFFFD800  }
0xaa: {  	[spmem:s2] =	stream.indirect.scatter.add.bf16 [tilespmem:s19], [sflag:$0x5], $0x50, s12, s18, $0xb8;
	[tilespmem:$0x17580] =	vst v63  }
0xab: {  	_ =	swait.ge [sflag:s29], $0x2800  }
0xac: {  	[sflag:s29] =	ssyncset.done $0x0  }
0xad: {  	[sflag:s29] =	ssyncadd.s32 $0xFFFFD800  }
0xae: {  	_ =	swait.ge [sflag:s30], $0x400  }
0xaf: {  	[sflag:s30] =	ssyncset.done $0x0  }
0xb0: {  	[sflag:s30] =	ssyncadd.s32 $0xFFFFFC00  }
0xb1: {  	_ =	swait.ge [sflag:s30], $0x400  }
0xb2: {  	[sflag:s30] =	ssyncset.done $0x0  }
0xb3: {  	[sflag:s30] =	ssyncadd.s32 $0xFFFFFC00  }
0xb4: {  	[tilespmem:s19], [sflag:$0x1] =	stream.indirect.gather [hbm4b:s4+s18], $0x50, s3, s18, $0xb8;
	[tilespmem:$0x17580] =	vst v63  }
0xb5: {  	_ =	swait.ge [sflag:s31], $0x2800  }
0xb6: {  	[sflag:s31] =	ssyncset.done $0x0  }
0xb7: {  	s12 =	simm.s32 $0xE80;
	[sflag:s31] =	ssyncadd.s32 $0xFFFFD800  }
0xb8: {  	[spmem:s2] =	stream.indirect.scatter.add.bf16 [tilespmem:s20], [sflag:$0x6], $0x50, s12, s18, $0xb8;
	[tilespmem:$0x17580] =	vst v63  }
0xb9: {  	_ =	swait.ge [sflag:s1], $0x2800  }
0xba: {  	[sflag:s1] =	ssyncset.done $0x0  }
0xbb: {  	[sflag:s1] =	ssyncadd.s32 $0xFFFFD800  }
0xbc: {  	[tilespmem:s20], [sflag:$0x2] =	stream.indirect.gather [hbm4b:s4+s18], $0x50, s18, s18, $0xb8;
	[tilespmem:$0x17580] =	vst v63  }
0xbd: {  	_ =	swait.ge [sflag:s6], $0x2800  }
0xbe: {  	[sflag:s6] =	ssyncset.done $0x0  }
0xbf: {  	s12 =	simm.s32 $0xF00;
	[sflag:s6] =	ssyncadd.s32 $0xFFFFD800  }
0xc0: {  	[spmem:s2] =	stream.indirect.scatter.add.bf16 [tilespmem:s22], [sflag:$0x7], $0x50, s12, s18, $0xb8;
	[tilespmem:$0x17580] =	vst v63  }
0xc1: {  	_ =	swait.ge [sflag:s9], $0x2800  }
0xc2: {  	[sflag:s9] =	ssyncset.done $0x0  }
0xc3: {  	[sflag:s9] =	ssyncadd.s32 $0xFFFFD800  }
0xc4: {  	[tilespmem:s22], [sflag:$0x3] =	stream.indirect.gather [hbm4b:s4+s18], $0x50, s15, s18, $0xb8;
	[tilespmem:$0x17580] =	vst v63  }
0xc5: {  	_ =	swait.ge [sflag:s11], $0x2800  }
0xc6: {  	[sflag:s11] =	ssyncset.done $0x0  }
0xc7: {  	s12 =	simm.s32 $0xF80;
	[sflag:s11] =	ssyncadd.s32 $0xFFFFD800  }
0xc8: {  	[spmem:s2] =	stream.indirect.scatter.add.bf16 [tilespmem:s26], [sflag:$0x8], $0x50, s12, s18, $0xb8;
	[tilespmem:$0x17580] =	vst v63  }
0xc9: {  	_ =	swait.ge [sflag:s13], $0x2800  }
0xca: {  	s10 =	rddreg [dreg:$0x6];
	[sflag:s13] =	ssyncset.done $0x0  }
0xcb: {  	s12 =	rddreg [dreg:$0x7];
	[sflag:s13] =	ssyncadd.s32 $0xFFFFD800;
	s10 =	sadd.s32 $0x0, s10  }
0xcc: {  	[tilespmem:s23], [sflag:$0xA] =	stream.linear.gather [hbm4b:s10+s3], $0x400, $0x38;
	[tilespmem:$0x17580] =	vst v63  }
0xcd: {  	s12 =	sadd.s32 $0x0, s12  }
0xce: {  	[tilespmem:s24], [sflag:$0xA] =	stream.linear.gather [hbm4b:s12+s3], $0x400, $0x38;
	[tilespmem:$0x17580] =	vst v63  }
0xcf: {  	_ = 	snop  }
0xd0: {  	[tilespmem:s26], [sflag:$0x4] =	stream.indirect.gather [hbm4b:s4+s18], $0x50, s14, s18, $0xb8;
	[tilespmem:$0x17580] =	vst v63  }
0xd1: {  	_ =	swait.ge [sflag:s28], $0x2800  }
0xd2: {  	[sflag:s28] =	ssyncset.done $0x0  }
0xd3: {  	[sflag:s28] =	ssyncadd.s32 $0xFFFFD800  }
0xd4: {  	[spmem:s2] =	stream.indirect.scatter.add.bf16 [tilespmem:s19], [sflag:$0x5], $0x50, s17, s18, $0xb8;
	[tilespmem:$0x17580] =	vst v63  }
0xd5: {  	_ =	swait.ge [sflag:s29], $0x2800  }
0xd6: {  	[sflag:s29] =	ssyncset.done $0x0  }
0xd7: {  	[sflag:s29] =	ssyncadd.s32 $0xFFFFD800  }
0xd8: {  	[tilespmem:s19], [sflag:$0x1] =	stream.indirect.gather [hbm4b:s4+s18], $0x50, s25, s18, $0xb8;
	[tilespmem:$0x17580] =	vst v63  }
0xd9: {  	_ =	swait.ge [sflag:s31], $0x2800  }
0xda: {  	[sflag:s31] =	ssyncset.done $0x0  }
0xdb: {  	s12 =	simm.s32 $0x480;
	[sflag:s31] =	ssyncadd.s32 $0xFFFFD800  }
0xdc: {  	[spmem:s2] =	stream.indirect.scatter.add.bf16 [tilespmem:s20], [sflag:$0x6], $0x50, s12, s18, $0xb8;
	[tilespmem:$0x17580] =	vst v63  }
0xdd: {  	_ =	swait.ge [sflag:s1], $0x2800  }
0xde: {  	[sflag:s1] =	ssyncset.done $0x0  }
0xdf: {  	s14 =	simm.s32 $0x280;
	[sflag:s1] =	ssyncadd.s32 $0xFFFFD800  }
0xe0: {  	[tilespmem:s20], [sflag:$0x2] =	stream.indirect.gather [hbm4b:s4+s18], $0x50, s14, s18, $0xb8;
	[tilespmem:$0x17580] =	vst v63  }
0xe1: {  	_ =	swait.ge [sflag:s6], $0x2800  }
0xe2: {  	[sflag:s6] =	ssyncset.done $0x0  }
0xe3: {  	s25 =	simm.s32 $0x500;
	[sflag:s6] =	ssyncadd.s32 $0xFFFFD800  }
0xe4: {  	[spmem:s2] =	stream.indirect.scatter.add.bf16 [tilespmem:s22], [sflag:$0x7], $0x50, s25, s18, $0xb8;
	[tilespmem:$0x17580] =	vst v63  }
0xe5: {  	_ =	swait.ge [sflag:s9], $0x2800  }
0xe6: {  	[sflag:s9] =	ssyncset.done $0x0  }
0xe7: {  	s12 =	simm.s32 $0x300;
	[sflag:s9] =	ssyncadd.s32 $0xFFFFD800  }
0xe8: {  	[tilespmem:s22], [sflag:$0x3] =	stream.indirect.gather [hbm4b:s4+s18], $0x50, s12, s18, $0xb8;
	[tilespmem:$0x17580] =	vst v63  }
0xe9: {  	_ =	swait.ge [sflag:s11], $0x2800  }
0xea: {  	[sflag:s11] =	ssyncset.done $0x0  }
0xeb: {  	s14 =	simm.s32 $0x580;
	[sflag:s11] =	ssyncadd.s32 $0xFFFFD800  }
0xec: {  	[spmem:s2] =	stream.indirect.scatter.add.bf16 [tilespmem:s26], [sflag:$0x8], $0x50, s14, s18, $0xb8;
	[tilespmem:$0x17580] =	vst v63  }
0xed: {  	_ =	swait.ge [sflag:s13], $0x2800  }
0xee: {  	[sflag:s13] =	ssyncset.done $0x0  }
0xef: {  	s25 =	simm.s32 $0x380;
	[sflag:s13] =	ssyncadd.s32 $0xFFFFD800  }
0xf0: {  	[tilespmem:s26], [sflag:$0x4] =	stream.indirect.gather [hbm4b:s4+s18], $0x50, s25, s18, $0xb8;
	[tilespmem:$0x17580] =	vst v63  }
0xf1: {  	_ =	swait.ge [sflag:s28], $0x2800  }
0xf2: {  	[sflag:s28] =	ssyncset.done $0x0  }
0xf3: {  	s12 =	simm.s32 $0x600;
	[sflag:s28] =	ssyncadd.s32 $0xFFFFD800  }
0xf4: {  	[spmem:s2] =	stream.indirect.scatter.add.bf16 [tilespmem:s19], [sflag:$0x5], $0x50, s12, s18, $0xb8;
	[tilespmem:$0x17580] =	vst v63  }
0xf5: {  	_ =	swait.ge [sflag:s29], $0x2800  }
0xf6: {  	[sflag:s29] =	ssyncset.done $0x0  }
0xf7: {  	[sflag:s29] =	ssyncadd.s32 $0xFFFFD800  }
0xf8: {  	_ =	swait.ge [sflag:s7], $0x400  }
0xf9: {  	[sflag:s7] =	ssyncset.done $0x0  }
0xfa: {  	[sflag:s7] =	ssyncadd.s32 $0xFFFFFC00  }
0xfb: {  	_ =	swait.ge [sflag:s7], $0x400  }
0xfc: {  	[sflag:s7] =	ssyncset.done $0x0  }
0xfd: {  	[sflag:s7] =	ssyncadd.s32 $0xFFFFFC00  }
0xfe: {  	[tilespmem:s19], [sflag:$0x1] =	stream.indirect.gather [hbm4b:s4+s18], $0x50, s23, s18, $0xb8;
	[tilespmem:$0x17580] =	vst v63  }
0xff: {  	_ =	swait.ge [sflag:s31], $0x2800  }
0x100: {  	[sflag:s31] =	ssyncset.done $0x0  }
0x101: {  	s14 =	simm.s32 $0x680;
	[sflag:s31] =	ssyncadd.s32 $0xFFFFD800  }
0x102: {  	[spmem:s2] =	stream.indirect.scatter.add.bf16 [tilespmem:s20], [sflag:$0x6], $0x50, s14, s18, $0xb8;
	[tilespmem:$0x17580] =	vst v63  }
0x103: {  	_ =	swait.ge [sflag:s1], $0x2800  }
0x104: {  	[sflag:s1] =	ssyncset.done $0x0  }
0x105: {  	s25 =	simm.s32 $0x880;
	[sflag:s1] =	ssyncadd.s32 $0xFFFFD800  }
0x106: {  	[tilespmem:s20], [sflag:$0x2] =	stream.indirect.gather [hbm4b:s4+s18], $0x50, s25, s18, $0xb8;
	[tilespmem:$0x17580] =	vst v63  }
0x107: {  	_ =	swait.ge [sflag:s6], $0x2800  }
0x108: {  	[sflag:s6] =	ssyncset.done $0x0  }
0x109: {  	s12 =	simm.s32 $0x700;
	[sflag:s6] =	ssyncadd.s32 $0xFFFFD800  }
0x10a: {  	[spmem:s2] =	stream.indirect.scatter.add.bf16 [tilespmem:s22], [sflag:$0x7], $0x50, s12, s18, $0xb8;
	[tilespmem:$0x17580] =	vst v63  }
0x10b: {  	_ =	swait.ge [sflag:s9], $0x2800  }
0x10c: {  	[sflag:s9] =	ssyncset.done $0x0  }
0x10d: {  	s14 =	simm.s32 $0x900;
	[sflag:s9] =	ssyncadd.s32 $0xFFFFD800  }
0x10e: {  	[tilespmem:s22], [sflag:$0x3] =	stream.indirect.gather [hbm4b:s4+s18], $0x50, s14, s18, $0xb8;
	[tilespmem:$0x17580] =	vst v63  }
0x10f: {  	_ =	swait.ge [sflag:s11], $0x2800  }
0x110: {  	[sflag:s11] =	ssyncset.done $0x0  }
0x111: {  	s25 =	simm.s32 $0x780;
	[sflag:s11] =	ssyncadd.s32 $0xFFFFD800  }
0x112: {  	[spmem:s2] =	stream.indirect.scatter.add.bf16 [tilespmem:s26], [sflag:$0x8], $0x50, s25, s18, $0xb8;
	[tilespmem:$0x17580] =	vst v63  }
0x113: {  	_ =	swait.ge [sflag:s13], $0x2800  }
0x114: {  	s12 =	rddreg [dreg:$0x4];
	[sflag:s13] =	ssyncset.done $0x0  }
0x115: {  	s14 =	rddreg [dreg:$0x5];
	[sflag:s13] =	ssyncadd.s32 $0xFFFFD800;
	s10 =	sadd.s32 $0x0, s12  }
0x116: {  	[tilespmem:s3], [sflag:$0x9] =	stream.linear.gather [hbm4b:s10+s3], $0x400, $0x38;
	[tilespmem:$0x17580] =	vst v63  }
0x117: {  	s25 =	sadd.s32 $0x0, s14  }
0x118: {  	[tilespmem:s17], [sflag:$0x9] =	stream.linear.gather [hbm4b:s25+s3], $0x400, $0x38;
	[tilespmem:$0x17580] =	vst v63  }
0x119: {  	_ = 	snop  }
0x11a: {  	[tilespmem:s26], [sflag:$0x4] =	stream.indirect.gather [hbm4b:s4+s18], $0x50, s0, s18, $0xb8;
	[tilespmem:$0x17580] =	vst v63  }
0x11b: {  	_ =	swait.ge [sflag:s28], $0x2800  }
0x11c: {  	[sflag:s28] =	ssyncset.done $0x0  }
0x11d: {  	[sflag:s28] =	ssyncadd.s32 $0xFFFFD800  }
0x11e: {  	[spmem:s2] =	stream.indirect.scatter.add.bf16 [tilespmem:s19], [sflag:$0x5], $0x50, s24, s18, $0xb8;
	[tilespmem:$0x17580] =	vst v63  }
0x11f: {  	_ =	swait.ge [sflag:s29], $0x2800  }
0x120: {  	[sflag:s29] =	ssyncset.done $0x0  }
0x121: {  	[sflag:s29] =	ssyncadd.s32 $0xFFFFD800  }
0x122: {  	[tilespmem:s19], [sflag:$0x1] =	stream.indirect.gather [hbm4b:s4+s18], $0x50, s5, s18, $0xb8;
	[tilespmem:$0x17580] =	vst v63  }
0x123: {  	_ =	swait.ge [sflag:s31], $0x2800  }
0x124: {  	[sflag:s31] =	ssyncset.done $0x0  }
0x125: {  	[sflag:s31] =	ssyncadd.s32 $0xFFFFD800  }
0x126: {  	[spmem:s2] =	stream.indirect.scatter.add.bf16 [tilespmem:s20], [sflag:$0x6], $0x50, s8, s18, $0xb8;
	[tilespmem:$0x17580] =	vst v63  }
0x127: {  	_ =	swait.ge [sflag:s1], $0x2800  }
0x128: {  	[sflag:s1] =	ssyncset.done $0x0  }
0x129: {  	[sflag:s1] =	ssyncadd.s32 $0xFFFFD800  }
0x12a: {  	[tilespmem:s20], [sflag:$0x2] =	stream.indirect.gather [hbm4b:s4+s18], $0x50, s16, s18, $0xb8;
	[tilespmem:$0x17580] =	vst v63  }
0x12b: {  	_ =	swait.ge [sflag:s6], $0x2800  }
0x12c: {  	[sflag:s6] =	ssyncset.done $0x0  }
0x12d: {  	[sflag:s6] =	ssyncadd.s32 $0xFFFFD800  }
0x12e: {  	[spmem:s2] =	stream.indirect.scatter.add.bf16 [tilespmem:s22], [sflag:$0x7], $0x50, s21, s18, $0xb8;
	[tilespmem:$0x17580] =	vst v63  }
0x12f: {  	_ =	swait.ge [sflag:s9], $0x2800  }
0x130: {  	[sflag:s9] =	ssyncset.done $0x0  }
0x131: {  	s12 =	simm.s32 $0xB00;
	[sflag:s9] =	ssyncadd.s32 $0xFFFFD800  }
0x132: {  	[tilespmem:s22], [sflag:$0x3] =	stream.indirect.gather [hbm4b:s4+s18], $0x50, s12, s18, $0xb8;
	[tilespmem:$0x17580] =	vst v63  }
0x133: {  	_ =	swait.ge [sflag:s11], $0x2800  }
0x134: {  	[sflag:s11] =	ssyncset.done $0x0  }
0x135: {  	s14 =	simm.s32 $0xD80;
	[sflag:s11] =	ssyncadd.s32 $0xFFFFD800  }
0x136: {  	[spmem:s2] =	stream.indirect.scatter.add.bf16 [tilespmem:s26], [sflag:$0x8], $0x50, s14, s18, $0xb8;
	[tilespmem:$0x17580] =	vst v63  }
0x137: {  	_ =	swait.ge [sflag:s13], $0x2800  }
0x138: {  	[sflag:s13] =	ssyncset.done $0x0  }
0x139: {  	s16 =	simm.s32 $0xB80;
	[sflag:s13] =	ssyncadd.s32 $0xFFFFD800  }
0x13a: {  	[tilespmem:s26], [sflag:$0x4] =	stream.indirect.gather [hbm4b:s4+s18], $0x50, s16, s18, $0xb8;
	[tilespmem:$0x17580] =	vst v63  }
0x13b: {  	_ =	swait.ge [sflag:s28], $0x2800  }
0x13c: {  	[sflag:s28] =	ssyncset.done $0x0  }
0x13d: {  	s21 =	simm.s32 $0xE00;
	[sflag:s28] =	ssyncadd.s32 $0xFFFFD800  }
0x13e: {  	[spmem:s2] =	stream.indirect.scatter.add.bf16 [tilespmem:s19], [sflag:$0x5], $0x50, s21, s18, $0xb8;
	[tilespmem:$0x17580] =	vst v63  }
0x13f: {  	_ =	swait.ge [sflag:s29], $0x2800  }
0x140: {  	[sflag:s29] =	ssyncset.done $0x0  }
0x141: {  	[sflag:s29] =	ssyncadd.s32 $0xFFFFD800  }
0x142: {  	_ =	swait.ge [sflag:s30], $0x400  }
0x143: {  	[sflag:s30] =	ssyncset.done $0x0  }
0x144: {  	[sflag:s30] =	ssyncadd.s32 $0xFFFFFC00  }
0x145: {  	_ =	swait.ge [sflag:s30], $0x400  }
0x146: {  	[sflag:s30] =	ssyncset.done $0x0  }
0x147: {  	[sflag:s30] =	ssyncadd.s32 $0xFFFFFC00  }
0x148: {  	[tilespmem:s19], [sflag:$0x1] =	stream.indirect.gather [hbm4b:s4+s18], $0x50, s3, s18, $0xb8;
	[tilespmem:$0x17580] =	vst v63  }
0x149: {  	_ =	swait.ge [sflag:s31], $0x2800  }
0x14a: {  	[sflag:s31] =	ssyncset.done $0x0  }
0x14b: {  	s12 =	simm.s32 $0xE80;
	[sflag:s31] =	ssyncadd.s32 $0xFFFFD800  }
0x14c: {  	[spmem:s2] =	stream.indirect.scatter.add.bf16 [tilespmem:s20], [sflag:$0x6], $0x50, s12, s18, $0xb8;
	[tilespmem:$0x17580] =	vst v63  }
0x14d: {  	_ =	swait.ge [sflag:s1], $0x2800  }
0x14e: {  	[sflag:s1] =	ssyncset.done $0x0  }
0x14f: {  	[sflag:s1] =	ssyncadd.s32 $0xFFFFD800  }
0x150: {  	[tilespmem:s20], [sflag:$0x2] =	stream.indirect.gather [hbm4b:s4+s18], $0x50, s18, s18, $0xb8;
	[tilespmem:$0x17580] =	vst v63  }
0x151: {  	_ =	swait.ge [sflag:s6], $0x2800  }
0x152: {  	[sflag:s6] =	ssyncset.done $0x0  }
0x153: {  	s14 =	simm.s32 $0xF00;
	[sflag:s6] =	ssyncadd.s32 $0xFFFFD800  }
0x154: {  	[spmem:s2] =	stream.indirect.scatter.add.bf16 [tilespmem:s22], [sflag:$0x7], $0x50, s14, s18, $0xb8;
	[tilespmem:$0x17580] =	vst v63  }
0x155: {  	_ =	swait.ge [sflag:s9], $0x2800  }
0x156: {  	[sflag:s9] =	ssyncset.done $0x0  }
0x157: {  	s10 =	simm.s32 $0x100;
	[sflag:s9] =	ssyncadd.s32 $0xFFFFD800  }
0x158: {  	[tilespmem:s22], [sflag:$0x3] =	stream.indirect.gather [hbm4b:s4+s18], $0x50, s15, s18, $0xb8;
	[tilespmem:$0x17580] =	vst v63  }
0x159: {  	s25 =	simm.s32 $0xB00;
	s0 =	simm.s32 $0xD80;
	_ =	swait.ge [sflag:s11], $0x2800  }
0x15a: {  	s5 =	simm.s32 $0xB80;
	s8 =	simm.s32 $0xE00;
	[sflag:s11] =	ssyncset.done $0x0  }
0x15b: {  	s16 =	simm.s32 $0xE80;
	s21 =	simm.s32 $0xF00;
	[sflag:s11] =	ssyncadd.s32 $0xFFFFD800  }
.LBB2_2:
0x15c: {  	s12 =	simm.s32 $0xF80  }
0x15d: {  	[spmem:s2] =	stream.indirect.scatter.add.bf16 [tilespmem:s26], [sflag:$0x8], $0x50, s12, s18, $0xb8;
	[tilespmem:$0x17580] =	vst v63  }
0x15e: {  	_ =	swait.ge [sflag:s13], $0x2800  }
0x15f: {  	s12 =	smov.u32 s10;
	s14 =	rddreg [dreg:$0x6];
	[sflag:s13] =	ssyncset.done $0x0  }
0x160: {  	s15 =	rddreg [dreg:$0x7];
	[sflag:s13] =	ssyncadd.s32 $0xFFFFD800;
	s14 =	sadd.s32 s12, s14  }
0x161: {  	[tilespmem:s23], [sflag:$0xA] =	stream.linear.gather [hbm4b:s14+s3], $0x400, $0x38;
	[tilespmem:$0x17580] =	vst v63  }
0x162: {  	s15 =	sadd.s32 s12, s15  }
0x163: {  	[tilespmem:s24], [sflag:$0xA] =	stream.linear.gather [hbm4b:s15+s3], $0x400, $0x38;
	[tilespmem:$0x17580] =	vst v63  }
0x164: {  	s15 =	simm.s32 $0x180  }
0x165: {  	[tilespmem:s26], [sflag:$0x4] =	stream.indirect.gather [hbm4b:s4+s18], $0x50, s15, s18, $0xb8;
	[tilespmem:$0x17580] =	vst v63  }
0x166: {  	_ =	swait.ge [sflag:s28], $0x2800  }
0x167: {  	[sflag:s28] =	ssyncset.done $0x0  }
0x168: {  	[sflag:s28] =	ssyncadd.s32 $0xFFFFD800  }
0x169: {  	[spmem:s2] =	stream.indirect.scatter.add.bf16 [tilespmem:s19], [sflag:$0x5], $0x50, s17, s18, $0xb8;
	[tilespmem:$0x17580] =	vst v63  }
0x16a: {  	_ =	swait.ge [sflag:s29], $0x2800  }
0x16b: {  	[sflag:s29] =	ssyncset.done $0x0  }
0x16c: {  	s15 =	simm.s32 $0x200;
	[sflag:s29] =	ssyncadd.s32 $0xFFFFD800  }
0x16d: {  	[tilespmem:s19], [sflag:$0x1] =	stream.indirect.gather [hbm4b:s4+s18], $0x50, s15, s18, $0xb8;
	[tilespmem:$0x17580] =	vst v63  }
0x16e: {  	_ =	swait.ge [sflag:s31], $0x2800  }
0x16f: {  	[sflag:s31] =	ssyncset.done $0x0  }
0x170: {  	s15 =	simm.s32 $0x480;
	[sflag:s31] =	ssyncadd.s32 $0xFFFFD800  }
0x171: {  	[spmem:s2] =	stream.indirect.scatter.add.bf16 [tilespmem:s20], [sflag:$0x6], $0x50, s15, s18, $0xb8;
	[tilespmem:$0x17580] =	vst v63  }
0x172: {  	_ =	swait.ge [sflag:s1], $0x2800  }
0x173: {  	[sflag:s1] =	ssyncset.done $0x0  }
0x174: {  	s15 =	simm.s32 $0x280;
	[sflag:s1] =	ssyncadd.s32 $0xFFFFD800  }
0x175: {  	[tilespmem:s20], [sflag:$0x2] =	stream.indirect.gather [hbm4b:s4+s18], $0x50, s15, s18, $0xb8;
	[tilespmem:$0x17580] =	vst v63  }
0x176: {  	_ =	swait.ge [sflag:s6], $0x2800  }
0x177: {  	[sflag:s6] =	ssyncset.done $0x0  }
0x178: {  	s15 =	simm.s32 $0x500;
	[sflag:s6] =	ssyncadd.s32 $0xFFFFD800  }
0x179: {  	[spmem:s2] =	stream.indirect.scatter.add.bf16 [tilespmem:s22], [sflag:$0x7], $0x50, s15, s18, $0xb8;
	[tilespmem:$0x17580] =	vst v63  }
0x17a: {  	_ =	swait.ge [sflag:s9], $0x2800  }
0x17b: {  	[sflag:s9] =	ssyncset.done $0x0  }
0x17c: {  	s15 =	simm.s32 $0x300;
	[sflag:s9] =	ssyncadd.s32 $0xFFFFD800  }
0x17d: {  	[tilespmem:s22], [sflag:$0x3] =	stream.indirect.gather [hbm4b:s4+s18], $0x50, s15, s18, $0xb8;
	[tilespmem:$0x17580] =	vst v63  }
0x17e: {  	_ =	swait.ge [sflag:s11], $0x2800  }
0x17f: {  	[sflag:s11] =	ssyncset.done $0x0  }
0x180: {  	s15 =	simm.s32 $0x580;
	[sflag:s11] =	ssyncadd.s32 $0xFFFFD800  }
0x181: {  	[spmem:s2] =	stream.indirect.scatter.add.bf16 [tilespmem:s26], [sflag:$0x8], $0x50, s15, s18, $0xb8;
	[tilespmem:$0x17580] =	vst v63  }
0x182: {  	_ =	swait.ge [sflag:s13], $0x2800  }
0x183: {  	[sflag:s13] =	ssyncset.done $0x0  }
0x184: {  	s15 =	simm.s32 $0x380;
	[sflag:s13] =	ssyncadd.s32 $0xFFFFD800  }
0x185: {  	[tilespmem:s26], [sflag:$0x4] =	stream.indirect.gather [hbm4b:s4+s18], $0x50, s15, s18, $0xb8;
	[tilespmem:$0x17580] =	vst v63  }
0x186: {  	_ =	swait.ge [sflag:s28], $0x2800  }
0x187: {  	[sflag:s28] =	ssyncset.done $0x0  }
0x188: {  	s15 =	simm.s32 $0x600;
	[sflag:s28] =	ssyncadd.s32 $0xFFFFD800  }
0x189: {  	[spmem:s2] =	stream.indirect.scatter.add.bf16 [tilespmem:s19], [sflag:$0x5], $0x50, s15, s18, $0xb8;
	[tilespmem:$0x17580] =	vst v63  }
0x18a: {  	_ =	swait.ge [sflag:s29], $0x2800  }
0x18b: {  	[sflag:s29] =	ssyncset.done $0x0  }
0x18c: {  	[sflag:s29] =	ssyncadd.s32 $0xFFFFD800  }
0x18d: {  	_ =	swait.ge [sflag:s7], $0x400  }
0x18e: {  	[sflag:s7] =	ssyncset.done $0x0  }
0x18f: {  	[sflag:s7] =	ssyncadd.s32 $0xFFFFFC00  }
0x190: {  	_ =	swait.ge [sflag:s7], $0x400  }
0x191: {  	[sflag:s7] =	ssyncset.done $0x0  }
0x192: {  	[sflag:s7] =	ssyncadd.s32 $0xFFFFFC00  }
0x193: {  	[tilespmem:s19], [sflag:$0x1] =	stream.indirect.gather [hbm4b:s4+s18], $0x50, s23, s18, $0xb8;
	[tilespmem:$0x17580] =	vst v63  }
0x194: {  	_ =	swait.ge [sflag:s31], $0x2800  }
0x195: {  	[sflag:s31] =	ssyncset.done $0x0  }
0x196: {  	s15 =	simm.s32 $0x680;
	[sflag:s31] =	ssyncadd.s32 $0xFFFFD800  }
0x197: {  	[spmem:s2] =	stream.indirect.scatter.add.bf16 [tilespmem:s20], [sflag:$0x6], $0x50, s15, s18, $0xb8;
	[tilespmem:$0x17580] =	vst v63  }
0x198: {  	_ =	swait.ge [sflag:s1], $0x2800  }
0x199: {  	[sflag:s1] =	ssyncset.done $0x0  }
0x19a: {  	s15 =	simm.s32 $0x880;
	[sflag:s1] =	ssyncadd.s32 $0xFFFFD800  }
0x19b: {  	[tilespmem:s20], [sflag:$0x2] =	stream.indirect.gather [hbm4b:s4+s18], $0x50, s15, s18, $0xb8;
	[tilespmem:$0x17580] =	vst v63  }
0x19c: {  	_ =	swait.ge [sflag:s6], $0x2800  }
0x19d: {  	[sflag:s6] =	ssyncset.done $0x0  }
0x19e: {  	s15 =	simm.s32 $0x700;
	[sflag:s6] =	ssyncadd.s32 $0xFFFFD800  }
0x19f: {  	[spmem:s2] =	stream.indirect.scatter.add.bf16 [tilespmem:s22], [sflag:$0x7], $0x50, s15, s18, $0xb8;
	[tilespmem:$0x17580] =	vst v63  }
0x1a0: {  	_ =	swait.ge [sflag:s9], $0x2800  }
0x1a1: {  	[sflag:s9] =	ssyncset.done $0x0  }
0x1a2: {  	s15 =	simm.s32 $0x900;
	[sflag:s9] =	ssyncadd.s32 $0xFFFFD800  }
0x1a3: {  	[tilespmem:s22], [sflag:$0x3] =	stream.indirect.gather [hbm4b:s4+s18], $0x50, s15, s18, $0xb8;
	[tilespmem:$0x17580] =	vst v63  }
0x1a4: {  	_ =	swait.ge [sflag:s11], $0x2800  }
0x1a5: {  	[sflag:s11] =	ssyncset.done $0x0  }
0x1a6: {  	s15 =	simm.s32 $0x780;
	[sflag:s11] =	ssyncadd.s32 $0xFFFFD800  }
0x1a7: {  	[spmem:s2] =	stream.indirect.scatter.add.bf16 [tilespmem:s26], [sflag:$0x8], $0x50, s15, s18, $0xb8;
	[tilespmem:$0x17580] =	vst v63  }
0x1a8: {  	_ =	swait.ge [sflag:s13], $0x2800  }
0x1a9: {  	s14 =	rddreg [dreg:$0x4];
	[sflag:s13] =	ssyncset.done $0x0  }
0x1aa: {  	s15 =	rddreg [dreg:$0x5];
	[sflag:s13] =	ssyncadd.s32 $0xFFFFD800;
	s14 =	sadd.s32 s12, s14  }
0x1ab: {  	[tilespmem:s3], [sflag:$0x9] =	stream.linear.gather [hbm4b:s14+s3], $0x400, $0x38;
	[tilespmem:$0x17580] =	vst v63  }
0x1ac: {  	s12 =	sadd.s32 s12, s15  }
0x1ad: {  	[tilespmem:s17], [sflag:$0x9] =	stream.linear.gather [hbm4b:s12+s3], $0x400, $0x38;
	[tilespmem:$0x17580] =	vst v63  }
0x1ae: {  	s14 =	simm.s32 $0x980  }
0x1af: {  	[tilespmem:s26], [sflag:$0x4] =	stream.indirect.gather [hbm4b:s4+s18], $0x50, s14, s18, $0xb8;
	[tilespmem:$0x17580] =	vst v63  }
0x1b0: {  	_ =	swait.ge [sflag:s28], $0x2800  }
0x1b1: {  	[sflag:s28] =	ssyncset.done $0x0  }
0x1b2: {  	[sflag:s28] =	ssyncadd.s32 $0xFFFFD800  }
0x1b3: {  	[spmem:s2] =	stream.indirect.scatter.add.bf16 [tilespmem:s19], [sflag:$0x5], $0x50, s24, s18, $0xb8;
	[tilespmem:$0x17580] =	vst v63  }
0x1b4: {  	_ =	swait.ge [sflag:s29], $0x2800  }
0x1b5: {  	[sflag:s29] =	ssyncset.done $0x0  }
0x1b6: {  	s14 =	simm.s32 $0xA00;
	[sflag:s29] =	ssyncadd.s32 $0xFFFFD800  }
0x1b7: {  	[tilespmem:s19], [sflag:$0x1] =	stream.indirect.gather [hbm4b:s4+s18], $0x50, s14, s18, $0xb8;
	[tilespmem:$0x17580] =	vst v63  }
0x1b8: {  	_ =	swait.ge [sflag:s31], $0x2800  }
0x1b9: {  	[sflag:s31] =	ssyncset.done $0x0  }
0x1ba: {  	s14 =	simm.s32 $0xC80;
	[sflag:s31] =	ssyncadd.s32 $0xFFFFD800  }
0x1bb: {  	[spmem:s2] =	stream.indirect.scatter.add.bf16 [tilespmem:s20], [sflag:$0x6], $0x50, s14, s18, $0xb8;
	[tilespmem:$0x17580] =	vst v63  }
0x1bc: {  	_ =	swait.ge [sflag:s1], $0x2800  }
0x1bd: {  	[sflag:s1] =	ssyncset.done $0x0  }
0x1be: {  	s14 =	simm.s32 $0xA80;
	[sflag:s1] =	ssyncadd.s32 $0xFFFFD800  }
0x1bf: {  	[tilespmem:s20], [sflag:$0x2] =	stream.indirect.gather [hbm4b:s4+s18], $0x50, s14, s18, $0xb8;
	[tilespmem:$0x17580] =	vst v63  }
0x1c0: {  	_ =	swait.ge [sflag:s6], $0x2800  }
0x1c1: {  	[sflag:s6] =	ssyncset.done $0x0  }
0x1c2: {  	s14 =	simm.s32 $0xD00;
	[sflag:s6] =	ssyncadd.s32 $0xFFFFD800  }
0x1c3: {  	[spmem:s2] =	stream.indirect.scatter.add.bf16 [tilespmem:s22], [sflag:$0x7], $0x50, s14, s18, $0xb8;
	[tilespmem:$0x17580] =	vst v63  }
0x1c4: {  	_ =	swait.ge [sflag:s9], $0x2800  }
0x1c5: {  	[sflag:s9] =	ssyncset.done $0x0  }
0x1c6: {  	[sflag:s9] =	ssyncadd.s32 $0xFFFFD800  }
0x1c7: {  	[tilespmem:s22], [sflag:$0x3] =	stream.indirect.gather [hbm4b:s4+s18], $0x50, s25, s18, $0xb8;
	[tilespmem:$0x17580] =	vst v63  }
0x1c8: {  	_ =	swait.ge [sflag:s11], $0x2800  }
0x1c9: {  	[sflag:s11] =	ssyncset.done $0x0  }
0x1ca: {  	[sflag:s11] =	ssyncadd.s32 $0xFFFFD800  }
0x1cb: {  	[spmem:s2] =	stream.indirect.scatter.add.bf16 [tilespmem:s26], [sflag:$0x8], $0x50, s0, s18, $0xb8;
	[tilespmem:$0x17580] =	vst v63  }
0x1cc: {  	_ =	swait.ge [sflag:s13], $0x2800  }
0x1cd: {  	[sflag:s13] =	ssyncset.done $0x0  }
0x1ce: {  	[sflag:s13] =	ssyncadd.s32 $0xFFFFD800  }
0x1cf: {  	[tilespmem:s26], [sflag:$0x4] =	stream.indirect.gather [hbm4b:s4+s18], $0x50, s5, s18, $0xb8;
	[tilespmem:$0x17580] =	vst v63  }
0x1d0: {  	_ =	swait.ge [sflag:s28], $0x2800  }
0x1d1: {  	[sflag:s28] =	ssyncset.done $0x0  }
0x1d2: {  	[sflag:s28] =	ssyncadd.s32 $0xFFFFD800  }
0x1d3: {  	[spmem:s2] =	stream.indirect.scatter.add.bf16 [tilespmem:s19], [sflag:$0x5], $0x50, s8, s18, $0xb8;
	[tilespmem:$0x17580] =	vst v63  }
0x1d4: {  	_ =	swait.ge [sflag:s29], $0x2800  }
0x1d5: {  	[sflag:s29] =	ssyncset.done $0x0  }
0x1d6: {  	[sflag:s29] =	ssyncadd.s32 $0xFFFFD800  }
0x1d7: {  	_ =	swait.ge [sflag:s30], $0x400  }
0x1d8: {  	[sflag:s30] =	ssyncset.done $0x0  }
0x1d9: {  	[sflag:s30] =	ssyncadd.s32 $0xFFFFFC00  }
0x1da: {  	_ =	swait.ge [sflag:s30], $0x400  }
0x1db: {  	[sflag:s30] =	ssyncset.done $0x0  }
0x1dc: {  	[sflag:s30] =	ssyncadd.s32 $0xFFFFFC00  }
0x1dd: {  	[tilespmem:s19], [sflag:$0x1] =	stream.indirect.gather [hbm4b:s4+s18], $0x50, s3, s18, $0xb8;
	[tilespmem:$0x17580] =	vst v63  }
0x1de: {  	_ =	swait.ge [sflag:s31], $0x2800  }
0x1df: {  	[sflag:s31] =	ssyncset.done $0x0  }
0x1e0: {  	[sflag:s31] =	ssyncadd.s32 $0xFFFFD800  }
0x1e1: {  	[spmem:s2] =	stream.indirect.scatter.add.bf16 [tilespmem:s20], [sflag:$0x6], $0x50, s16, s18, $0xb8;
	[tilespmem:$0x17580] =	vst v63  }
0x1e2: {  	_ =	swait.ge [sflag:s1], $0x2800  }
0x1e3: {  	[sflag:s1] =	ssyncset.done $0x0  }
0x1e4: {  	[sflag:s1] =	ssyncadd.s32 $0xFFFFD800  }
0x1e5: {  	[tilespmem:s20], [sflag:$0x2] =	stream.indirect.gather [hbm4b:s4+s18], $0x50, s18, s18, $0xb8;
	[tilespmem:$0x17580] =	vst v63  }
0x1e6: {  	_ =	swait.ge [sflag:s6], $0x2800  }
0x1e7: {  	[sflag:s6] =	ssyncset.done $0x0  }
0x1e8: {  	[sflag:s6] =	ssyncadd.s32 $0xFFFFD800  }
0x1e9: {  	[spmem:s2] =	stream.indirect.scatter.add.bf16 [tilespmem:s22], [sflag:$0x7], $0x50, s21, s18, $0xb8;
	[tilespmem:$0x17580] =	vst v63  }
0x1ea: {  	_ =	swait.ge [sflag:s9], $0x2800  }
0x1eb: {  	p0 =	sne.s32 s10, $0x300;
	[sflag:s9] =	ssyncset.done $0x0  }
.Ltmp0:
0x1ec: {  	s15 =	simm.s32 $0x100;
	[sflag:s9] =	ssyncadd.s32 $0xFFFFD800;
	(pc) =	sbr.rel @p0 .LBB2_2-.Ltmp0, $4  }
0x1ed: {  	[tilespmem:s22], [sflag:$0x3] =	stream.indirect.gather [hbm4b:s4+s18], $0x50, s15, s18, $0xb8;
	[tilespmem:$0x17580] =	vst v63  }
0x1ee: {  	_ =	swait.ge [sflag:s11], $0x2800  }
0x1ef: {  	[sflag:s11] =	ssyncset.done $0x0  }
0x1f0: {  	s10 =	sadd.s32 $0x100, s10;
	[sflag:s11] =	ssyncadd.s32 $0xFFFFD800  }
0x1f1: {  	s0 =	simm.s32 $0xF80  }
0x1f2: {  	[spmem:s2] =	stream.indirect.scatter.add.bf16 [tilespmem:s26], [sflag:$0x8], $0x50, s0, s18, $0xb8;
	[tilespmem:$0x17580] =	vst v63  }
0x1f3: {  	_ =	swait.ge [sflag:s28], $0x2800  }
0x1f4: {  	[sflag:s28] =	ssyncset.done $0x0  }
0x1f5: {  	[sflag:s28] =	ssyncadd.s32 $0xFFFFD800  }
0x1f6: {  	_ =	swait.ge [sflag:s31], $0x2800  }
0x1f7: {  	[sflag:s31] =	ssyncset.done $0x0  }
0x1f8: {  	[sflag:s31] =	ssyncadd.s32 $0xFFFFD800  }
0x1f9: {  	_ =	swait.ge [sflag:s6], $0x2800  }
0x1fa: {  	[sflag:s6] =	ssyncset.done $0x0  }
0x1fb: {  	[sflag:s6] =	ssyncadd.s32 $0xFFFFD800  }
0x1fc: {  	_ =	swait.ge [sflag:s13], $0x2800  }
0x1fd: {  	[sflag:s13] =	ssyncset.done $0x0  }
0x1fe: {  	[sflag:s13] =	ssyncadd.s32 $0xFFFFD800  }
0x1ff: {  	[bflag:$0x0] =	sbarrier.arrive $0xFFFF  }
0x200: {  	s14 =	rddreg [dreg:$0xa]  }
0x201: {  	s10 =	rddreg [dreg:$0x11]  }
0x202: {  	s12 =	simm.s32 $0xB;
	s16 =	rddreg [dreg:$0x14]  }
0x203: {  	[hbm:s10], [sflag:s14] =	dma.local [spmem:s16], $0x18B0  }
0x204: {  	_ =	swait.ge [sflag:s12], $0x18B0  }
0x205: {  	s21 =	rddreg [dreg:$0x13]  }
0x206: {  	s25 =	rddreg [dreg:$0x12];
	s0 =	sadd.s32 $0x1, s21  }
0x207: {  	p0 =	sne.s32 s0, s25  }
.Ltmp1:
0x208: {  	_ = 	snop;
	(pc) =	sbr.rel @p0 .LBB2_1-.Ltmp1, $3  }
0x209: {  	_ =	sdelay $0x1  }
0x20a: {  	[sflag:s12] =	ssyncset.done $0x0  }
0x20b: {  	[sflag:s12] =	ssyncadd.s32 $0xFFFFE750  }
0x20c: {  	_ =	sfence.sel $0x180000  }
0x20d: {  	[bflag:$0x0] =	sbarrier.arrive $0xFFFF  }
0x20e: {  	_ =	strace $0x90000047  }
0x20f: {  	s0 =	stileid.u32;
	[bflag:$0x2] =	sbarrier.arrive $0xFFFF  }
0x210: {  	p0 =	sne.s32 s0, $0x0;
	s0 =	rddreg [dreg:$0x3]  }
0x211: {  	s0 =	sadd.s32 @!p0 $0x100000, s0  }
0x212: {  	[sflag:s0] =	ssyncadd.tile.s32 @!p0 $0x1;
	_ =	shalt  }
.Lfunc_end2:
_tile_overlayer_lowered:
.L_overlay_start_2:
0x213: {  	(tag) =	ssettag $0x2  }
0x214: {  	s0 =	rddreg [dreg:$0x0];
	s2 =	stileid.u32  }
0x215: {  	s1 =	rddreg [dreg:$0x1];
	p0 =	sne.s32 s2, $0x0  }
0x216: {  	s3 =	rddreg [dreg:$0x2];
	[bflag:$0x3] =	sbarrier.arrive $0xFFFF;
	s2 =	simm.s32 @!p0 $0x1C0B  }
0x217: {  	[timem:s3], [sflag:s2] =	dma.local @!p0 [hbm:s0], s1  }
0x218: {  	s0 =	simm.s32 @!p0 $0xB  }
0x219: {  	_ =	swait.ge @!p0 [sflag:s0], s1  }
0x21a: {  	s1 =	ssub.s32 @!p0 $0x0, s1;
	[sflag:s0] =	ssyncset.done @!p0 $0x0  }
0x21b: {  	[sflag:s0] =	ssyncadd.s32 @!p0 s1  }
0x21c: {  	[bflag:$0x3] =	sbarrier.arrive $0xFFFF  }
0x21d: {  	_ =	shalt  }

</sc_bundles>
